<compile_context>
chip_gen: v7x
topology: tpu7x:2x2x1
jax: 0.10.2.dev20260603
libtpu: 0.0.44.dev20260713+nightly
codegen_flags: <defaults>
</compile_context>

<pallas_src>
import functools

import jax
import jax.numpy as jnp
from jax import lax
from jax.experimental import pallas as pl
from jax.experimental.pallas import tpu as pltpu
from jax.experimental.pallas import tpu_sc as plsc

VOCAB = 100000
EMBED = 300
HIDDEN = 10
NUM_CLASS = 10
SEQ = 50
BATCH = 4096

DPAD = 16
LBLK = 8192

NC = 2
NS = 16
NW = NC * NS
BPW = BATCH // NW


def _fold_body(embT_ref, w1_ref, w2p_ref, out_ref):
    h = lax.dot_general(embT_ref[...], w1_ref[...], (((0,), (1,)), ((), ())),
                        preferred_element_type=jnp.float32)
    p = lax.dot_general(h, w2p_ref[...], (((1,), (1,)), ((), ())),
                        preferred_element_type=jnp.float32)
    out_ref[...] = p * (1.0 / SEQ)


def _fold_table(embT, w1, w2p):
    grid = (VOCAB + LBLK - 1) // LBLK
    return pl.pallas_call(
        _fold_body,
        grid=(grid,),
        in_specs=[
            pl.BlockSpec((EMBED, LBLK), lambda i: (0, i)),
            pl.BlockSpec((HIDDEN, EMBED), lambda i: (0, 0)),
            pl.BlockSpec((DPAD, HIDDEN), lambda i: (0, 0)),
        ],
        out_specs=pl.BlockSpec((LBLK, DPAD), lambda i: (i, 0)),
        out_shape=jax.ShapeDtypeStruct((VOCAB, DPAD), jnp.float32),
    )(embT, w1, w2p)


_sc_mesh = plsc.VectorSubcoreMesh(core_axis_name="c", subcore_axis_name="s")


SCH = 10
NCHUNK = SEQ // SCH


@functools.partial(
    pl.kernel,
    out_type=jax.ShapeDtypeStruct((BATCH, DPAD), jnp.float32),
    mesh=_sc_mesh,
    compiler_params=pltpu.CompilerParams(use_tc_tiling_on_sc=False),
    scratch_types=[
        pltpu.VMEM((SEQ, BPW), jnp.int32),
        pltpu.VMEM((2, SCH, BPW, DPAD), jnp.float32),
        pltpu.VMEM((BPW, DPAD), jnp.float32),
        pltpu.VMEM((DPAD,), jnp.float32),
        pltpu.SemaphoreType.DMA,
        pltpu.SemaphoreType.DMA,
    ],
)
def _pool_kernel(tab_hbm, x_hbm, bias_hbm, out_hbm,
                 idx_v, rows_v, res_v, bias_v, sem0, sem1):
    wid = lax.axis_index("s") * NC + lax.axis_index("c")
    base = wid * BPW
    pltpu.sync_copy(x_hbm.at[:, pl.ds(base, BPW)], idx_v)
    pltpu.sync_copy(bias_hbm, bias_v)
    sems = (sem0, sem1)

    def fire(chunk):
        buf = chunk % 2
        for j in range(SCH):
            s = chunk * SCH + j
            pltpu.async_copy(tab_hbm.at[idx_v.at[s]], rows_v.at[buf, j],
                             sems[buf])

    def drain(chunk):
        buf = chunk % 2
        for j in range(SCH):
            s = chunk * SCH + j
            pltpu.make_async_copy(tab_hbm.at[idx_v.at[s]], rows_v.at[buf, j],
                                  sems[buf]).wait()

    bias = bias_v[...]

    def reduce_chunk(chunk, init):
        buf = chunk % 2

        def reduce_b(b, c):
            p0 = rows_v[buf, 0, b]
            p1 = rows_v[buf, 1, b]
            for j in range(2, SCH, 2):
                p0 = p0 + rows_v[buf, j, b]
                p1 = p1 + rows_v[buf, j + 1, b]
            if init:
                res_v[b] = (p0 + p1) + bias
            else:
                res_v[b] = (p0 + p1) + res_v[b]
            return c

        lax.fori_loop(0, BPW, reduce_b, 0)

    fire(0)
    for chunk in range(NCHUNK):
        if chunk + 1 < NCHUNK:
            fire(chunk + 1)
        drain(chunk)
        reduce_chunk(chunk, init=(chunk == 0))
    pltpu.sync_copy(res_v, out_hbm.at[pl.ds(base, BPW)])


def kernel(x, emb, W1, b1, W2, b2):
    x = x.astype(jnp.int32)
    w2p = jnp.pad(W2, ((0, DPAD - NUM_CLASS), (0, 0)))
    bias = jnp.pad(W2 @ b1 + b2, (0, DPAD - NUM_CLASS))
    tab = _fold_table(emb.T, W1, w2p)
    return _pool_kernel(tab, x, bias)[:, :NUM_CLASS]

# --- scband reference (transcript-rebuilt; emitter-appended) ---
"""Pipeline reference for scband-fast-text-29008209117810 (READ-ONLY COPY).

The authoritative reference and input builder live on the scoring server;
editing this copy changes nothing except your own understanding.
"""

import jax, jax.numpy as jnp
import numpy as np

VOCAB = 100000
EMBED = 300
HIDDEN = 10
NUM_CLASS = 10
SEQ = 50
BATCH = 4096

def setup_inputs(seed: int = 0) -> dict:
    key = jax.random.key(seed)
    k1, k2, k3, k4, k5, k6 = jax.random.split(key, 6)
    x = jax.random.randint(k1, (SEQ, BATCH), 0, VOCAB, dtype=jnp.int64 if jax.config.jax_enable_x64 else jnp.int32)
    emb = jax.random.normal(k2, (VOCAB, EMBED), dtype=jnp.float32)
    W1 = jax.random.normal(k3, (HIDDEN, EMBED), dtype=jnp.float32) * (1.0 / np.sqrt(EMBED))
    b1 = jax.random.normal(k4, (HIDDEN,), dtype=jnp.float32) * 0.01
    W2 = jax.random.normal(k5, (NUM_CLASS, HIDDEN), dtype=jnp.float32) * (1.0 / np.sqrt(HIDDEN))
    b2 = jax.random.normal(k6, (NUM_CLASS,), dtype=jnp.float32) * 0.01
    return {"x": x, "emb": emb, "W1": W1, "b1": b1, "W2": W2, "b2": b2}

def reference(x, emb, W1, b1, W2, b2):
    # embeddings(x): [SEQ, BATCH, EMBED]
    e = jnp.take(emb, x, axis=0)
    # permute(1,0,2): [BATCH, SEQ, EMBED]
    e = jnp.transpose(e, (1, 0, 2))
    # mean over sequence dim, then fc1
    h = jnp.mean(e, axis=1) @ W1.T + b1
    # dropout is identity in eval mode
    out = h @ W2.T + b2
    return out

if __name__ == "__main__":
    import jax
    _d = setup_inputs()
    print(jax.jit(kernel)(*tuple(_d.values())))

</pallas_src>

<mosaic_0001>
#map = affine_map<(d0, d1) -> (0, 0)>
#map1 = affine_map<(d0, d1) -> (0)>
module attributes {stable_mosaic.version = 14 : i64} {
  func.func @_pool_kernel(%arg0: i32, %arg1: i32, %arg2: memref<100000x16xf32, #tpu.memory_space<hbm>>, %arg3: memref<50x4096xi32, #tpu.memory_space<hbm>>, %arg4: memref<16xf32, #tpu.memory_space<hbm>>, %arg5: memref<4096x16xf32, #tpu.memory_space<hbm>>, %arg6: memref<50x128xi32, #tpu.memory_space<vmem>>, %arg7: memref<2x10x128x16xf32, #tpu.memory_space<vmem>>, %arg8: memref<128x16xf32, #tpu.memory_space<vmem>>, %arg9: memref<16xf32, #tpu.memory_space<vmem>>, %arg10: memref<!tpu.dma_semaphore, #tpu.memory_space<semaphore_mem>>, %arg11: memref<!tpu.dma_semaphore, #tpu.memory_space<semaphore_mem>>) attributes {dimension_semantics = [#tpu.dimension_semantics<core_parallel>, #tpu.dimension_semantics<subcore_parallel>], iteration_bounds = array<i64: 2, 16>, scalar_prefetch = 0 : i64, scratch_operands = 6 : i64, tpu.core_type = #tpu.core_type<sc_vector_subcore>, window_params = [{transform_indices = #map}, {transform_indices = #map}, {transform_indices = #map1}, {transform_indices = #map}]} {
    %mul3A = arith.constant 2 : i32
    %mul3A_0 = arith.muli %arg1, %mul3A : i32
    %add3A = arith.addi %mul3A_0, %arg0 : i32
    %mul3A_1 = arith.constant 128 : i32
    %mul3A_2 = arith.muli %add3A, %mul3A_1 : i32
    "tpu.region"() ({
      %run_scoped3A = tpu.sem_alloc : memref<!tpu.dma_semaphore, #tpu.memory_space<semaphore_mem>>
      %dma_start3A_1332 = arith.constant 0 : i32
      %dma_start3A_1333 = tpu.memref_slice %arg3[%dma_start3A_1332, %mul3A_2] : memref<50x4096xi32, #tpu.memory_space<hbm>> -> memref<50x128xi32, #tpu.memory_space<hbm>>
      %dma_start3A_1334 = arith.constant 0 : i32
      %dma_start3A_1335 = tpu.memref_slice %arg3[%dma_start3A_1334, %mul3A_2] : memref<50x4096xi32, #tpu.memory_space<hbm>> -> memref<50x128xi32, #tpu.memory_space<hbm>>
      tpu.enqueue_dma source(%dma_start3A_1335 : memref<50x128xi32, #tpu.memory_space<hbm>>) target(%arg6 : memref<50x128xi32, #tpu.memory_space<vmem>>) target_semaphore(%run_scoped3A : memref<!tpu.dma_semaphore, #tpu.memory_space<semaphore_mem>>)
      %dma_wait3A_1336 = arith.constant 0 : i32
      %dma_wait3A_1337 = tpu.memref_slice %arg3[%dma_wait3A_1336, %mul3A_2] : memref<50x4096xi32, #tpu.memory_space<hbm>> -> memref<50x128xi32, #tpu.memory_space<hbm>>
      %dma_wait3A_1338 = arith.constant 0 : i32
      %dma_wait3A_1339 = tpu.memref_slice %arg3[%dma_wait3A_1338, %mul3A_2] : memref<50x4096xi32, #tpu.memory_space<hbm>> -> memref<50x128xi32, #tpu.memory_space<hbm>>
      tpu.wait_dma2 semaphore(%run_scoped3A : memref<!tpu.dma_semaphore, #tpu.memory_space<semaphore_mem>>) src(%dma_wait3A_1339 : memref<50x128xi32, #tpu.memory_space<hbm>>) dst(%arg6 : memref<50x128xi32, #tpu.memory_space<vmem>>)
      tpu.yield
    }) : () -> ()
    "tpu.region"() ({
      %run_scoped3A = tpu.sem_alloc : memref<!tpu.dma_semaphore, #tpu.memory_space<semaphore_mem>>
      tpu.enqueue_dma source(%arg4 : memref<16xf32, #tpu.memory_space<hbm>>) target(%arg9 : memref<16xf32, #tpu.memory_space<vmem>>) target_semaphore(%run_scoped3A : memref<!tpu.dma_semaphore, #tpu.memory_space<semaphore_mem>>)
      tpu.wait_dma2 semaphore(%run_scoped3A : memref<!tpu.dma_semaphore, #tpu.memory_space<semaphore_mem>>) src(%arg4 : memref<16xf32, #tpu.memory_space<hbm>>) dst(%arg9 : memref<16xf32, #tpu.memory_space<vmem>>)
      tpu.yield
    }) : () -> ()
    %get3A = arith.constant 0 : index
    %get3A_3 = tpu.vector_load %arg9[%get3A] {strides = array<i32>} : memref<16xf32, #tpu.memory_space<vmem>>, vector<16xf32>,
    %get3A_4 = vector.shape_cast %get3A_3 : vector<16xf32> to vector<16xf32>
    %dma_start3A = arith.constant 0 : i32
    %dma_start3A_5 = arith.constant 0 : i32
    %dma_start3A_6 = arith.constant 0 : i32
    %dma_start3A_7 = arith.constant 0 : i32
    %dma_start3A_8 = arith.constant 0 : i32
    %dma_start3A_9 = tpu.memref_slice %arg7[%dma_start3A_5, %dma_start3A_6, %dma_start3A_7, %dma_start3A_8] : memref<2x10x128x16xf32, #tpu.memory_space<vmem>> -> memref<1x1x128x16xf32, #tpu.memory_space<vmem>>
    %dma_start3A_10 = tpu.memref_squeeze %dma_start3A_9 : memref<1x1x128x16xf32, #tpu.memory_space<vmem>> -> memref<128x16xf32, #tpu.memory_space<vmem>>
    %dma_start3A_11 = arith.constant 0 : i32
    %dma_start3A_12 = tpu.memref_slice %arg6[%dma_start3A, %dma_start3A_11] : memref<50x128xi32, #tpu.memory_space<vmem>> -> memref<1x128xi32, #tpu.memory_space<vmem>>
    %dma_start3A_13 = tpu.memref_squeeze %dma_start3A_12 : memref<1x128xi32, #tpu.memory_space<vmem>> -> memref<128xi32, #tpu.memory_space<vmem>>
    %dma_start3A_14 = arith.constant 0 : i32
    %dma_start3A_15 = arith.constant 0 : i32
    %dma_start3A_16 = tpu.memref_slice %arg2[%dma_start3A_14, %dma_start3A_15] : memref<100000x16xf32, #tpu.memory_space<hbm>> -> memref<100000x16xf32, #tpu.memory_space<hbm>>
    tpu.enqueue_indirect_dma source(%dma_start3A_16 : memref<100000x16xf32, #tpu.memory_space<hbm>>) target(%dma_start3A_10 : memref<128x16xf32, #tpu.memory_space<vmem>>) offsets(%dma_start3A_13 : memref<128xi32, #tpu.memory_space<vmem>>) semaphore(%arg10 : memref<!tpu.dma_semaphore, #tpu.memory_space<semaphore_mem>>)
    %dma_start3A_17 = arith.constant 1 : i32
    %dma_start3A_18 = arith.constant 0 : i32
    %dma_start3A_19 = arith.constant 1 : i32
    %dma_start3A_20 = arith.constant 0 : i32
    %dma_start3A_21 = arith.constant 0 : i32
    %dma_start3A_22 = tpu.memref_slice %arg7[%dma_start3A_18, %dma_start3A_19, %dma_start3A_20, %dma_start3A_21] : memref<2x10x128x16xf32, #tpu.memory_space<vmem>> -> memref<1x1x128x16xf32, #tpu.memory_space<vmem>>
    %dma_start3A_23 = tpu.memref_squeeze %dma_start3A_22 : memref<1x1x128x16xf32, #tpu.memory_space<vmem>> -> memref<128x16xf32, #tpu.memory_space<vmem>>
    %dma_start3A_24 = arith.constant 0 : i32
    %dma_start3A_25 = tpu.memref_slice %arg6[%dma_start3A_17, %dma_start3A_24] : memref<50x128xi32, #tpu.memory_space<vmem>> -> memref<1x128xi32, #tpu.memory_space<vmem>>
    %dma_start3A_26 = tpu.memref_squeeze %dma_start3A_25 : memref<1x128xi32, #tpu.memory_space<vmem>> -> memref<128xi32, #tpu.memory_space<vmem>>
    %dma_start3A_27 = arith.constant 0 : i32
    %dma_start3A_28 = arith.constant 0 : i32
    %dma_start3A_29 = tpu.memref_slice %arg2[%dma_start3A_27, %dma_start3A_28] : memref<100000x16xf32, #tpu.memory_space<hbm>> -> memref<100000x16xf32, #tpu.memory_space<hbm>>
    tpu.enqueue_indirect_dma source(%dma_start3A_29 : memref<100000x16xf32, #tpu.memory_space<hbm>>) target(%dma_start3A_23 : memref<128x16xf32, #tpu.memory_space<vmem>>) offsets(%dma_start3A_26 : memref<128xi32, #tpu.memory_space<vmem>>) semaphore(%arg10 : memref<!tpu.dma_semaphore, #tpu.memory_space<semaphore_mem>>)
    %dma_start3A_30 = arith.constant 2 : i32
    %dma_start3A_31 = arith.constant 0 : i32
    %dma_start3A_32 = arith.constant 2 : i32
    %dma_start3A_33 = arith.constant 0 : i32
    %dma_start3A_34 = arith.constant 0 : i32
    %dma_start3A_35 = tpu.memref_slice %arg7[%dma_start3A_31, %dma_start3A_32, %dma_start3A_33, %dma_start3A_34] : memref<2x10x128x16xf32, #tpu.memory_space<vmem>> -> memref<1x1x128x16xf32, #tpu.memory_space<vmem>>
    %dma_start3A_36 = tpu.memref_squeeze %dma_start3A_35 : memref<1x1x128x16xf32, #tpu.memory_space<vmem>> -> memref<128x16xf32, #tpu.memory_space<vmem>>
    %dma_start3A_37 = arith.constant 0 : i32
    %dma_start3A_38 = tpu.memref_slice %arg6[%dma_start3A_30, %dma_start3A_37] : memref<50x128xi32, #tpu.memory_space<vmem>> -> memref<1x128xi32, #tpu.memory_space<vmem>>
    %dma_start3A_39 = tpu.memref_squeeze %dma_start3A_38 : memref<1x128xi32, #tpu.memory_space<vmem>> -> memref<128xi32, #tpu.memory_space<vmem>>
    %dma_start3A_40 = arith.constant 0 : i32
    %dma_start3A_41 = arith.constant 0 : i32
    %dma_start3A_42 = tpu.memref_slice %arg2[%dma_start3A_40, %dma_start3A_41] : memref<100000x16xf32, #tpu.memory_space<hbm>> -> memref<100000x16xf32, #tpu.memory_space<hbm>>
    tpu.enqueue_indirect_dma source(%dma_start3A_42 : memref<100000x16xf32, #tpu.memory_space<hbm>>) target(%dma_start3A_36 : memref<128x16xf32, #tpu.memory_space<vmem>>) offsets(%dma_start3A_39 : memref<128xi32, #tpu.memory_space<vmem>>) semaphore(%arg10 : memref<!tpu.dma_semaphore, #tpu.memory_space<semaphore_mem>>)
    %dma_start3A_43 = arith.constant 3 : i32
    %dma_start3A_44 = arith.constant 0 : i32
    %dma_start3A_45 = arith.constant 3 : i32
    %dma_start3A_46 = arith.constant 0 : i32
    %dma_start3A_47 = arith.constant 0 : i32
    %dma_start3A_48 = tpu.memref_slice %arg7[%dma_start3A_44, %dma_start3A_45, %dma_start3A_46, %dma_start3A_47] : memref<2x10x128x16xf32, #tpu.memory_space<vmem>> -> memref<1x1x128x16xf32, #tpu.memory_space<vmem>>
    %dma_start3A_49 = tpu.memref_squeeze %dma_start3A_48 : memref<1x1x128x16xf32, #tpu.memory_space<vmem>> -> memref<128x16xf32, #tpu.memory_space<vmem>>
    %dma_start3A_50 = arith.constant 0 : i32
    %dma_start3A_51 = tpu.memref_slice %arg6[%dma_start3A_43, %dma_start3A_50] : memref<50x128xi32, #tpu.memory_space<vmem>> -> memref<1x128xi32, #tpu.memory_space<vmem>>
    %dma_start3A_52 = tpu.memref_squeeze %dma_start3A_51 : memref<1x128xi32, #tpu.memory_space<vmem>> -> memref<128xi32, #tpu.memory_space<vmem>>
    %dma_start3A_53 = arith.constant 0 : i32
    %dma_start3A_54 = arith.constant 0 : i32
    %dma_start3A_55 = tpu.memref_slice %arg2[%dma_start3A_53, %dma_start3A_54] : memref<100000x16xf32, #tpu.memory_space<hbm>> -> memref<100000x16xf32, #tpu.memory_space<hbm>>
    tpu.enqueue_indirect_dma source(%dma_start3A_55 : memref<100000x16xf32, #tpu.memory_space<hbm>>) target(%dma_start3A_49 : memref<128x16xf32, #tpu.memory_space<vmem>>) offsets(%dma_start3A_52 : memref<128xi32, #tpu.memory_space<vmem>>) semaphore(%arg10 : memref<!tpu.dma_semaphore, #tpu.memory_space<semaphore_mem>>)
    %dma_start3A_56 = arith.constant 4 : i32
    %dma_start3A_57 = arith.constant 0 : i32
    %dma_start3A_58 = arith.constant 4 : i32
    %dma_start3A_59 = arith.constant 0 : i32
    %dma_start3A_60 = arith.constant 0 : i32
    %dma_start3A_61 = tpu.memref_slice %arg7[%dma_start3A_57, %dma_start3A_58, %dma_start3A_59, %dma_start3A_60] : memref<2x10x128x16xf32, #tpu.memory_space<vmem>> -> memref<1x1x128x16xf32, #tpu.memory_space<vmem>>
    %dma_start3A_62 = tpu.memref_squeeze %dma_start3A_61 : memref<1x1x128x16xf32, #tpu.memory_space<vmem>> -> memref<128x16xf32, #tpu.memory_space<vmem>>
    %dma_start3A_63 = arith.constant 0 : i32
    %dma_start3A_64 = tpu.memref_slice %arg6[%dma_start3A_56, %dma_start3A_63] : memref<50x128xi32, #tpu.memory_space<vmem>> -> memref<1x128xi32, #tpu.memory_space<vmem>>
    %dma_start3A_65 = tpu.memref_squeeze %dma_start3A_64 : memref<1x128xi32, #tpu.memory_space<vmem>> -> memref<128xi32, #tpu.memory_space<vmem>>
    %dma_start3A_66 = arith.constant 0 : i32
    %dma_start3A_67 = arith.constant 0 : i32
    %dma_start3A_68 = tpu.memref_slice %arg2[%dma_start3A_66, %dma_start3A_67] : memref<100000x16xf32, #tpu.memory_space<hbm>> -> memref<100000x16xf32, #tpu.memory_space<hbm>>
    tpu.enqueue_indirect_dma source(%dma_start3A_68 : memref<100000x16xf32, #tpu.memory_space<hbm>>) target(%dma_start3A_62 : memref<128x16xf32, #tpu.memory_space<vmem>>) offsets(%dma_start3A_65 : memref<128xi32, #tpu.memory_space<vmem>>) semaphore(%arg10 : memref<!tpu.dma_semaphore, #tpu.memory_space<semaphore_mem>>)
    %dma_start3A_69 = arith.constant 5 : i32
    %dma_start3A_70 = arith.constant 0 : i32
    %dma_start3A_71 = arith.constant 5 : i32
    %dma_start3A_72 = arith.constant 0 : i32
    %dma_start3A_73 = arith.constant 0 : i32
    %dma_start3A_74 = tpu.memref_slice %arg7[%dma_start3A_70, %dma_start3A_71, %dma_start3A_72, %dma_start3A_73] : memref<2x10x128x16xf32, #tpu.memory_space<vmem>> -> memref<1x1x128x16xf32, #tpu.memory_space<vmem>>
    %dma_start3A_75 = tpu.memref_squeeze %dma_start3A_74 : memref<1x1x128x16xf32, #tpu.memory_space<vmem>> -> memref<128x16xf32, #tpu.memory_space<vmem>>
    %dma_start3A_76 = arith.constant 0 : i32
    %dma_start3A_77 = tpu.memref_slice %arg6[%dma_start3A_69, %dma_start3A_76] : memref<50x128xi32, #tpu.memory_space<vmem>> -> memref<1x128xi32, #tpu.memory_space<vmem>>
    %dma_start3A_78 = tpu.memref_squeeze %dma_start3A_77 : memref<1x128xi32, #tpu.memory_space<vmem>> -> memref<128xi32, #tpu.memory_space<vmem>>
    %dma_start3A_79 = arith.constant 0 : i32
    %dma_start3A_80 = arith.constant 0 : i32
    %dma_start3A_81 = tpu.memref_slice %arg2[%dma_start3A_79, %dma_start3A_80] : memref<100000x16xf32, #tpu.memory_space<hbm>> -> memref<100000x16xf32, #tpu.memory_space<hbm>>
    tpu.enqueue_indirect_dma source(%dma_start3A_81 : memref<100000x16xf32, #tpu.memory_space<hbm>>) target(%dma_start3A_75 : memref<128x16xf32, #tpu.memory_space<vmem>>) offsets(%dma_start3A_78 : memref<128xi32, #tpu.memory_space<vmem>>) semaphore(%arg10 : memref<!tpu.dma_semaphore, #tpu.memory_space<semaphore_mem>>)
    %dma_start3A_82 = arith.constant 6 : i32
    %dma_start3A_83 = arith.constant 0 : i32
    %dma_start3A_84 = arith.constant 6 : i32
    %dma_start3A_85 = arith.constant 0 : i32
    %dma_start3A_86 = arith.constant 0 : i32
    %dma_start3A_87 = tpu.memref_slice %arg7[%dma_start3A_83, %dma_start3A_84, %dma_start3A_85, %dma_start3A_86] : memref<2x10x128x16xf32, #tpu.memory_space<vmem>> -> memref<1x1x128x16xf32, #tpu.memory_space<vmem>>
    %dma_start3A_88 = tpu.memref_squeeze %dma_start3A_87 : memref<1x1x128x16xf32, #tpu.memory_space<vmem>> -> memref<128x16xf32, #tpu.memory_space<vmem>>
    %dma_start3A_89 = arith.constant 0 : i32
    %dma_start3A_90 = tpu.memref_slice %arg6[%dma_start3A_82, %dma_start3A_89] : memref<50x128xi32, #tpu.memory_space<vmem>> -> memref<1x128xi32, #tpu.memory_space<vmem>>
    %dma_start3A_91 = tpu.memref_squeeze %dma_start3A_90 : memref<1x128xi32, #tpu.memory_space<vmem>> -> memref<128xi32, #tpu.memory_space<vmem>>
    %dma_start3A_92 = arith.constant 0 : i32
    %dma_start3A_93 = arith.constant 0 : i32
    %dma_start3A_94 = tpu.memref_slice %arg2[%dma_start3A_92, %dma_start3A_93] : memref<100000x16xf32, #tpu.memory_space<hbm>> -> memref<100000x16xf32, #tpu.memory_space<hbm>>
    tpu.enqueue_indirect_dma source(%dma_start3A_94 : memref<100000x16xf32, #tpu.memory_space<hbm>>) target(%dma_start3A_88 : memref<128x16xf32, #tpu.memory_space<vmem>>) offsets(%dma_start3A_91 : memref<128xi32, #tpu.memory_space<vmem>>) semaphore(%arg10 : memref<!tpu.dma_semaphore, #tpu.memory_space<semaphore_mem>>)
    %dma_start3A_95 = arith.constant 7 : i32
    %dma_start3A_96 = arith.constant 0 : i32
    %dma_start3A_97 = arith.constant 7 : i32
    %dma_start3A_98 = arith.constant 0 : i32
    %dma_start3A_99 = arith.constant 0 : i32
    %dma_start3A_100 = tpu.memref_slice %arg7[%dma_start3A_96, %dma_start3A_97, %dma_start3A_98, %dma_start3A_99] : memref<2x10x128x16xf32, #tpu.memory_space<vmem>> -> memref<1x1x128x16xf32, #tpu.memory_space<vmem>>
    %dma_start3A_101 = tpu.memref_squeeze %dma_start3A_100 : memref<1x1x128x16xf32, #tpu.memory_space<vmem>> -> memref<128x16xf32, #tpu.memory_space<vmem>>
    %dma_start3A_102 = arith.constant 0 : i32
    %dma_start3A_103 = tpu.memref_slice %arg6[%dma_start3A_95, %dma_start3A_102] : memref<50x128xi32, #tpu.memory_space<vmem>> -> memref<1x128xi32, #tpu.memory_space<vmem>>
    %dma_start3A_104 = tpu.memref_squeeze %dma_start3A_103 : memref<1x128xi32, #tpu.memory_space<vmem>> -> memref<128xi32, #tpu.memory_space<vmem>>
    %dma_start3A_105 = arith.constant 0 : i32
    %dma_start3A_106 = arith.constant 0 : i32
    %dma_start3A_107 = tpu.memref_slice %arg2[%dma_start3A_105, %dma_start3A_106] : memref<100000x16xf32, #tpu.memory_space<hbm>> -> memref<100000x16xf32, #tpu.memory_space<hbm>>
    tpu.enqueue_indirect_dma source(%dma_start3A_107 : memref<100000x16xf32, #tpu.memory_space<hbm>>) target(%dma_start3A_101 : memref<128x16xf32, #tpu.memory_space<vmem>>) offsets(%dma_start3A_104 : memref<128xi32, #tpu.memory_space<vmem>>) semaphore(%arg10 : memref<!tpu.dma_semaphore, #tpu.memory_space<semaphore_mem>>)
    %dma_start3A_108 = arith.constant 8 : i32
    %dma_start3A_109 = arith.constant 0 : i32
    %dma_start3A_110 = arith.constant 8 : i32
    %dma_start3A_111 = arith.constant 0 : i32
    %dma_start3A_112 = arith.constant 0 : i32
    %dma_start3A_113 = tpu.memref_slice %arg7[%dma_start3A_109, %dma_start3A_110, %dma_start3A_111, %dma_start3A_112] : memref<2x10x128x16xf32, #tpu.memory_space<vmem>> -> memref<1x1x128x16xf32, #tpu.memory_space<vmem>>
    %dma_start3A_114 = tpu.memref_squeeze %dma_start3A_113 : memref<1x1x128x16xf32, #tpu.memory_space<vmem>> -> memref<128x16xf32, #tpu.memory_space<vmem>>
    %dma_start3A_115 = arith.constant 0 : i32
    %dma_start3A_116 = tpu.memref_slice %arg6[%dma_start3A_108, %dma_start3A_115] : memref<50x128xi32, #tpu.memory_space<vmem>> -> memref<1x128xi32, #tpu.memory_space<vmem>>
    %dma_start3A_117 = tpu.memref_squeeze %dma_start3A_116 : memref<1x128xi32, #tpu.memory_space<vmem>> -> memref<128xi32, #tpu.memory_space<vmem>>
    %dma_start3A_118 = arith.constant 0 : i32
    %dma_start3A_119 = arith.constant 0 : i32
    %dma_start3A_120 = tpu.memref_slice %arg2[%dma_start3A_118, %dma_start3A_119] : memref<100000x16xf32, #tpu.memory_space<hbm>> -> memref<100000x16xf32, #tpu.memory_space<hbm>>
    tpu.enqueue_indirect_dma source(%dma_start3A_120 : memref<100000x16xf32, #tpu.memory_space<hbm>>) target(%dma_start3A_114 : memref<128x16xf32, #tpu.memory_space<vmem>>) offsets(%dma_start3A_117 : memref<128xi32, #tpu.memory_space<vmem>>) semaphore(%arg10 : memref<!tpu.dma_semaphore, #tpu.memory_space<semaphore_mem>>)
    %dma_start3A_121 = arith.constant 9 : i32
    %dma_start3A_122 = arith.constant 0 : i32
    %dma_start3A_123 = arith.constant 9 : i32
    %dma_start3A_124 = arith.constant 0 : i32
    %dma_start3A_125 = arith.constant 0 : i32
    %dma_start3A_126 = tpu.memref_slice %arg7[%dma_start3A_122, %dma_start3A_123, %dma_start3A_124, %dma_start3A_125] : memref<2x10x128x16xf32, #tpu.memory_space<vmem>> -> memref<1x1x128x16xf32, #tpu.memory_space<vmem>>
    %dma_start3A_127 = tpu.memref_squeeze %dma_start3A_126 : memref<1x1x128x16xf32, #tpu.memory_space<vmem>> -> memref<128x16xf32, #tpu.memory_space<vmem>>
    %dma_start3A_128 = arith.constant 0 : i32
    %dma_start3A_129 = tpu.memref_slice %arg6[%dma_start3A_121, %dma_start3A_128] : memref<50x128xi32, #tpu.memory_space<vmem>> -> memref<1x128xi32, #tpu.memory_space<vmem>>
    %dma_start3A_130 = tpu.memref_squeeze %dma_start3A_129 : memref<1x128xi32, #tpu.memory_space<vmem>> -> memref<128xi32, #tpu.memory_space<vmem>>
    %dma_start3A_131 = arith.constant 0 : i32
    %dma_start3A_132 = arith.constant 0 : i32
    %dma_start3A_133 = tpu.memref_slice %arg2[%dma_start3A_131, %dma_start3A_132] : memref<100000x16xf32, #tpu.memory_space<hbm>> -> memref<100000x16xf32, #tpu.memory_space<hbm>>
    tpu.enqueue_indirect_dma source(%dma_start3A_133 : memref<100000x16xf32, #tpu.memory_space<hbm>>) target(%dma_start3A_127 : memref<128x16xf32, #tpu.memory_space<vmem>>) offsets(%dma_start3A_130 : memref<128xi32, #tpu.memory_space<vmem>>) semaphore(%arg10 : memref<!tpu.dma_semaphore, #tpu.memory_space<semaphore_mem>>)
    %dma_start3A_134 = arith.constant 10 : i32
    %dma_start3A_135 = arith.constant 1 : i32
    %dma_start3A_136 = arith.constant 0 : i32
    %dma_start3A_137 = arith.constant 0 : i32
    %dma_start3A_138 = arith.constant 0 : i32
    %dma_start3A_139 = tpu.memref_slice %arg7[%dma_start3A_135, %dma_start3A_136, %dma_start3A_137, %dma_start3A_138] : memref<2x10x128x16xf32, #tpu.memory_space<vmem>> -> memref<1x1x128x16xf32, #tpu.memory_space<vmem>>
    %dma_start3A_140 = tpu.memref_squeeze %dma_start3A_139 : memref<1x1x128x16xf32, #tpu.memory_space<vmem>> -> memref<128x16xf32, #tpu.memory_space<vmem>>
    %dma_start3A_141 = arith.constant 0 : i32
    %dma_start3A_142 = tpu.memref_slice %arg6[%dma_start3A_134, %dma_start3A_141] : memref<50x128xi32, #tpu.memory_space<vmem>> -> memref<1x128xi32, #tpu.memory_space<vmem>>
    %dma_start3A_143 = tpu.memref_squeeze %dma_start3A_142 : memref<1x128xi32, #tpu.memory_space<vmem>> -> memref<128xi32, #tpu.memory_space<vmem>>
    %dma_start3A_144 = arith.constant 0 : i32
    %dma_start3A_145 = arith.constant 0 : i32
    %dma_start3A_146 = tpu.memref_slice %arg2[%dma_start3A_144, %dma_start3A_145] : memref<100000x16xf32, #tpu.memory_space<hbm>> -> memref<100000x16xf32, #tpu.memory_space<hbm>>
    tpu.enqueue_indirect_dma source(%dma_start3A_146 : memref<100000x16xf32, #tpu.memory_space<hbm>>) target(%dma_start3A_140 : memref<128x16xf32, #tpu.memory_space<vmem>>) offsets(%dma_start3A_143 : memref<128xi32, #tpu.memory_space<vmem>>) semaphore(%arg11 : memref<!tpu.dma_semaphore, #tpu.memory_space<semaphore_mem>>)
    %dma_start3A_147 = arith.constant 11 : i32
    %dma_start3A_148 = arith.constant 1 : i32
    %dma_start3A_149 = arith.constant 1 : i32
    %dma_start3A_150 = arith.constant 0 : i32
    %dma_start3A_151 = arith.constant 0 : i32
    %dma_start3A_152 = tpu.memref_slice %arg7[%dma_start3A_148, %dma_start3A_149, %dma_start3A_150, %dma_start3A_151] : memref<2x10x128x16xf32, #tpu.memory_space<vmem>> -> memref<1x1x128x16xf32, #tpu.memory_space<vmem>>
    %dma_start3A_153 = tpu.memref_squeeze %dma_start3A_152 : memref<1x1x128x16xf32, #tpu.memory_space<vmem>> -> memref<128x16xf32, #tpu.memory_space<vmem>>
    %dma_start3A_154 = arith.constant 0 : i32
    %dma_start3A_155 = tpu.memref_slice %arg6[%dma_start3A_147, %dma_start3A_154] : memref<50x128xi32, #tpu.memory_space<vmem>> -> memref<1x128xi32, #tpu.memory_space<vmem>>
    %dma_start3A_156 = tpu.memref_squeeze %dma_start3A_155 : memref<1x128xi32, #tpu.memory_space<vmem>> -> memref<128xi32, #tpu.memory_space<vmem>>
    %dma_start3A_157 = arith.constant 0 : i32
    %dma_start3A_158 = arith.constant 0 : i32
    %dma_start3A_159 = tpu.memref_slice %arg2[%dma_start3A_157, %dma_start3A_158] : memref<100000x16xf32, #tpu.memory_space<hbm>> -> memref<100000x16xf32, #tpu.memory_space<hbm>>
    tpu.enqueue_indirect_dma source(%dma_start3A_159 : memref<100000x16xf32, #tpu.memory_space<hbm>>) target(%dma_start3A_153 : memref<128x16xf32, #tpu.memory_space<vmem>>) offsets(%dma_start3A_156 : memref<128xi32, #tpu.memory_space<vmem>>) semaphore(%arg11 : memref<!tpu.dma_semaphore, #tpu.memory_space<semaphore_mem>>)
    %dma_start3A_160 = arith.constant 12 : i32
    %dma_start3A_161 = arith.constant 1 : i32
    %dma_start3A_162 = arith.constant 2 : i32
    %dma_start3A_163 = arith.constant 0 : i32
    %dma_start3A_164 = arith.constant 0 : i32
    %dma_start3A_165 = tpu.memref_slice %arg7[%dma_start3A_161, %dma_start3A_162, %dma_start3A_163, %dma_start3A_164] : memref<2x10x128x16xf32, #tpu.memory_space<vmem>> -> memref<1x1x128x16xf32, #tpu.memory_space<vmem>>
    %dma_start3A_166 = tpu.memref_squeeze %dma_start3A_165 : memref<1x1x128x16xf32, #tpu.memory_space<vmem>> -> memref<128x16xf32, #tpu.memory_space<vmem>>
    %dma_start3A_167 = arith.constant 0 : i32
    %dma_start3A_168 = tpu.memref_slice %arg6[%dma_start3A_160, %dma_start3A_167] : memref<50x128xi32, #tpu.memory_space<vmem>> -> memref<1x128xi32, #tpu.memory_space<vmem>>
    %dma_start3A_169 = tpu.memref_squeeze %dma_start3A_168 : memref<1x128xi32, #tpu.memory_space<vmem>> -> memref<128xi32, #tpu.memory_space<vmem>>
    %dma_start3A_170 = arith.constant 0 : i32
    %dma_start3A_171 = arith.constant 0 : i32
    %dma_start3A_172 = tpu.memref_slice %arg2[%dma_start3A_170, %dma_start3A_171] : memref<100000x16xf32, #tpu.memory_space<hbm>> -> memref<100000x16xf32, #tpu.memory_space<hbm>>
    tpu.enqueue_indirect_dma source(%dma_start3A_172 : memref<100000x16xf32, #tpu.memory_space<hbm>>) target(%dma_start3A_166 : memref<128x16xf32, #tpu.memory_space<vmem>>) offsets(%dma_start3A_169 : memref<128xi32, #tpu.memory_space<vmem>>) semaphore(%arg11 : memref<!tpu.dma_semaphore, #tpu.memory_space<semaphore_mem>>)
    %dma_start3A_173 = arith.constant 13 : i32
    %dma_start3A_174 = arith.constant 1 : i32
    %dma_start3A_175 = arith.constant 3 : i32
    %dma_start3A_176 = arith.constant 0 : i32
    %dma_start3A_177 = arith.constant 0 : i32
    %dma_start3A_178 = tpu.memref_slice %arg7[%dma_start3A_174, %dma_start3A_175, %dma_start3A_176, %dma_start3A_177] : memref<2x10x128x16xf32, #tpu.memory_space<vmem>> -> memref<1x1x128x16xf32, #tpu.memory_space<vmem>>
    %dma_start3A_179 = tpu.memref_squeeze %dma_start3A_178 : memref<1x1x128x16xf32, #tpu.memory_space<vmem>> -> memref<128x16xf32, #tpu.memory_space<vmem>>
    %dma_start3A_180 = arith.constant 0 : i32
    %dma_start3A_181 = tpu.memref_slice %arg6[%dma_start3A_173, %dma_start3A_180] : memref<50x128xi32, #tpu.memory_space<vmem>> -> memref<1x128xi32, #tpu.memory_space<vmem>>
    %dma_start3A_182 = tpu.memref_squeeze %dma_start3A_181 : memref<1x128xi32, #tpu.memory_space<vmem>> -> memref<128xi32, #tpu.memory_space<vmem>>
    %dma_start3A_183 = arith.constant 0 : i32
    %dma_start3A_184 = arith.constant 0 : i32
    %dma_start3A_185 = tpu.memref_slice %arg2[%dma_start3A_183, %dma_start3A_184] : memref<100000x16xf32, #tpu.memory_space<hbm>> -> memref<100000x16xf32, #tpu.memory_space<hbm>>
    tpu.enqueue_indirect_dma source(%dma_start3A_185 : memref<100000x16xf32, #tpu.memory_space<hbm>>) target(%dma_start3A_179 : memref<128x16xf32, #tpu.memory_space<vmem>>) offsets(%dma_start3A_182 : memref<128xi32, #tpu.memory_space<vmem>>) semaphore(%arg11 : memref<!tpu.dma_semaphore, #tpu.memory_space<semaphore_mem>>)
    %dma_start3A_186 = arith.constant 14 : i32
    %dma_start3A_187 = arith.constant 1 : i32
    %dma_start3A_188 = arith.constant 4 : i32
    %dma_start3A_189 = arith.constant 0 : i32
    %dma_start3A_190 = arith.constant 0 : i32
    %dma_start3A_191 = tpu.memref_slice %arg7[%dma_start3A_187, %dma_start3A_188, %dma_start3A_189, %dma_start3A_190] : memref<2x10x128x16xf32, #tpu.memory_space<vmem>> -> memref<1x1x128x16xf32, #tpu.memory_space<vmem>>
    %dma_start3A_192 = tpu.memref_squeeze %dma_start3A_191 : memref<1x1x128x16xf32, #tpu.memory_space<vmem>> -> memref<128x16xf32, #tpu.memory_space<vmem>>
    %dma_start3A_193 = arith.constant 0 : i32
    %dma_start3A_194 = tpu.memref_slice %arg6[%dma_start3A_186, %dma_start3A_193] : memref<50x128xi32, #tpu.memory_space<vmem>> -> memref<1x128xi32, #tpu.memory_space<vmem>>
    %dma_start3A_195 = tpu.memref_squeeze %dma_start3A_194 : memref<1x128xi32, #tpu.memory_space<vmem>> -> memref<128xi32, #tpu.memory_space<vmem>>
    %dma_start3A_196 = arith.constant 0 : i32
    %dma_start3A_197 = arith.constant 0 : i32
    %dma_start3A_198 = tpu.memref_slice %arg2[%dma_start3A_196, %dma_start3A_197] : memref<100000x16xf32, #tpu.memory_space<hbm>> -> memref<100000x16xf32, #tpu.memory_space<hbm>>
    tpu.enqueue_indirect_dma source(%dma_start3A_198 : memref<100000x16xf32, #tpu.memory_space<hbm>>) target(%dma_start3A_192 : memref<128x16xf32, #tpu.memory_space<vmem>>) offsets(%dma_start3A_195 : memref<128xi32, #tpu.memory_space<vmem>>) semaphore(%arg11 : memref<!tpu.dma_semaphore, #tpu.memory_space<semaphore_mem>>)
    %dma_start3A_199 = arith.constant 15 : i32
    %dma_start3A_200 = arith.constant 1 : i32
    %dma_start3A_201 = arith.constant 5 : i32
    %dma_start3A_202 = arith.constant 0 : i32
    %dma_start3A_203 = arith.constant 0 : i32
    %dma_start3A_204 = tpu.memref_slice %arg7[%dma_start3A_200, %dma_start3A_201, %dma_start3A_202, %dma_start3A_203] : memref<2x10x128x16xf32, #tpu.memory_space<vmem>> -> memref<1x1x128x16xf32, #tpu.memory_space<vmem>>
    %dma_start3A_205 = tpu.memref_squeeze %dma_start3A_204 : memref<1x1x128x16xf32, #tpu.memory_space<vmem>> -> memref<128x16xf32, #tpu.memory_space<vmem>>
    %dma_start3A_206 = arith.constant 0 : i32
    %dma_start3A_207 = tpu.memref_slice %arg6[%dma_start3A_199, %dma_start3A_206] : memref<50x128xi32, #tpu.memory_space<vmem>> -> memref<1x128xi32, #tpu.memory_space<vmem>>
    %dma_start3A_208 = tpu.memref_squeeze %dma_start3A_207 : memref<1x128xi32, #tpu.memory_space<vmem>> -> memref<128xi32, #tpu.memory_space<vmem>>
    %dma_start3A_209 = arith.constant 0 : i32
    %dma_start3A_210 = arith.constant 0 : i32
    %dma_start3A_211 = tpu.memref_slice %arg2[%dma_start3A_209, %dma_start3A_210] : memref<100000x16xf32, #tpu.memory_space<hbm>> -> memref<100000x16xf32, #tpu.memory_space<hbm>>
    tpu.enqueue_indirect_dma source(%dma_start3A_211 : memref<100000x16xf32, #tpu.memory_space<hbm>>) target(%dma_start3A_205 : memref<128x16xf32, #tpu.memory_space<vmem>>) offsets(%dma_start3A_208 : memref<128xi32, #tpu.memory_space<vmem>>) semaphore(%arg11 : memref<!tpu.dma_semaphore, #tpu.memory_space<semaphore_mem>>)
    %dma_start3A_212 = arith.constant 16 : i32
    %dma_start3A_213 = arith.constant 1 : i32
    %dma_start3A_214 = arith.constant 6 : i32
    %dma_start3A_215 = arith.constant 0 : i32
    %dma_start3A_216 = arith.constant 0 : i32
    %dma_start3A_217 = tpu.memref_slice %arg7[%dma_start3A_213, %dma_start3A_214, %dma_start3A_215, %dma_start3A_216] : memref<2x10x128x16xf32, #tpu.memory_space<vmem>> -> memref<1x1x128x16xf32, #tpu.memory_space<vmem>>
    %dma_start3A_218 = tpu.memref_squeeze %dma_start3A_217 : memref<1x1x128x16xf32, #tpu.memory_space<vmem>> -> memref<128x16xf32, #tpu.memory_space<vmem>>
    %dma_start3A_219 = arith.constant 0 : i32
    %dma_start3A_220 = tpu.memref_slice %arg6[%dma_start3A_212, %dma_start3A_219] : memref<50x128xi32, #tpu.memory_space<vmem>> -> memref<1x128xi32, #tpu.memory_space<vmem>>
    %dma_start3A_221 = tpu.memref_squeeze %dma_start3A_220 : memref<1x128xi32, #tpu.memory_space<vmem>> -> memref<128xi32, #tpu.memory_space<vmem>>
    %dma_start3A_222 = arith.constant 0 : i32
    %dma_start3A_223 = arith.constant 0 : i32
    %dma_start3A_224 = tpu.memref_slice %arg2[%dma_start3A_222, %dma_start3A_223] : memref<100000x16xf32, #tpu.memory_space<hbm>> -> memref<100000x16xf32, #tpu.memory_space<hbm>>
    tpu.enqueue_indirect_dma source(%dma_start3A_224 : memref<100000x16xf32, #tpu.memory_space<hbm>>) target(%dma_start3A_218 : memref<128x16xf32, #tpu.memory_space<vmem>>) offsets(%dma_start3A_221 : memref<128xi32, #tpu.memory_space<vmem>>) semaphore(%arg11 : memref<!tpu.dma_semaphore, #tpu.memory_space<semaphore_mem>>)
    %dma_start3A_225 = arith.constant 17 : i32
    %dma_start3A_226 = arith.constant 1 : i32
    %dma_start3A_227 = arith.constant 7 : i32
    %dma_start3A_228 = arith.constant 0 : i32
    %dma_start3A_229 = arith.constant 0 : i32
    %dma_start3A_230 = tpu.memref_slice %arg7[%dma_start3A_226, %dma_start3A_227, %dma_start3A_228, %dma_start3A_229] : memref<2x10x128x16xf32, #tpu.memory_space<vmem>> -> memref<1x1x128x16xf32, #tpu.memory_space<vmem>>
    %dma_start3A_231 = tpu.memref_squeeze %dma_start3A_230 : memref<1x1x128x16xf32, #tpu.memory_space<vmem>> -> memref<128x16xf32, #tpu.memory_space<vmem>>
    %dma_start3A_232 = arith.constant 0 : i32
    %dma_start3A_233 = tpu.memref_slice %arg6[%dma_start3A_225, %dma_start3A_232] : memref<50x128xi32, #tpu.memory_space<vmem>> -> memref<1x128xi32, #tpu.memory_space<vmem>>
    %dma_start3A_234 = tpu.memref_squeeze %dma_start3A_233 : memref<1x128xi32, #tpu.memory_space<vmem>> -> memref<128xi32, #tpu.memory_space<vmem>>
    %dma_start3A_235 = arith.constant 0 : i32
    %dma_start3A_236 = arith.constant 0 : i32
    %dma_start3A_237 = tpu.memref_slice %arg2[%dma_start3A_235, %dma_start3A_236] : memref<100000x16xf32, #tpu.memory_space<hbm>> -> memref<100000x16xf32, #tpu.memory_space<hbm>>
    tpu.enqueue_indirect_dma source(%dma_start3A_237 : memref<100000x16xf32, #tpu.memory_space<hbm>>) target(%dma_start3A_231 : memref<128x16xf32, #tpu.memory_space<vmem>>) offsets(%dma_start3A_234 : memref<128xi32, #tpu.memory_space<vmem>>) semaphore(%arg11 : memref<!tpu.dma_semaphore, #tpu.memory_space<semaphore_mem>>)
    %dma_start3A_238 = arith.constant 18 : i32
    %dma_start3A_239 = arith.constant 1 : i32
    %dma_start3A_240 = arith.constant 8 : i32
    %dma_start3A_241 = arith.constant 0 : i32
    %dma_start3A_242 = arith.constant 0 : i32
    %dma_start3A_243 = tpu.memref_slice %arg7[%dma_start3A_239, %dma_start3A_240, %dma_start3A_241, %dma_start3A_242] : memref<2x10x128x16xf32, #tpu.memory_space<vmem>> -> memref<1x1x128x16xf32, #tpu.memory_space<vmem>>
    %dma_start3A_244 = tpu.memref_squeeze %dma_start3A_243 : memref<1x1x128x16xf32, #tpu.memory_space<vmem>> -> memref<128x16xf32, #tpu.memory_space<vmem>>
    %dma_start3A_245 = arith.constant 0 : i32
    %dma_start3A_246 = tpu.memref_slice %arg6[%dma_start3A_238, %dma_start3A_245] : memref<50x128xi32, #tpu.memory_space<vmem>> -> memref<1x128xi32, #tpu.memory_space<vmem>>
    %dma_start3A_247 = tpu.memref_squeeze %dma_start3A_246 : memref<1x128xi32, #tpu.memory_space<vmem>> -> memref<128xi32, #tpu.memory_space<vmem>>
    %dma_start3A_248 = arith.constant 0 : i32
    %dma_start3A_249 = arith.constant 0 : i32
    %dma_start3A_250 = tpu.memref_slice %arg2[%dma_start3A_248, %dma_start3A_249] : memref<100000x16xf32, #tpu.memory_space<hbm>> -> memref<100000x16xf32, #tpu.memory_space<hbm>>
    tpu.enqueue_indirect_dma source(%dma_start3A_250 : memref<100000x16xf32, #tpu.memory_space<hbm>>) target(%dma_start3A_244 : memref<128x16xf32, #tpu.memory_space<vmem>>) offsets(%dma_start3A_247 : memref<128xi32, #tpu.memory_space<vmem>>) semaphore(%arg11 : memref<!tpu.dma_semaphore, #tpu.memory_space<semaphore_mem>>)
    %dma_start3A_251 = arith.constant 19 : i32
    %dma_start3A_252 = arith.constant 1 : i32
    %dma_start3A_253 = arith.constant 9 : i32
    %dma_start3A_254 = arith.constant 0 : i32
    %dma_start3A_255 = arith.constant 0 : i32
    %dma_start3A_256 = tpu.memref_slice %arg7[%dma_start3A_252, %dma_start3A_253, %dma_start3A_254, %dma_start3A_255] : memref<2x10x128x16xf32, #tpu.memory_space<vmem>> -> memref<1x1x128x16xf32, #tpu.memory_space<vmem>>
    %dma_start3A_257 = tpu.memref_squeeze %dma_start3A_256 : memref<1x1x128x16xf32, #tpu.memory_space<vmem>> -> memref<128x16xf32, #tpu.memory_space<vmem>>
    %dma_start3A_258 = arith.constant 0 : i32
    %dma_start3A_259 = tpu.memref_slice %arg6[%dma_start3A_251, %dma_start3A_258] : memref<50x128xi32, #tpu.memory_space<vmem>> -> memref<1x128xi32, #tpu.memory_space<vmem>>
    %dma_start3A_260 = tpu.memref_squeeze %dma_start3A_259 : memref<1x128xi32, #tpu.memory_space<vmem>> -> memref<128xi32, #tpu.memory_space<vmem>>
    %dma_start3A_261 = arith.constant 0 : i32
    %dma_start3A_262 = arith.constant 0 : i32
    %dma_start3A_263 = tpu.memref_slice %arg2[%dma_start3A_261, %dma_start3A_262] : memref<100000x16xf32, #tpu.memory_space<hbm>> -> memref<100000x16xf32, #tpu.memory_space<hbm>>
    tpu.enqueue_indirect_dma source(%dma_start3A_263 : memref<100000x16xf32, #tpu.memory_space<hbm>>) target(%dma_start3A_257 : memref<128x16xf32, #tpu.memory_space<vmem>>) offsets(%dma_start3A_260 : memref<128xi32, #tpu.memory_space<vmem>>) semaphore(%arg11 : memref<!tpu.dma_semaphore, #tpu.memory_space<semaphore_mem>>)
    %dma_wait3A = arith.constant 0 : i32
    %dma_wait3A_264 = arith.constant 0 : i32
    %dma_wait3A_265 = arith.constant 0 : i32
    %dma_wait3A_266 = arith.constant 0 : i32
    %dma_wait3A_267 = arith.constant 0 : i32
    %dma_wait3A_268 = tpu.memref_slice %arg7[%dma_wait3A_264, %dma_wait3A_265, %dma_wait3A_266, %dma_wait3A_267] : memref<2x10x128x16xf32, #tpu.memory_space<vmem>> -> memref<1x1x128x16xf32, #tpu.memory_space<vmem>>
    %dma_wait3A_269 = tpu.memref_squeeze %dma_wait3A_268 : memref<1x1x128x16xf32, #tpu.memory_space<vmem>> -> memref<128x16xf32, #tpu.memory_space<vmem>>
    %dma_wait3A_270 = arith.constant 0 : i32
    %dma_wait3A_271 = tpu.memref_slice %arg6[%dma_wait3A, %dma_wait3A_270] : memref<50x128xi32, #tpu.memory_space<vmem>> -> memref<1x128xi32, #tpu.memory_space<vmem>>
    %dma_wait3A_272 = tpu.memref_squeeze %dma_wait3A_271 : memref<1x128xi32, #tpu.memory_space<vmem>> -> memref<128xi32, #tpu.memory_space<vmem>>
    %dma_wait3A_273 = arith.constant 0 : i32
    %dma_wait3A_274 = arith.constant 0 : i32
    %dma_wait3A_275 = tpu.memref_slice %arg2[%dma_wait3A_273, %dma_wait3A_274] : memref<100000x16xf32, #tpu.memory_space<hbm>> -> memref<100000x16xf32, #tpu.memory_space<hbm>>
    tpu.wait_indirect_dma semaphore(%arg10 : memref<!tpu.dma_semaphore, #tpu.memory_space<semaphore_mem>>) src(%dma_wait3A_275 : memref<100000x16xf32, #tpu.memory_space<hbm>>) dst(%dma_wait3A_269 : memref<128x16xf32, #tpu.memory_space<vmem>>)
    %dma_wait3A_276 = arith.constant 1 : i32
    %dma_wait3A_277 = arith.constant 0 : i32
    %dma_wait3A_278 = arith.constant 1 : i32
    %dma_wait3A_279 = arith.constant 0 : i32
    %dma_wait3A_280 = arith.constant 0 : i32
    %dma_wait3A_281 = tpu.memref_slice %arg7[%dma_wait3A_277, %dma_wait3A_278, %dma_wait3A_279, %dma_wait3A_280] : memref<2x10x128x16xf32, #tpu.memory_space<vmem>> -> memref<1x1x128x16xf32, #tpu.memory_space<vmem>>
    %dma_wait3A_282 = tpu.memref_squeeze %dma_wait3A_281 : memref<1x1x128x16xf32, #tpu.memory_space<vmem>> -> memref<128x16xf32, #tpu.memory_space<vmem>>
    %dma_wait3A_283 = arith.constant 0 : i32
    %dma_wait3A_284 = tpu.memref_slice %arg6[%dma_wait3A_276, %dma_wait3A_283] : memref<50x128xi32, #tpu.memory_space<vmem>> -> memref<1x128xi32, #tpu.memory_space<vmem>>
    %dma_wait3A_285 = tpu.memref_squeeze %dma_wait3A_284 : memref<1x128xi32, #tpu.memory_space<vmem>> -> memref<128xi32, #tpu.memory_space<vmem>>
    %dma_wait3A_286 = arith.constant 0 : i32
    %dma_wait3A_287 = arith.constant 0 : i32
    %dma_wait3A_288 = tpu.memref_slice %arg2[%dma_wait3A_286, %dma_wait3A_287] : memref<100000x16xf32, #tpu.memory_space<hbm>> -> memref<100000x16xf32, #tpu.memory_space<hbm>>
    tpu.wait_indirect_dma semaphore(%arg10 : memref<!tpu.dma_semaphore, #tpu.memory_space<semaphore_mem>>) src(%dma_wait3A_288 : memref<100000x16xf32, #tpu.memory_space<hbm>>) dst(%dma_wait3A_282 : memref<128x16xf32, #tpu.memory_space<vmem>>)
    %dma_wait3A_289 = arith.constant 2 : i32
    %dma_wait3A_290 = arith.constant 0 : i32
    %dma_wait3A_291 = arith.constant 2 : i32
    %dma_wait3A_292 = arith.constant 0 : i32
    %dma_wait3A_293 = arith.constant 0 : i32
    %dma_wait3A_294 = tpu.memref_slice %arg7[%dma_wait3A_290, %dma_wait3A_291, %dma_wait3A_292, %dma_wait3A_293] : memref<2x10x128x16xf32, #tpu.memory_space<vmem>> -> memref<1x1x128x16xf32, #tpu.memory_space<vmem>>
    %dma_wait3A_295 = tpu.memref_squeeze %dma_wait3A_294 : memref<1x1x128x16xf32, #tpu.memory_space<vmem>> -> memref<128x16xf32, #tpu.memory_space<vmem>>
    %dma_wait3A_296 = arith.constant 0 : i32
    %dma_wait3A_297 = tpu.memref_slice %arg6[%dma_wait3A_289, %dma_wait3A_296] : memref<50x128xi32, #tpu.memory_space<vmem>> -> memref<1x128xi32, #tpu.memory_space<vmem>>
    %dma_wait3A_298 = tpu.memref_squeeze %dma_wait3A_297 : memref<1x128xi32, #tpu.memory_space<vmem>> -> memref<128xi32, #tpu.memory_space<vmem>>
    %dma_wait3A_299 = arith.constant 0 : i32
    %dma_wait3A_300 = arith.constant 0 : i32
    %dma_wait3A_301 = tpu.memref_slice %arg2[%dma_wait3A_299, %dma_wait3A_300] : memref<100000x16xf32, #tpu.memory_space<hbm>> -> memref<100000x16xf32, #tpu.memory_space<hbm>>
    tpu.wait_indirect_dma semaphore(%arg10 : memref<!tpu.dma_semaphore, #tpu.memory_space<semaphore_mem>>) src(%dma_wait3A_301 : memref<100000x16xf32, #tpu.memory_space<hbm>>) dst(%dma_wait3A_295 : memref<128x16xf32, #tpu.memory_space<vmem>>)
    %dma_wait3A_302 = arith.constant 3 : i32
    %dma_wait3A_303 = arith.constant 0 : i32
    %dma_wait3A_304 = arith.constant 3 : i32
    %dma_wait3A_305 = arith.constant 0 : i32
    %dma_wait3A_306 = arith.constant 0 : i32
    %dma_wait3A_307 = tpu.memref_slice %arg7[%dma_wait3A_303, %dma_wait3A_304, %dma_wait3A_305, %dma_wait3A_306] : memref<2x10x128x16xf32, #tpu.memory_space<vmem>> -> memref<1x1x128x16xf32, #tpu.memory_space<vmem>>
    %dma_wait3A_308 = tpu.memref_squeeze %dma_wait3A_307 : memref<1x1x128x16xf32, #tpu.memory_space<vmem>> -> memref<128x16xf32, #tpu.memory_space<vmem>>
    %dma_wait3A_309 = arith.constant 0 : i32
    %dma_wait3A_310 = tpu.memref_slice %arg6[%dma_wait3A_302, %dma_wait3A_309] : memref<50x128xi32, #tpu.memory_space<vmem>> -> memref<1x128xi32, #tpu.memory_space<vmem>>
    %dma_wait3A_311 = tpu.memref_squeeze %dma_wait3A_310 : memref<1x128xi32, #tpu.memory_space<vmem>> -> memref<128xi32, #tpu.memory_space<vmem>>
    %dma_wait3A_312 = arith.constant 0 : i32
    %dma_wait3A_313 = arith.constant 0 : i32
    %dma_wait3A_314 = tpu.memref_slice %arg2[%dma_wait3A_312, %dma_wait3A_313] : memref<100000x16xf32, #tpu.memory_space<hbm>> -> memref<100000x16xf32, #tpu.memory_space<hbm>>
    tpu.wait_indirect_dma semaphore(%arg10 : memref<!tpu.dma_semaphore, #tpu.memory_space<semaphore_mem>>) src(%dma_wait3A_314 : memref<100000x16xf32, #tpu.memory_space<hbm>>) dst(%dma_wait3A_308 : memref<128x16xf32, #tpu.memory_space<vmem>>)
    %dma_wait3A_315 = arith.constant 4 : i32
    %dma_wait3A_316 = arith.constant 0 : i32
    %dma_wait3A_317 = arith.constant 4 : i32
    %dma_wait3A_318 = arith.constant 0 : i32
    %dma_wait3A_319 = arith.constant 0 : i32
    %dma_wait3A_320 = tpu.memref_slice %arg7[%dma_wait3A_316, %dma_wait3A_317, %dma_wait3A_318, %dma_wait3A_319] : memref<2x10x128x16xf32, #tpu.memory_space<vmem>> -> memref<1x1x128x16xf32, #tpu.memory_space<vmem>>
    %dma_wait3A_321 = tpu.memref_squeeze %dma_wait3A_320 : memref<1x1x128x16xf32, #tpu.memory_space<vmem>> -> memref<128x16xf32, #tpu.memory_space<vmem>>
    %dma_wait3A_322 = arith.constant 0 : i32
    %dma_wait3A_323 = tpu.memref_slice %arg6[%dma_wait3A_315, %dma_wait3A_322] : memref<50x128xi32, #tpu.memory_space<vmem>> -> memref<1x128xi32, #tpu.memory_space<vmem>>
    %dma_wait3A_324 = tpu.memref_squeeze %dma_wait3A_323 : memref<1x128xi32, #tpu.memory_space<vmem>> -> memref<128xi32, #tpu.memory_space<vmem>>
    %dma_wait3A_325 = arith.constant 0 : i32
    %dma_wait3A_326 = arith.constant 0 : i32
    %dma_wait3A_327 = tpu.memref_slice %arg2[%dma_wait3A_325, %dma_wait3A_326] : memref<100000x16xf32, #tpu.memory_space<hbm>> -> memref<100000x16xf32, #tpu.memory_space<hbm>>
    tpu.wait_indirect_dma semaphore(%arg10 : memref<!tpu.dma_semaphore, #tpu.memory_space<semaphore_mem>>) src(%dma_wait3A_327 : memref<100000x16xf32, #tpu.memory_space<hbm>>) dst(%dma_wait3A_321 : memref<128x16xf32, #tpu.memory_space<vmem>>)
    %dma_wait3A_328 = arith.constant 5 : i32
    %dma_wait3A_329 = arith.constant 0 : i32
    %dma_wait3A_330 = arith.constant 5 : i32
    %dma_wait3A_331 = arith.constant 0 : i32
    %dma_wait3A_332 = arith.constant 0 : i32
    %dma_wait3A_333 = tpu.memref_slice %arg7[%dma_wait3A_329, %dma_wait3A_330, %dma_wait3A_331, %dma_wait3A_332] : memref<2x10x128x16xf32, #tpu.memory_space<vmem>> -> memref<1x1x128x16xf32, #tpu.memory_space<vmem>>
    %dma_wait3A_334 = tpu.memref_squeeze %dma_wait3A_333 : memref<1x1x128x16xf32, #tpu.memory_space<vmem>> -> memref<128x16xf32, #tpu.memory_space<vmem>>
    %dma_wait3A_335 = arith.constant 0 : i32
    %dma_wait3A_336 = tpu.memref_slice %arg6[%dma_wait3A_328, %dma_wait3A_335] : memref<50x128xi32, #tpu.memory_space<vmem>> -> memref<1x128xi32, #tpu.memory_space<vmem>>
    %dma_wait3A_337 = tpu.memref_squeeze %dma_wait3A_336 : memref<1x128xi32, #tpu.memory_space<vmem>> -> memref<128xi32, #tpu.memory_space<vmem>>
    %dma_wait3A_338 = arith.constant 0 : i32
    %dma_wait3A_339 = arith.constant 0 : i32
    %dma_wait3A_340 = tpu.memref_slice %arg2[%dma_wait3A_338, %dma_wait3A_339] : memref<100000x16xf32, #tpu.memory_space<hbm>> -> memref<100000x16xf32, #tpu.memory_space<hbm>>
    tpu.wait_indirect_dma semaphore(%arg10 : memref<!tpu.dma_semaphore, #tpu.memory_space<semaphore_mem>>) src(%dma_wait3A_340 : memref<100000x16xf32, #tpu.memory_space<hbm>>) dst(%dma_wait3A_334 : memref<128x16xf32, #tpu.memory_space<vmem>>)
    %dma_wait3A_341 = arith.constant 6 : i32
    %dma_wait3A_342 = arith.constant 0 : i32
    %dma_wait3A_343 = arith.constant 6 : i32
    %dma_wait3A_344 = arith.constant 0 : i32
    %dma_wait3A_345 = arith.constant 0 : i32
    %dma_wait3A_346 = tpu.memref_slice %arg7[%dma_wait3A_342, %dma_wait3A_343, %dma_wait3A_344, %dma_wait3A_345] : memref<2x10x128x16xf32, #tpu.memory_space<vmem>> -> memref<1x1x128x16xf32, #tpu.memory_space<vmem>>
    %dma_wait3A_347 = tpu.memref_squeeze %dma_wait3A_346 : memref<1x1x128x16xf32, #tpu.memory_space<vmem>> -> memref<128x16xf32, #tpu.memory_space<vmem>>
    %dma_wait3A_348 = arith.constant 0 : i32
    %dma_wait3A_349 = tpu.memref_slice %arg6[%dma_wait3A_341, %dma_wait3A_348] : memref<50x128xi32, #tpu.memory_space<vmem>> -> memref<1x128xi32, #tpu.memory_space<vmem>>
    %dma_wait3A_350 = tpu.memref_squeeze %dma_wait3A_349 : memref<1x128xi32, #tpu.memory_space<vmem>> -> memref<128xi32, #tpu.memory_space<vmem>>
    %dma_wait3A_351 = arith.constant 0 : i32
    %dma_wait3A_352 = arith.constant 0 : i32
    %dma_wait3A_353 = tpu.memref_slice %arg2[%dma_wait3A_351, %dma_wait3A_352] : memref<100000x16xf32, #tpu.memory_space<hbm>> -> memref<100000x16xf32, #tpu.memory_space<hbm>>
    tpu.wait_indirect_dma semaphore(%arg10 : memref<!tpu.dma_semaphore, #tpu.memory_space<semaphore_mem>>) src(%dma_wait3A_353 : memref<100000x16xf32, #tpu.memory_space<hbm>>) dst(%dma_wait3A_347 : memref<128x16xf32, #tpu.memory_space<vmem>>)
    %dma_wait3A_354 = arith.constant 7 : i32
    %dma_wait3A_355 = arith.constant 0 : i32
    %dma_wait3A_356 = arith.constant 7 : i32
    %dma_wait3A_357 = arith.constant 0 : i32
    %dma_wait3A_358 = arith.constant 0 : i32
    %dma_wait3A_359 = tpu.memref_slice %arg7[%dma_wait3A_355, %dma_wait3A_356, %dma_wait3A_357, %dma_wait3A_358] : memref<2x10x128x16xf32, #tpu.memory_space<vmem>> -> memref<1x1x128x16xf32, #tpu.memory_space<vmem>>
    %dma_wait3A_360 = tpu.memref_squeeze %dma_wait3A_359 : memref<1x1x128x16xf32, #tpu.memory_space<vmem>> -> memref<128x16xf32, #tpu.memory_space<vmem>>
    %dma_wait3A_361 = arith.constant 0 : i32
    %dma_wait3A_362 = tpu.memref_slice %arg6[%dma_wait3A_354, %dma_wait3A_361] : memref<50x128xi32, #tpu.memory_space<vmem>> -> memref<1x128xi32, #tpu.memory_space<vmem>>
    %dma_wait3A_363 = tpu.memref_squeeze %dma_wait3A_362 : memref<1x128xi32, #tpu.memory_space<vmem>> -> memref<128xi32, #tpu.memory_space<vmem>>
    %dma_wait3A_364 = arith.constant 0 : i32
    %dma_wait3A_365 = arith.constant 0 : i32
    %dma_wait3A_366 = tpu.memref_slice %arg2[%dma_wait3A_364, %dma_wait3A_365] : memref<100000x16xf32, #tpu.memory_space<hbm>> -> memref<100000x16xf32, #tpu.memory_space<hbm>>
    tpu.wait_indirect_dma semaphore(%arg10 : memref<!tpu.dma_semaphore, #tpu.memory_space<semaphore_mem>>) src(%dma_wait3A_366 : memref<100000x16xf32, #tpu.memory_space<hbm>>) dst(%dma_wait3A_360 : memref<128x16xf32, #tpu.memory_space<vmem>>)
    %dma_wait3A_367 = arith.constant 8 : i32
    %dma_wait3A_368 = arith.constant 0 : i32
    %dma_wait3A_369 = arith.constant 8 : i32
    %dma_wait3A_370 = arith.constant 0 : i32
    %dma_wait3A_371 = arith.constant 0 : i32
    %dma_wait3A_372 = tpu.memref_slice %arg7[%dma_wait3A_368, %dma_wait3A_369, %dma_wait3A_370, %dma_wait3A_371] : memref<2x10x128x16xf32, #tpu.memory_space<vmem>> -> memref<1x1x128x16xf32, #tpu.memory_space<vmem>>
    %dma_wait3A_373 = tpu.memref_squeeze %dma_wait3A_372 : memref<1x1x128x16xf32, #tpu.memory_space<vmem>> -> memref<128x16xf32, #tpu.memory_space<vmem>>
    %dma_wait3A_374 = arith.constant 0 : i32
    %dma_wait3A_375 = tpu.memref_slice %arg6[%dma_wait3A_367, %dma_wait3A_374] : memref<50x128xi32, #tpu.memory_space<vmem>> -> memref<1x128xi32, #tpu.memory_space<vmem>>
    %dma_wait3A_376 = tpu.memref_squeeze %dma_wait3A_375 : memref<1x128xi32, #tpu.memory_space<vmem>> -> memref<128xi32, #tpu.memory_space<vmem>>
    %dma_wait3A_377 = arith.constant 0 : i32
    %dma_wait3A_378 = arith.constant 0 : i32
    %dma_wait3A_379 = tpu.memref_slice %arg2[%dma_wait3A_377, %dma_wait3A_378] : memref<100000x16xf32, #tpu.memory_space<hbm>> -> memref<100000x16xf32, #tpu.memory_space<hbm>>
    tpu.wait_indirect_dma semaphore(%arg10 : memref<!tpu.dma_semaphore, #tpu.memory_space<semaphore_mem>>) src(%dma_wait3A_379 : memref<100000x16xf32, #tpu.memory_space<hbm>>) dst(%dma_wait3A_373 : memref<128x16xf32, #tpu.memory_space<vmem>>)
    %dma_wait3A_380 = arith.constant 9 : i32
    %dma_wait3A_381 = arith.constant 0 : i32
    %dma_wait3A_382 = arith.constant 9 : i32
    %dma_wait3A_383 = arith.constant 0 : i32
    %dma_wait3A_384 = arith.constant 0 : i32
    %dma_wait3A_385 = tpu.memref_slice %arg7[%dma_wait3A_381, %dma_wait3A_382, %dma_wait3A_383, %dma_wait3A_384] : memref<2x10x128x16xf32, #tpu.memory_space<vmem>> -> memref<1x1x128x16xf32, #tpu.memory_space<vmem>>
    %dma_wait3A_386 = tpu.memref_squeeze %dma_wait3A_385 : memref<1x1x128x16xf32, #tpu.memory_space<vmem>> -> memref<128x16xf32, #tpu.memory_space<vmem>>
    %dma_wait3A_387 = arith.constant 0 : i32
    %dma_wait3A_388 = tpu.memref_slice %arg6[%dma_wait3A_380, %dma_wait3A_387] : memref<50x128xi32, #tpu.memory_space<vmem>> -> memref<1x128xi32, #tpu.memory_space<vmem>>
    %dma_wait3A_389 = tpu.memref_squeeze %dma_wait3A_388 : memref<1x128xi32, #tpu.memory_space<vmem>> -> memref<128xi32, #tpu.memory_space<vmem>>
    %dma_wait3A_390 = arith.constant 0 : i32
    %dma_wait3A_391 = arith.constant 0 : i32
    %dma_wait3A_392 = tpu.memref_slice %arg2[%dma_wait3A_390, %dma_wait3A_391] : memref<100000x16xf32, #tpu.memory_space<hbm>> -> memref<100000x16xf32, #tpu.memory_space<hbm>>
    tpu.wait_indirect_dma semaphore(%arg10 : memref<!tpu.dma_semaphore, #tpu.memory_space<semaphore_mem>>) src(%dma_wait3A_392 : memref<100000x16xf32, #tpu.memory_space<hbm>>) dst(%dma_wait3A_386 : memref<128x16xf32, #tpu.memory_space<vmem>>)
    %scan3A = arith.constant 0 : i32
    %scan3A_393 = arith.constant 0 : i32
    %scan3A_394 = arith.constant 128 : i32
    %scan3A_395 = arith.addi %scan3A_393, %scan3A_394 : i32
    %scan3A_396 = arith.constant 1 : i32
    scf.for %scan3A_1332 = %scan3A_393 to %scan3A_395 step %scan3A_396  : i32 {
      %get3A_1333 = arith.constant 0 : i32
      %get3A_1334 = arith.constant 0 : i32
      %get3A_1335 = arith.index_cast %get3A_1333 : i32 to index
      %get3A_1336 = arith.index_cast %get3A_1334 : i32 to index
      %get3A_1337 = arith.index_cast %scan3A_1332 : i32 to index
      %get3A_1338 = arith.constant 0 : index
      %get3A_1339 = tpu.vector_load %arg7[%get3A_1335, %get3A_1336, %get3A_1337, %get3A_1338] {strides = array<i32>} : memref<2x10x128x16xf32, #tpu.memory_space<vmem>>, vector<1x1x1x16xf32>,
      %get3A_1340 = vector.shape_cast %get3A_1339 : vector<1x1x1x16xf32> to vector<16xf32>
      %get3A_1341 = arith.constant 0 : i32
      %get3A_1342 = arith.constant 1 : i32
      %get3A_1343 = arith.index_cast %get3A_1341 : i32 to index
      %get3A_1344 = arith.index_cast %get3A_1342 : i32 to index
      %get3A_1345 = arith.index_cast %scan3A_1332 : i32 to index
      %get3A_1346 = arith.constant 0 : index
      %get3A_1347 = tpu.vector_load %arg7[%get3A_1343, %get3A_1344, %get3A_1345, %get3A_1346] {strides = array<i32>} : memref<2x10x128x16xf32, #tpu.memory_space<vmem>>, vector<1x1x1x16xf32>,
      %get3A_1348 = vector.shape_cast %get3A_1347 : vector<1x1x1x16xf32> to vector<16xf32>
      %get3A_1349 = arith.constant 0 : i32
      %get3A_1350 = arith.constant 2 : i32
      %get3A_1351 = arith.index_cast %get3A_1349 : i32 to index
      %get3A_1352 = arith.index_cast %get3A_1350 : i32 to index
      %get3A_1353 = arith.index_cast %scan3A_1332 : i32 to index
      %get3A_1354 = arith.constant 0 : index
      %get3A_1355 = tpu.vector_load %arg7[%get3A_1351, %get3A_1352, %get3A_1353, %get3A_1354] {strides = array<i32>} : memref<2x10x128x16xf32, #tpu.memory_space<vmem>>, vector<1x1x1x16xf32>,
      %get3A_1356 = vector.shape_cast %get3A_1355 : vector<1x1x1x16xf32> to vector<16xf32>
      %add3A_1357 = arith.addf %get3A_1340, %get3A_1356 : vector<16xf32>
      %get3A_1358 = arith.constant 0 : i32
      %get3A_1359 = arith.constant 3 : i32
      %get3A_1360 = arith.index_cast %get3A_1358 : i32 to index
      %get3A_1361 = arith.index_cast %get3A_1359 : i32 to index
      %get3A_1362 = arith.index_cast %scan3A_1332 : i32 to index
      %get3A_1363 = arith.constant 0 : index
      %get3A_1364 = tpu.vector_load %arg7[%get3A_1360, %get3A_1361, %get3A_1362, %get3A_1363] {strides = array<i32>} : memref<2x10x128x16xf32, #tpu.memory_space<vmem>>, vector<1x1x1x16xf32>,
      %get3A_1365 = vector.shape_cast %get3A_1364 : vector<1x1x1x16xf32> to vector<16xf32>
      %add3A_1366 = arith.addf %get3A_1348, %get3A_1365 : vector<16xf32>
      %get3A_1367 = arith.constant 0 : i32
      %get3A_1368 = arith.constant 4 : i32
      %get3A_1369 = arith.index_cast %get3A_1367 : i32 to index
      %get3A_1370 = arith.index_cast %get3A_1368 : i32 to index
      %get3A_1371 = arith.index_cast %scan3A_1332 : i32 to index
      %get3A_1372 = arith.constant 0 : index
      %get3A_1373 = tpu.vector_load %arg7[%get3A_1369, %get3A_1370, %get3A_1371, %get3A_1372] {strides = array<i32>} : memref<2x10x128x16xf32, #tpu.memory_space<vmem>>, vector<1x1x1x16xf32>,
      %get3A_1374 = vector.shape_cast %get3A_1373 : vector<1x1x1x16xf32> to vector<16xf32>
      %add3A_1375 = arith.addf %add3A_1357, %get3A_1374 : vector<16xf32>
      %get3A_1376 = arith.constant 0 : i32
      %get3A_1377 = arith.constant 5 : i32
      %get3A_1378 = arith.index_cast %get3A_1376 : i32 to index
      %get3A_1379 = arith.index_cast %get3A_1377 : i32 to index
      %get3A_1380 = arith.index_cast %scan3A_1332 : i32 to index
      %get3A_1381 = arith.constant 0 : index
      %get3A_1382 = tpu.vector_load %arg7[%get3A_1378, %get3A_1379, %get3A_1380, %get3A_1381] {strides = array<i32>} : memref<2x10x128x16xf32, #tpu.memory_space<vmem>>, vector<1x1x1x16xf32>,
      %get3A_1383 = vector.shape_cast %get3A_1382 : vector<1x1x1x16xf32> to vector<16xf32>
      %add3A_1384 = arith.addf %add3A_1366, %get3A_1383 : vector<16xf32>
      %get3A_1385 = arith.constant 0 : i32
      %get3A_1386 = arith.constant 6 : i32
      %get3A_1387 = arith.index_cast %get3A_1385 : i32 to index
      %get3A_1388 = arith.index_cast %get3A_1386 : i32 to index
      %get3A_1389 = arith.index_cast %scan3A_1332 : i32 to index
      %get3A_1390 = arith.constant 0 : index
      %get3A_1391 = tpu.vector_load %arg7[%get3A_1387, %get3A_1388, %get3A_1389, %get3A_1390] {strides = array<i32>} : memref<2x10x128x16xf32, #tpu.memory_space<vmem>>, vector<1x1x1x16xf32>,
      %get3A_1392 = vector.shape_cast %get3A_1391 : vector<1x1x1x16xf32> to vector<16xf32>
      %add3A_1393 = arith.addf %add3A_1375, %get3A_1392 : vector<16xf32>
      %get3A_1394 = arith.constant 0 : i32
      %get3A_1395 = arith.constant 7 : i32
      %get3A_1396 = arith.index_cast %get3A_1394 : i32 to index
      %get3A_1397 = arith.index_cast %get3A_1395 : i32 to index
      %get3A_1398 = arith.index_cast %scan3A_1332 : i32 to index
      %get3A_1399 = arith.constant 0 : index
      %get3A_1400 = tpu.vector_load %arg7[%get3A_1396, %get3A_1397, %get3A_1398, %get3A_1399] {strides = array<i32>} : memref<2x10x128x16xf32, #tpu.memory_space<vmem>>, vector<1x1x1x16xf32>,
      %get3A_1401 = vector.shape_cast %get3A_1400 : vector<1x1x1x16xf32> to vector<16xf32>
      %add3A_1402 = arith.addf %add3A_1384, %get3A_1401 : vector<16xf32>
      %get3A_1403 = arith.constant 0 : i32
      %get3A_1404 = arith.constant 8 : i32
      %get3A_1405 = arith.index_cast %get3A_1403 : i32 to index
      %get3A_1406 = arith.index_cast %get3A_1404 : i32 to index
      %get3A_1407 = arith.index_cast %scan3A_1332 : i32 to index
      %get3A_1408 = arith.constant 0 : index
      %get3A_1409 = tpu.vector_load %arg7[%get3A_1405, %get3A_1406, %get3A_1407, %get3A_1408] {strides = array<i32>} : memref<2x10x128x16xf32, #tpu.memory_space<vmem>>, vector<1x1x1x16xf32>,
      %get3A_1410 = vector.shape_cast %get3A_1409 : vector<1x1x1x16xf32> to vector<16xf32>
      %add3A_1411 = arith.addf %add3A_1393, %get3A_1410 : vector<16xf32>
      %get3A_1412 = arith.constant 0 : i32
      %get3A_1413 = arith.constant 9 : i32
      %get3A_1414 = arith.index_cast %get3A_1412 : i32 to index
      %get3A_1415 = arith.index_cast %get3A_1413 : i32 to index
      %get3A_1416 = arith.index_cast %scan3A_1332 : i32 to index
      %get3A_1417 = arith.constant 0 : index
      %get3A_1418 = tpu.vector_load %arg7[%get3A_1414, %get3A_1415, %get3A_1416, %get3A_1417] {strides = array<i32>} : memref<2x10x128x16xf32, #tpu.memory_space<vmem>>, vector<1x1x1x16xf32>,
      %get3A_1419 = vector.shape_cast %get3A_1418 : vector<1x1x1x16xf32> to vector<16xf32>
      %add3A_1420 = arith.addf %add3A_1402, %get3A_1419 : vector<16xf32>
      %add3A_1421 = arith.addf %add3A_1411, %add3A_1420 : vector<16xf32>
      %add3A_1422 = arith.addf %add3A_1421, %get3A_4 : vector<16xf32>
      %swap3A = arith.index_cast %scan3A_1332 : i32 to index
      %swap3A_1423 = arith.constant 0 : index
      %swap3A_1424 = tpu.vector_load %arg8[%swap3A, %swap3A_1423] {strides = array<i32>} : memref<128x16xf32, #tpu.memory_space<vmem>>, vector<1x16xf32>,
      %swap3A_1425 = vector.shape_cast %swap3A_1424 : vector<1x16xf32> to vector<16xf32>
      %swap3A_1426 = vector.shape_cast %add3A_1422 : vector<16xf32> to vector<1x16xf32>
      tpu.vector_store %arg8[%swap3A, %swap3A_1423], %swap3A_1426 {strides = array<i32>} : memref<128x16xf32, #tpu.memory_space<vmem>>, vector<1x16xf32>,
    }
    %scan3A_397 = arith.constant 128 : i32
    %dma_start3A_398 = arith.constant 20 : i32
    %dma_start3A_399 = arith.constant 0 : i32
    %dma_start3A_400 = arith.constant 0 : i32
    %dma_start3A_401 = arith.constant 0 : i32
    %dma_start3A_402 = arith.constant 0 : i32
    %dma_start3A_403 = tpu.memref_slice %arg7[%dma_start3A_399, %dma_start3A_400, %dma_start3A_401, %dma_start3A_402] : memref<2x10x128x16xf32, #tpu.memory_space<vmem>> -> memref<1x1x128x16xf32, #tpu.memory_space<vmem>>
    %dma_start3A_404 = tpu.memref_squeeze %dma_start3A_403 : memref<1x1x128x16xf32, #tpu.memory_space<vmem>> -> memref<128x16xf32, #tpu.memory_space<vmem>>
    %dma_start3A_405 = arith.constant 0 : i32
    %dma_start3A_406 = tpu.memref_slice %arg6[%dma_start3A_398, %dma_start3A_405] : memref<50x128xi32, #tpu.memory_space<vmem>> -> memref<1x128xi32, #tpu.memory_space<vmem>>
    %dma_start3A_407 = tpu.memref_squeeze %dma_start3A_406 : memref<1x128xi32, #tpu.memory_space<vmem>> -> memref<128xi32, #tpu.memory_space<vmem>>
    %dma_start3A_408 = arith.constant 0 : i32
    %dma_start3A_409 = arith.constant 0 : i32
    %dma_start3A_410 = tpu.memref_slice %arg2[%dma_start3A_408, %dma_start3A_409] : memref<100000x16xf32, #tpu.memory_space<hbm>> -> memref<100000x16xf32, #tpu.memory_space<hbm>>
    tpu.enqueue_indirect_dma source(%dma_start3A_410 : memref<100000x16xf32, #tpu.memory_space<hbm>>) target(%dma_start3A_404 : memref<128x16xf32, #tpu.memory_space<vmem>>) offsets(%dma_start3A_407 : memref<128xi32, #tpu.memory_space<vmem>>) semaphore(%arg10 : memref<!tpu.dma_semaphore, #tpu.memory_space<semaphore_mem>>)
    %dma_start3A_411 = arith.constant 21 : i32
    %dma_start3A_412 = arith.constant 0 : i32
    %dma_start3A_413 = arith.constant 1 : i32
    %dma_start3A_414 = arith.constant 0 : i32
    %dma_start3A_415 = arith.constant 0 : i32
    %dma_start3A_416 = tpu.memref_slice %arg7[%dma_start3A_412, %dma_start3A_413, %dma_start3A_414, %dma_start3A_415] : memref<2x10x128x16xf32, #tpu.memory_space<vmem>> -> memref<1x1x128x16xf32, #tpu.memory_space<vmem>>
    %dma_start3A_417 = tpu.memref_squeeze %dma_start3A_416 : memref<1x1x128x16xf32, #tpu.memory_space<vmem>> -> memref<128x16xf32, #tpu.memory_space<vmem>>
    %dma_start3A_418 = arith.constant 0 : i32
    %dma_start3A_419 = tpu.memref_slice %arg6[%dma_start3A_411, %dma_start3A_418] : memref<50x128xi32, #tpu.memory_space<vmem>> -> memref<1x128xi32, #tpu.memory_space<vmem>>
    %dma_start3A_420 = tpu.memref_squeeze %dma_start3A_419 : memref<1x128xi32, #tpu.memory_space<vmem>> -> memref<128xi32, #tpu.memory_space<vmem>>
    %dma_start3A_421 = arith.constant 0 : i32
    %dma_start3A_422 = arith.constant 0 : i32
    %dma_start3A_423 = tpu.memref_slice %arg2[%dma_start3A_421, %dma_start3A_422] : memref<100000x16xf32, #tpu.memory_space<hbm>> -> memref<100000x16xf32, #tpu.memory_space<hbm>>
    tpu.enqueue_indirect_dma source(%dma_start3A_423 : memref<100000x16xf32, #tpu.memory_space<hbm>>) target(%dma_start3A_417 : memref<128x16xf32, #tpu.memory_space<vmem>>) offsets(%dma_start3A_420 : memref<128xi32, #tpu.memory_space<vmem>>) semaphore(%arg10 : memref<!tpu.dma_semaphore, #tpu.memory_space<semaphore_mem>>)
    %dma_start3A_424 = arith.constant 22 : i32
    %dma_start3A_425 = arith.constant 0 : i32
    %dma_start3A_426 = arith.constant 2 : i32
    %dma_start3A_427 = arith.constant 0 : i32
    %dma_start3A_428 = arith.constant 0 : i32
    %dma_start3A_429 = tpu.memref_slice %arg7[%dma_start3A_425, %dma_start3A_426, %dma_start3A_427, %dma_start3A_428] : memref<2x10x128x16xf32, #tpu.memory_space<vmem>> -> memref<1x1x128x16xf32, #tpu.memory_space<vmem>>
    %dma_start3A_430 = tpu.memref_squeeze %dma_start3A_429 : memref<1x1x128x16xf32, #tpu.memory_space<vmem>> -> memref<128x16xf32, #tpu.memory_space<vmem>>
    %dma_start3A_431 = arith.constant 0 : i32
    %dma_start3A_432 = tpu.memref_slice %arg6[%dma_start3A_424, %dma_start3A_431] : memref<50x128xi32, #tpu.memory_space<vmem>> -> memref<1x128xi32, #tpu.memory_space<vmem>>
    %dma_start3A_433 = tpu.memref_squeeze %dma_start3A_432 : memref<1x128xi32, #tpu.memory_space<vmem>> -> memref<128xi32, #tpu.memory_space<vmem>>
    %dma_start3A_434 = arith.constant 0 : i32
    %dma_start3A_435 = arith.constant 0 : i32
    %dma_start3A_436 = tpu.memref_slice %arg2[%dma_start3A_434, %dma_start3A_435] : memref<100000x16xf32, #tpu.memory_space<hbm>> -> memref<100000x16xf32, #tpu.memory_space<hbm>>
    tpu.enqueue_indirect_dma source(%dma_start3A_436 : memref<100000x16xf32, #tpu.memory_space<hbm>>) target(%dma_start3A_430 : memref<128x16xf32, #tpu.memory_space<vmem>>) offsets(%dma_start3A_433 : memref<128xi32, #tpu.memory_space<vmem>>) semaphore(%arg10 : memref<!tpu.dma_semaphore, #tpu.memory_space<semaphore_mem>>)
    %dma_start3A_437 = arith.constant 23 : i32
    %dma_start3A_438 = arith.constant 0 : i32
    %dma_start3A_439 = arith.constant 3 : i32
    %dma_start3A_440 = arith.constant 0 : i32
    %dma_start3A_441 = arith.constant 0 : i32
    %dma_start3A_442 = tpu.memref_slice %arg7[%dma_start3A_438, %dma_start3A_439, %dma_start3A_440, %dma_start3A_441] : memref<2x10x128x16xf32, #tpu.memory_space<vmem>> -> memref<1x1x128x16xf32, #tpu.memory_space<vmem>>
    %dma_start3A_443 = tpu.memref_squeeze %dma_start3A_442 : memref<1x1x128x16xf32, #tpu.memory_space<vmem>> -> memref<128x16xf32, #tpu.memory_space<vmem>>
    %dma_start3A_444 = arith.constant 0 : i32
    %dma_start3A_445 = tpu.memref_slice %arg6[%dma_start3A_437, %dma_start3A_444] : memref<50x128xi32, #tpu.memory_space<vmem>> -> memref<1x128xi32, #tpu.memory_space<vmem>>
    %dma_start3A_446 = tpu.memref_squeeze %dma_start3A_445 : memref<1x128xi32, #tpu.memory_space<vmem>> -> memref<128xi32, #tpu.memory_space<vmem>>
    %dma_start3A_447 = arith.constant 0 : i32
    %dma_start3A_448 = arith.constant 0 : i32
    %dma_start3A_449 = tpu.memref_slice %arg2[%dma_start3A_447, %dma_start3A_448] : memref<100000x16xf32, #tpu.memory_space<hbm>> -> memref<100000x16xf32, #tpu.memory_space<hbm>>
    tpu.enqueue_indirect_dma source(%dma_start3A_449 : memref<100000x16xf32, #tpu.memory_space<hbm>>) target(%dma_start3A_443 : memref<128x16xf32, #tpu.memory_space<vmem>>) offsets(%dma_start3A_446 : memref<128xi32, #tpu.memory_space<vmem>>) semaphore(%arg10 : memref<!tpu.dma_semaphore, #tpu.memory_space<semaphore_mem>>)
    %dma_start3A_450 = arith.constant 24 : i32
    %dma_start3A_451 = arith.constant 0 : i32
    %dma_start3A_452 = arith.constant 4 : i32
    %dma_start3A_453 = arith.constant 0 : i32
    %dma_start3A_454 = arith.constant 0 : i32
    %dma_start3A_455 = tpu.memref_slice %arg7[%dma_start3A_451, %dma_start3A_452, %dma_start3A_453, %dma_start3A_454] : memref<2x10x128x16xf32, #tpu.memory_space<vmem>> -> memref<1x1x128x16xf32, #tpu.memory_space<vmem>>
    %dma_start3A_456 = tpu.memref_squeeze %dma_start3A_455 : memref<1x1x128x16xf32, #tpu.memory_space<vmem>> -> memref<128x16xf32, #tpu.memory_space<vmem>>
    %dma_start3A_457 = arith.constant 0 : i32
    %dma_start3A_458 = tpu.memref_slice %arg6[%dma_start3A_450, %dma_start3A_457] : memref<50x128xi32, #tpu.memory_space<vmem>> -> memref<1x128xi32, #tpu.memory_space<vmem>>
    %dma_start3A_459 = tpu.memref_squeeze %dma_start3A_458 : memref<1x128xi32, #tpu.memory_space<vmem>> -> memref<128xi32, #tpu.memory_space<vmem>>
    %dma_start3A_460 = arith.constant 0 : i32
    %dma_start3A_461 = arith.constant 0 : i32
    %dma_start3A_462 = tpu.memref_slice %arg2[%dma_start3A_460, %dma_start3A_461] : memref<100000x16xf32, #tpu.memory_space<hbm>> -> memref<100000x16xf32, #tpu.memory_space<hbm>>
    tpu.enqueue_indirect_dma source(%dma_start3A_462 : memref<100000x16xf32, #tpu.memory_space<hbm>>) target(%dma_start3A_456 : memref<128x16xf32, #tpu.memory_space<vmem>>) offsets(%dma_start3A_459 : memref<128xi32, #tpu.memory_space<vmem>>) semaphore(%arg10 : memref<!tpu.dma_semaphore, #tpu.memory_space<semaphore_mem>>)
    %dma_start3A_463 = arith.constant 25 : i32
    %dma_start3A_464 = arith.constant 0 : i32
    %dma_start3A_465 = arith.constant 5 : i32
    %dma_start3A_466 = arith.constant 0 : i32
    %dma_start3A_467 = arith.constant 0 : i32
    %dma_start3A_468 = tpu.memref_slice %arg7[%dma_start3A_464, %dma_start3A_465, %dma_start3A_466, %dma_start3A_467] : memref<2x10x128x16xf32, #tpu.memory_space<vmem>> -> memref<1x1x128x16xf32, #tpu.memory_space<vmem>>
    %dma_start3A_469 = tpu.memref_squeeze %dma_start3A_468 : memref<1x1x128x16xf32, #tpu.memory_space<vmem>> -> memref<128x16xf32, #tpu.memory_space<vmem>>
    %dma_start3A_470 = arith.constant 0 : i32
    %dma_start3A_471 = tpu.memref_slice %arg6[%dma_start3A_463, %dma_start3A_470] : memref<50x128xi32, #tpu.memory_space<vmem>> -> memref<1x128xi32, #tpu.memory_space<vmem>>
    %dma_start3A_472 = tpu.memref_squeeze %dma_start3A_471 : memref<1x128xi32, #tpu.memory_space<vmem>> -> memref<128xi32, #tpu.memory_space<vmem>>
    %dma_start3A_473 = arith.constant 0 : i32
    %dma_start3A_474 = arith.constant 0 : i32
    %dma_start3A_475 = tpu.memref_slice %arg2[%dma_start3A_473, %dma_start3A_474] : memref<100000x16xf32, #tpu.memory_space<hbm>> -> memref<100000x16xf32, #tpu.memory_space<hbm>>
    tpu.enqueue_indirect_dma source(%dma_start3A_475 : memref<100000x16xf32, #tpu.memory_space<hbm>>) target(%dma_start3A_469 : memref<128x16xf32, #tpu.memory_space<vmem>>) offsets(%dma_start3A_472 : memref<128xi32, #tpu.memory_space<vmem>>) semaphore(%arg10 : memref<!tpu.dma_semaphore, #tpu.memory_space<semaphore_mem>>)
    %dma_start3A_476 = arith.constant 26 : i32
    %dma_start3A_477 = arith.constant 0 : i32
    %dma_start3A_478 = arith.constant 6 : i32
    %dma_start3A_479 = arith.constant 0 : i32
    %dma_start3A_480 = arith.constant 0 : i32
    %dma_start3A_481 = tpu.memref_slice %arg7[%dma_start3A_477, %dma_start3A_478, %dma_start3A_479, %dma_start3A_480] : memref<2x10x128x16xf32, #tpu.memory_space<vmem>> -> memref<1x1x128x16xf32, #tpu.memory_space<vmem>>
    %dma_start3A_482 = tpu.memref_squeeze %dma_start3A_481 : memref<1x1x128x16xf32, #tpu.memory_space<vmem>> -> memref<128x16xf32, #tpu.memory_space<vmem>>
    %dma_start3A_483 = arith.constant 0 : i32
    %dma_start3A_484 = tpu.memref_slice %arg6[%dma_start3A_476, %dma_start3A_483] : memref<50x128xi32, #tpu.memory_space<vmem>> -> memref<1x128xi32, #tpu.memory_space<vmem>>
    %dma_start3A_485 = tpu.memref_squeeze %dma_start3A_484 : memref<1x128xi32, #tpu.memory_space<vmem>> -> memref<128xi32, #tpu.memory_space<vmem>>
    %dma_start3A_486 = arith.constant 0 : i32
    %dma_start3A_487 = arith.constant 0 : i32
    %dma_start3A_488 = tpu.memref_slice %arg2[%dma_start3A_486, %dma_start3A_487] : memref<100000x16xf32, #tpu.memory_space<hbm>> -> memref<100000x16xf32, #tpu.memory_space<hbm>>
    tpu.enqueue_indirect_dma source(%dma_start3A_488 : memref<100000x16xf32, #tpu.memory_space<hbm>>) target(%dma_start3A_482 : memref<128x16xf32, #tpu.memory_space<vmem>>) offsets(%dma_start3A_485 : memref<128xi32, #tpu.memory_space<vmem>>) semaphore(%arg10 : memref<!tpu.dma_semaphore, #tpu.memory_space<semaphore_mem>>)
    %dma_start3A_489 = arith.constant 27 : i32
    %dma_start3A_490 = arith.constant 0 : i32
    %dma_start3A_491 = arith.constant 7 : i32
    %dma_start3A_492 = arith.constant 0 : i32
    %dma_start3A_493 = arith.constant 0 : i32
    %dma_start3A_494 = tpu.memref_slice %arg7[%dma_start3A_490, %dma_start3A_491, %dma_start3A_492, %dma_start3A_493] : memref<2x10x128x16xf32, #tpu.memory_space<vmem>> -> memref<1x1x128x16xf32, #tpu.memory_space<vmem>>
    %dma_start3A_495 = tpu.memref_squeeze %dma_start3A_494 : memref<1x1x128x16xf32, #tpu.memory_space<vmem>> -> memref<128x16xf32, #tpu.memory_space<vmem>>
    %dma_start3A_496 = arith.constant 0 : i32
    %dma_start3A_497 = tpu.memref_slice %arg6[%dma_start3A_489, %dma_start3A_496] : memref<50x128xi32, #tpu.memory_space<vmem>> -> memref<1x128xi32, #tpu.memory_space<vmem>>
    %dma_start3A_498 = tpu.memref_squeeze %dma_start3A_497 : memref<1x128xi32, #tpu.memory_space<vmem>> -> memref<128xi32, #tpu.memory_space<vmem>>
    %dma_start3A_499 = arith.constant 0 : i32
    %dma_start3A_500 = arith.constant 0 : i32
    %dma_start3A_501 = tpu.memref_slice %arg2[%dma_start3A_499, %dma_start3A_500] : memref<100000x16xf32, #tpu.memory_space<hbm>> -> memref<100000x16xf32, #tpu.memory_space<hbm>>
    tpu.enqueue_indirect_dma source(%dma_start3A_501 : memref<100000x16xf32, #tpu.memory_space<hbm>>) target(%dma_start3A_495 : memref<128x16xf32, #tpu.memory_space<vmem>>) offsets(%dma_start3A_498 : memref<128xi32, #tpu.memory_space<vmem>>) semaphore(%arg10 : memref<!tpu.dma_semaphore, #tpu.memory_space<semaphore_mem>>)
    %dma_start3A_502 = arith.constant 28 : i32
    %dma_start3A_503 = arith.constant 0 : i32
    %dma_start3A_504 = arith.constant 8 : i32
    %dma_start3A_505 = arith.constant 0 : i32
    %dma_start3A_506 = arith.constant 0 : i32
    %dma_start3A_507 = tpu.memref_slice %arg7[%dma_start3A_503, %dma_start3A_504, %dma_start3A_505, %dma_start3A_506] : memref<2x10x128x16xf32, #tpu.memory_space<vmem>> -> memref<1x1x128x16xf32, #tpu.memory_space<vmem>>
    %dma_start3A_508 = tpu.memref_squeeze %dma_start3A_507 : memref<1x1x128x16xf32, #tpu.memory_space<vmem>> -> memref<128x16xf32, #tpu.memory_space<vmem>>
    %dma_start3A_509 = arith.constant 0 : i32
    %dma_start3A_510 = tpu.memref_slice %arg6[%dma_start3A_502, %dma_start3A_509] : memref<50x128xi32, #tpu.memory_space<vmem>> -> memref<1x128xi32, #tpu.memory_space<vmem>>
    %dma_start3A_511 = tpu.memref_squeeze %dma_start3A_510 : memref<1x128xi32, #tpu.memory_space<vmem>> -> memref<128xi32, #tpu.memory_space<vmem>>
    %dma_start3A_512 = arith.constant 0 : i32
    %dma_start3A_513 = arith.constant 0 : i32
    %dma_start3A_514 = tpu.memref_slice %arg2[%dma_start3A_512, %dma_start3A_513] : memref<100000x16xf32, #tpu.memory_space<hbm>> -> memref<100000x16xf32, #tpu.memory_space<hbm>>
    tpu.enqueue_indirect_dma source(%dma_start3A_514 : memref<100000x16xf32, #tpu.memory_space<hbm>>) target(%dma_start3A_508 : memref<128x16xf32, #tpu.memory_space<vmem>>) offsets(%dma_start3A_511 : memref<128xi32, #tpu.memory_space<vmem>>) semaphore(%arg10 : memref<!tpu.dma_semaphore, #tpu.memory_space<semaphore_mem>>)
    %dma_start3A_515 = arith.constant 29 : i32
    %dma_start3A_516 = arith.constant 0 : i32
    %dma_start3A_517 = arith.constant 9 : i32
    %dma_start3A_518 = arith.constant 0 : i32
    %dma_start3A_519 = arith.constant 0 : i32
    %dma_start3A_520 = tpu.memref_slice %arg7[%dma_start3A_516, %dma_start3A_517, %dma_start3A_518, %dma_start3A_519] : memref<2x10x128x16xf32, #tpu.memory_space<vmem>> -> memref<1x1x128x16xf32, #tpu.memory_space<vmem>>
    %dma_start3A_521 = tpu.memref_squeeze %dma_start3A_520 : memref<1x1x128x16xf32, #tpu.memory_space<vmem>> -> memref<128x16xf32, #tpu.memory_space<vmem>>
    %dma_start3A_522 = arith.constant 0 : i32
    %dma_start3A_523 = tpu.memref_slice %arg6[%dma_start3A_515, %dma_start3A_522] : memref<50x128xi32, #tpu.memory_space<vmem>> -> memref<1x128xi32, #tpu.memory_space<vmem>>
    %dma_start3A_524 = tpu.memref_squeeze %dma_start3A_523 : memref<1x128xi32, #tpu.memory_space<vmem>> -> memref<128xi32, #tpu.memory_space<vmem>>
    %dma_start3A_525 = arith.constant 0 : i32
    %dma_start3A_526 = arith.constant 0 : i32
    %dma_start3A_527 = tpu.memref_slice %arg2[%dma_start3A_525, %dma_start3A_526] : memref<100000x16xf32, #tpu.memory_space<hbm>> -> memref<100000x16xf32, #tpu.memory_space<hbm>>
    tpu.enqueue_indirect_dma source(%dma_start3A_527 : memref<100000x16xf32, #tpu.memory_space<hbm>>) target(%dma_start3A_521 : memref<128x16xf32, #tpu.memory_space<vmem>>) offsets(%dma_start3A_524 : memref<128xi32, #tpu.memory_space<vmem>>) semaphore(%arg10 : memref<!tpu.dma_semaphore, #tpu.memory_space<semaphore_mem>>)
    %dma_wait3A_528 = arith.constant 10 : i32
    %dma_wait3A_529 = arith.constant 1 : i32
    %dma_wait3A_530 = arith.constant 0 : i32
    %dma_wait3A_531 = arith.constant 0 : i32
    %dma_wait3A_532 = arith.constant 0 : i32
    %dma_wait3A_533 = tpu.memref_slice %arg7[%dma_wait3A_529, %dma_wait3A_530, %dma_wait3A_531, %dma_wait3A_532] : memref<2x10x128x16xf32, #tpu.memory_space<vmem>> -> memref<1x1x128x16xf32, #tpu.memory_space<vmem>>
    %dma_wait3A_534 = tpu.memref_squeeze %dma_wait3A_533 : memref<1x1x128x16xf32, #tpu.memory_space<vmem>> -> memref<128x16xf32, #tpu.memory_space<vmem>>
    %dma_wait3A_535 = arith.constant 0 : i32
    %dma_wait3A_536 = tpu.memref_slice %arg6[%dma_wait3A_528, %dma_wait3A_535] : memref<50x128xi32, #tpu.memory_space<vmem>> -> memref<1x128xi32, #tpu.memory_space<vmem>>
    %dma_wait3A_537 = tpu.memref_squeeze %dma_wait3A_536 : memref<1x128xi32, #tpu.memory_space<vmem>> -> memref<128xi32, #tpu.memory_space<vmem>>
    %dma_wait3A_538 = arith.constant 0 : i32
    %dma_wait3A_539 = arith.constant 0 : i32
    %dma_wait3A_540 = tpu.memref_slice %arg2[%dma_wait3A_538, %dma_wait3A_539] : memref<100000x16xf32, #tpu.memory_space<hbm>> -> memref<100000x16xf32, #tpu.memory_space<hbm>>
    tpu.wait_indirect_dma semaphore(%arg11 : memref<!tpu.dma_semaphore, #tpu.memory_space<semaphore_mem>>) src(%dma_wait3A_540 : memref<100000x16xf32, #tpu.memory_space<hbm>>) dst(%dma_wait3A_534 : memref<128x16xf32, #tpu.memory_space<vmem>>)
    %dma_wait3A_541 = arith.constant 11 : i32
    %dma_wait3A_542 = arith.constant 1 : i32
    %dma_wait3A_543 = arith.constant 1 : i32
    %dma_wait3A_544 = arith.constant 0 : i32
    %dma_wait3A_545 = arith.constant 0 : i32
    %dma_wait3A_546 = tpu.memref_slice %arg7[%dma_wait3A_542, %dma_wait3A_543, %dma_wait3A_544, %dma_wait3A_545] : memref<2x10x128x16xf32, #tpu.memory_space<vmem>> -> memref<1x1x128x16xf32, #tpu.memory_space<vmem>>
    %dma_wait3A_547 = tpu.memref_squeeze %dma_wait3A_546 : memref<1x1x128x16xf32, #tpu.memory_space<vmem>> -> memref<128x16xf32, #tpu.memory_space<vmem>>
    %dma_wait3A_548 = arith.constant 0 : i32
    %dma_wait3A_549 = tpu.memref_slice %arg6[%dma_wait3A_541, %dma_wait3A_548] : memref<50x128xi32, #tpu.memory_space<vmem>> -> memref<1x128xi32, #tpu.memory_space<vmem>>
    %dma_wait3A_550 = tpu.memref_squeeze %dma_wait3A_549 : memref<1x128xi32, #tpu.memory_space<vmem>> -> memref<128xi32, #tpu.memory_space<vmem>>
    %dma_wait3A_551 = arith.constant 0 : i32
    %dma_wait3A_552 = arith.constant 0 : i32
    %dma_wait3A_553 = tpu.memref_slice %arg2[%dma_wait3A_551, %dma_wait3A_552] : memref<100000x16xf32, #tpu.memory_space<hbm>> -> memref<100000x16xf32, #tpu.memory_space<hbm>>
    tpu.wait_indirect_dma semaphore(%arg11 : memref<!tpu.dma_semaphore, #tpu.memory_space<semaphore_mem>>) src(%dma_wait3A_553 : memref<100000x16xf32, #tpu.memory_space<hbm>>) dst(%dma_wait3A_547 : memref<128x16xf32, #tpu.memory_space<vmem>>)
    %dma_wait3A_554 = arith.constant 12 : i32
    %dma_wait3A_555 = arith.constant 1 : i32
    %dma_wait3A_556 = arith.constant 2 : i32
    %dma_wait3A_557 = arith.constant 0 : i32
    %dma_wait3A_558 = arith.constant 0 : i32
    %dma_wait3A_559 = tpu.memref_slice %arg7[%dma_wait3A_555, %dma_wait3A_556, %dma_wait3A_557, %dma_wait3A_558] : memref<2x10x128x16xf32, #tpu.memory_space<vmem>> -> memref<1x1x128x16xf32, #tpu.memory_space<vmem>>
    %dma_wait3A_560 = tpu.memref_squeeze %dma_wait3A_559 : memref<1x1x128x16xf32, #tpu.memory_space<vmem>> -> memref<128x16xf32, #tpu.memory_space<vmem>>
    %dma_wait3A_561 = arith.constant 0 : i32
    %dma_wait3A_562 = tpu.memref_slice %arg6[%dma_wait3A_554, %dma_wait3A_561] : memref<50x128xi32, #tpu.memory_space<vmem>> -> memref<1x128xi32, #tpu.memory_space<vmem>>
    %dma_wait3A_563 = tpu.memref_squeeze %dma_wait3A_562 : memref<1x128xi32, #tpu.memory_space<vmem>> -> memref<128xi32, #tpu.memory_space<vmem>>
    %dma_wait3A_564 = arith.constant 0 : i32
    %dma_wait3A_565 = arith.constant 0 : i32
    %dma_wait3A_566 = tpu.memref_slice %arg2[%dma_wait3A_564, %dma_wait3A_565] : memref<100000x16xf32, #tpu.memory_space<hbm>> -> memref<100000x16xf32, #tpu.memory_space<hbm>>
    tpu.wait_indirect_dma semaphore(%arg11 : memref<!tpu.dma_semaphore, #tpu.memory_space<semaphore_mem>>) src(%dma_wait3A_566 : memref<100000x16xf32, #tpu.memory_space<hbm>>) dst(%dma_wait3A_560 : memref<128x16xf32, #tpu.memory_space<vmem>>)
    %dma_wait3A_567 = arith.constant 13 : i32
    %dma_wait3A_568 = arith.constant 1 : i32
    %dma_wait3A_569 = arith.constant 3 : i32
    %dma_wait3A_570 = arith.constant 0 : i32
    %dma_wait3A_571 = arith.constant 0 : i32
    %dma_wait3A_572 = tpu.memref_slice %arg7[%dma_wait3A_568, %dma_wait3A_569, %dma_wait3A_570, %dma_wait3A_571] : memref<2x10x128x16xf32, #tpu.memory_space<vmem>> -> memref<1x1x128x16xf32, #tpu.memory_space<vmem>>
    %dma_wait3A_573 = tpu.memref_squeeze %dma_wait3A_572 : memref<1x1x128x16xf32, #tpu.memory_space<vmem>> -> memref<128x16xf32, #tpu.memory_space<vmem>>
    %dma_wait3A_574 = arith.constant 0 : i32
    %dma_wait3A_575 = tpu.memref_slice %arg6[%dma_wait3A_567, %dma_wait3A_574] : memref<50x128xi32, #tpu.memory_space<vmem>> -> memref<1x128xi32, #tpu.memory_space<vmem>>
    %dma_wait3A_576 = tpu.memref_squeeze %dma_wait3A_575 : memref<1x128xi32, #tpu.memory_space<vmem>> -> memref<128xi32, #tpu.memory_space<vmem>>
    %dma_wait3A_577 = arith.constant 0 : i32
    %dma_wait3A_578 = arith.constant 0 : i32
    %dma_wait3A_579 = tpu.memref_slice %arg2[%dma_wait3A_577, %dma_wait3A_578] : memref<100000x16xf32, #tpu.memory_space<hbm>> -> memref<100000x16xf32, #tpu.memory_space<hbm>>
    tpu.wait_indirect_dma semaphore(%arg11 : memref<!tpu.dma_semaphore, #tpu.memory_space<semaphore_mem>>) src(%dma_wait3A_579 : memref<100000x16xf32, #tpu.memory_space<hbm>>) dst(%dma_wait3A_573 : memref<128x16xf32, #tpu.memory_space<vmem>>)
    %dma_wait3A_580 = arith.constant 14 : i32
    %dma_wait3A_581 = arith.constant 1 : i32
    %dma_wait3A_582 = arith.constant 4 : i32
    %dma_wait3A_583 = arith.constant 0 : i32
    %dma_wait3A_584 = arith.constant 0 : i32
    %dma_wait3A_585 = tpu.memref_slice %arg7[%dma_wait3A_581, %dma_wait3A_582, %dma_wait3A_583, %dma_wait3A_584] : memref<2x10x128x16xf32, #tpu.memory_space<vmem>> -> memref<1x1x128x16xf32, #tpu.memory_space<vmem>>
    %dma_wait3A_586 = tpu.memref_squeeze %dma_wait3A_585 : memref<1x1x128x16xf32, #tpu.memory_space<vmem>> -> memref<128x16xf32, #tpu.memory_space<vmem>>
    %dma_wait3A_587 = arith.constant 0 : i32
    %dma_wait3A_588 = tpu.memref_slice %arg6[%dma_wait3A_580, %dma_wait3A_587] : memref<50x128xi32, #tpu.memory_space<vmem>> -> memref<1x128xi32, #tpu.memory_space<vmem>>
    %dma_wait3A_589 = tpu.memref_squeeze %dma_wait3A_588 : memref<1x128xi32, #tpu.memory_space<vmem>> -> memref<128xi32, #tpu.memory_space<vmem>>
    %dma_wait3A_590 = arith.constant 0 : i32
    %dma_wait3A_591 = arith.constant 0 : i32
    %dma_wait3A_592 = tpu.memref_slice %arg2[%dma_wait3A_590, %dma_wait3A_591] : memref<100000x16xf32, #tpu.memory_space<hbm>> -> memref<100000x16xf32, #tpu.memory_space<hbm>>
    tpu.wait_indirect_dma semaphore(%arg11 : memref<!tpu.dma_semaphore, #tpu.memory_space<semaphore_mem>>) src(%dma_wait3A_592 : memref<100000x16xf32, #tpu.memory_space<hbm>>) dst(%dma_wait3A_586 : memref<128x16xf32, #tpu.memory_space<vmem>>)
    %dma_wait3A_593 = arith.constant 15 : i32
    %dma_wait3A_594 = arith.constant 1 : i32
    %dma_wait3A_595 = arith.constant 5 : i32
    %dma_wait3A_596 = arith.constant 0 : i32
    %dma_wait3A_597 = arith.constant 0 : i32
    %dma_wait3A_598 = tpu.memref_slice %arg7[%dma_wait3A_594, %dma_wait3A_595, %dma_wait3A_596, %dma_wait3A_597] : memref<2x10x128x16xf32, #tpu.memory_space<vmem>> -> memref<1x1x128x16xf32, #tpu.memory_space<vmem>>
    %dma_wait3A_599 = tpu.memref_squeeze %dma_wait3A_598 : memref<1x1x128x16xf32, #tpu.memory_space<vmem>> -> memref<128x16xf32, #tpu.memory_space<vmem>>
    %dma_wait3A_600 = arith.constant 0 : i32
    %dma_wait3A_601 = tpu.memref_slice %arg6[%dma_wait3A_593, %dma_wait3A_600] : memref<50x128xi32, #tpu.memory_space<vmem>> -> memref<1x128xi32, #tpu.memory_space<vmem>>
    %dma_wait3A_602 = tpu.memref_squeeze %dma_wait3A_601 : memref<1x128xi32, #tpu.memory_space<vmem>> -> memref<128xi32, #tpu.memory_space<vmem>>
    %dma_wait3A_603 = arith.constant 0 : i32
    %dma_wait3A_604 = arith.constant 0 : i32
    %dma_wait3A_605 = tpu.memref_slice %arg2[%dma_wait3A_603, %dma_wait3A_604] : memref<100000x16xf32, #tpu.memory_space<hbm>> -> memref<100000x16xf32, #tpu.memory_space<hbm>>
    tpu.wait_indirect_dma semaphore(%arg11 : memref<!tpu.dma_semaphore, #tpu.memory_space<semaphore_mem>>) src(%dma_wait3A_605 : memref<100000x16xf32, #tpu.memory_space<hbm>>) dst(%dma_wait3A_599 : memref<128x16xf32, #tpu.memory_space<vmem>>)
    %dma_wait3A_606 = arith.constant 16 : i32
    %dma_wait3A_607 = arith.constant 1 : i32
    %dma_wait3A_608 = arith.constant 6 : i32
    %dma_wait3A_609 = arith.constant 0 : i32
    %dma_wait3A_610 = arith.constant 0 : i32
    %dma_wait3A_611 = tpu.memref_slice %arg7[%dma_wait3A_607, %dma_wait3A_608, %dma_wait3A_609, %dma_wait3A_610] : memref<2x10x128x16xf32, #tpu.memory_space<vmem>> -> memref<1x1x128x16xf32, #tpu.memory_space<vmem>>
    %dma_wait3A_612 = tpu.memref_squeeze %dma_wait3A_611 : memref<1x1x128x16xf32, #tpu.memory_space<vmem>> -> memref<128x16xf32, #tpu.memory_space<vmem>>
    %dma_wait3A_613 = arith.constant 0 : i32
    %dma_wait3A_614 = tpu.memref_slice %arg6[%dma_wait3A_606, %dma_wait3A_613] : memref<50x128xi32, #tpu.memory_space<vmem>> -> memref<1x128xi32, #tpu.memory_space<vmem>>
    %dma_wait3A_615 = tpu.memref_squeeze %dma_wait3A_614 : memref<1x128xi32, #tpu.memory_space<vmem>> -> memref<128xi32, #tpu.memory_space<vmem>>
    %dma_wait3A_616 = arith.constant 0 : i32
    %dma_wait3A_617 = arith.constant 0 : i32
    %dma_wait3A_618 = tpu.memref_slice %arg2[%dma_wait3A_616, %dma_wait3A_617] : memref<100000x16xf32, #tpu.memory_space<hbm>> -> memref<100000x16xf32, #tpu.memory_space<hbm>>
    tpu.wait_indirect_dma semaphore(%arg11 : memref<!tpu.dma_semaphore, #tpu.memory_space<semaphore_mem>>) src(%dma_wait3A_618 : memref<100000x16xf32, #tpu.memory_space<hbm>>) dst(%dma_wait3A_612 : memref<128x16xf32, #tpu.memory_space<vmem>>)
    %dma_wait3A_619 = arith.constant 17 : i32
    %dma_wait3A_620 = arith.constant 1 : i32
    %dma_wait3A_621 = arith.constant 7 : i32
    %dma_wait3A_622 = arith.constant 0 : i32
    %dma_wait3A_623 = arith.constant 0 : i32
    %dma_wait3A_624 = tpu.memref_slice %arg7[%dma_wait3A_620, %dma_wait3A_621, %dma_wait3A_622, %dma_wait3A_623] : memref<2x10x128x16xf32, #tpu.memory_space<vmem>> -> memref<1x1x128x16xf32, #tpu.memory_space<vmem>>
    %dma_wait3A_625 = tpu.memref_squeeze %dma_wait3A_624 : memref<1x1x128x16xf32, #tpu.memory_space<vmem>> -> memref<128x16xf32, #tpu.memory_space<vmem>>
    %dma_wait3A_626 = arith.constant 0 : i32
    %dma_wait3A_627 = tpu.memref_slice %arg6[%dma_wait3A_619, %dma_wait3A_626] : memref<50x128xi32, #tpu.memory_space<vmem>> -> memref<1x128xi32, #tpu.memory_space<vmem>>
    %dma_wait3A_628 = tpu.memref_squeeze %dma_wait3A_627 : memref<1x128xi32, #tpu.memory_space<vmem>> -> memref<128xi32, #tpu.memory_space<vmem>>
    %dma_wait3A_629 = arith.constant 0 : i32
    %dma_wait3A_630 = arith.constant 0 : i32
    %dma_wait3A_631 = tpu.memref_slice %arg2[%dma_wait3A_629, %dma_wait3A_630] : memref<100000x16xf32, #tpu.memory_space<hbm>> -> memref<100000x16xf32, #tpu.memory_space<hbm>>
    tpu.wait_indirect_dma semaphore(%arg11 : memref<!tpu.dma_semaphore, #tpu.memory_space<semaphore_mem>>) src(%dma_wait3A_631 : memref<100000x16xf32, #tpu.memory_space<hbm>>) dst(%dma_wait3A_625 : memref<128x16xf32, #tpu.memory_space<vmem>>)
    %dma_wait3A_632 = arith.constant 18 : i32
    %dma_wait3A_633 = arith.constant 1 : i32
    %dma_wait3A_634 = arith.constant 8 : i32
    %dma_wait3A_635 = arith.constant 0 : i32
    %dma_wait3A_636 = arith.constant 0 : i32
    %dma_wait3A_637 = tpu.memref_slice %arg7[%dma_wait3A_633, %dma_wait3A_634, %dma_wait3A_635, %dma_wait3A_636] : memref<2x10x128x16xf32, #tpu.memory_space<vmem>> -> memref<1x1x128x16xf32, #tpu.memory_space<vmem>>
    %dma_wait3A_638 = tpu.memref_squeeze %dma_wait3A_637 : memref<1x1x128x16xf32, #tpu.memory_space<vmem>> -> memref<128x16xf32, #tpu.memory_space<vmem>>
    %dma_wait3A_639 = arith.constant 0 : i32
    %dma_wait3A_640 = tpu.memref_slice %arg6[%dma_wait3A_632, %dma_wait3A_639] : memref<50x128xi32, #tpu.memory_space<vmem>> -> memref<1x128xi32, #tpu.memory_space<vmem>>
    %dma_wait3A_641 = tpu.memref_squeeze %dma_wait3A_640 : memref<1x128xi32, #tpu.memory_space<vmem>> -> memref<128xi32, #tpu.memory_space<vmem>>
    %dma_wait3A_642 = arith.constant 0 : i32
    %dma_wait3A_643 = arith.constant 0 : i32
    %dma_wait3A_644 = tpu.memref_slice %arg2[%dma_wait3A_642, %dma_wait3A_643] : memref<100000x16xf32, #tpu.memory_space<hbm>> -> memref<100000x16xf32, #tpu.memory_space<hbm>>
    tpu.wait_indirect_dma semaphore(%arg11 : memref<!tpu.dma_semaphore, #tpu.memory_space<semaphore_mem>>) src(%dma_wait3A_644 : memref<100000x16xf32, #tpu.memory_space<hbm>>) dst(%dma_wait3A_638 : memref<128x16xf32, #tpu.memory_space<vmem>>)
    %dma_wait3A_645 = arith.constant 19 : i32
    %dma_wait3A_646 = arith.constant 1 : i32
    %dma_wait3A_647 = arith.constant 9 : i32
    %dma_wait3A_648 = arith.constant 0 : i32
    %dma_wait3A_649 = arith.constant 0 : i32
    %dma_wait3A_650 = tpu.memref_slice %arg7[%dma_wait3A_646, %dma_wait3A_647, %dma_wait3A_648, %dma_wait3A_649] : memref<2x10x128x16xf32, #tpu.memory_space<vmem>> -> memref<1x1x128x16xf32, #tpu.memory_space<vmem>>
    %dma_wait3A_651 = tpu.memref_squeeze %dma_wait3A_650 : memref<1x1x128x16xf32, #tpu.memory_space<vmem>> -> memref<128x16xf32, #tpu.memory_space<vmem>>
    %dma_wait3A_652 = arith.constant 0 : i32
    %dma_wait3A_653 = tpu.memref_slice %arg6[%dma_wait3A_645, %dma_wait3A_652] : memref<50x128xi32, #tpu.memory_space<vmem>> -> memref<1x128xi32, #tpu.memory_space<vmem>>
    %dma_wait3A_654 = tpu.memref_squeeze %dma_wait3A_653 : memref<1x128xi32, #tpu.memory_space<vmem>> -> memref<128xi32, #tpu.memory_space<vmem>>
    %dma_wait3A_655 = arith.constant 0 : i32
    %dma_wait3A_656 = arith.constant 0 : i32
    %dma_wait3A_657 = tpu.memref_slice %arg2[%dma_wait3A_655, %dma_wait3A_656] : memref<100000x16xf32, #tpu.memory_space<hbm>> -> memref<100000x16xf32, #tpu.memory_space<hbm>>
    tpu.wait_indirect_dma semaphore(%arg11 : memref<!tpu.dma_semaphore, #tpu.memory_space<semaphore_mem>>) src(%dma_wait3A_657 : memref<100000x16xf32, #tpu.memory_space<hbm>>) dst(%dma_wait3A_651 : memref<128x16xf32, #tpu.memory_space<vmem>>)
    %scan3A_658 = arith.constant 0 : i32
    %scan3A_659 = arith.constant 0 : i32
    %scan3A_660 = arith.constant 128 : i32
    %scan3A_661 = arith.addi %scan3A_659, %scan3A_660 : i32
    %scan3A_662 = arith.constant 1 : i32
    scf.for %scan3A_1332 = %scan3A_659 to %scan3A_661 step %scan3A_662  : i32 {
      %get3A_1333 = arith.constant 1 : i32
      %get3A_1334 = arith.constant 0 : i32
      %get3A_1335 = arith.index_cast %get3A_1333 : i32 to index
      %get3A_1336 = arith.index_cast %get3A_1334 : i32 to index
      %get3A_1337 = arith.index_cast %scan3A_1332 : i32 to index
      %get3A_1338 = arith.constant 0 : index
      %get3A_1339 = tpu.vector_load %arg7[%get3A_1335, %get3A_1336, %get3A_1337, %get3A_1338] {strides = array<i32>} : memref<2x10x128x16xf32, #tpu.memory_space<vmem>>, vector<1x1x1x16xf32>,
      %get3A_1340 = vector.shape_cast %get3A_1339 : vector<1x1x1x16xf32> to vector<16xf32>
      %get3A_1341 = arith.constant 1 : i32
      %get3A_1342 = arith.constant 1 : i32
      %get3A_1343 = arith.index_cast %get3A_1341 : i32 to index
      %get3A_1344 = arith.index_cast %get3A_1342 : i32 to index
      %get3A_1345 = arith.index_cast %scan3A_1332 : i32 to index
      %get3A_1346 = arith.constant 0 : index
      %get3A_1347 = tpu.vector_load %arg7[%get3A_1343, %get3A_1344, %get3A_1345, %get3A_1346] {strides = array<i32>} : memref<2x10x128x16xf32, #tpu.memory_space<vmem>>, vector<1x1x1x16xf32>,
      %get3A_1348 = vector.shape_cast %get3A_1347 : vector<1x1x1x16xf32> to vector<16xf32>
      %get3A_1349 = arith.constant 1 : i32
      %get3A_1350 = arith.constant 2 : i32
      %get3A_1351 = arith.index_cast %get3A_1349 : i32 to index
      %get3A_1352 = arith.index_cast %get3A_1350 : i32 to index
      %get3A_1353 = arith.index_cast %scan3A_1332 : i32 to index
      %get3A_1354 = arith.constant 0 : index
      %get3A_1355 = tpu.vector_load %arg7[%get3A_1351, %get3A_1352, %get3A_1353, %get3A_1354] {strides = array<i32>} : memref<2x10x128x16xf32, #tpu.memory_space<vmem>>, vector<1x1x1x16xf32>,
      %get3A_1356 = vector.shape_cast %get3A_1355 : vector<1x1x1x16xf32> to vector<16xf32>
      %add3A_1357 = arith.addf %get3A_1340, %get3A_1356 : vector<16xf32>
      %get3A_1358 = arith.constant 1 : i32
      %get3A_1359 = arith.constant 3 : i32
      %get3A_1360 = arith.index_cast %get3A_1358 : i32 to index
      %get3A_1361 = arith.index_cast %get3A_1359 : i32 to index
      %get3A_1362 = arith.index_cast %scan3A_1332 : i32 to index
      %get3A_1363 = arith.constant 0 : index
      %get3A_1364 = tpu.vector_load %arg7[%get3A_1360, %get3A_1361, %get3A_1362, %get3A_1363] {strides = array<i32>} : memref<2x10x128x16xf32, #tpu.memory_space<vmem>>, vector<1x1x1x16xf32>,
      %get3A_1365 = vector.shape_cast %get3A_1364 : vector<1x1x1x16xf32> to vector<16xf32>
      %add3A_1366 = arith.addf %get3A_1348, %get3A_1365 : vector<16xf32>
      %get3A_1367 = arith.constant 1 : i32
      %get3A_1368 = arith.constant 4 : i32
      %get3A_1369 = arith.index_cast %get3A_1367 : i32 to index
      %get3A_1370 = arith.index_cast %get3A_1368 : i32 to index
      %get3A_1371 = arith.index_cast %scan3A_1332 : i32 to index
      %get3A_1372 = arith.constant 0 : index
      %get3A_1373 = tpu.vector_load %arg7[%get3A_1369, %get3A_1370, %get3A_1371, %get3A_1372] {strides = array<i32>} : memref<2x10x128x16xf32, #tpu.memory_space<vmem>>, vector<1x1x1x16xf32>,
      %get3A_1374 = vector.shape_cast %get3A_1373 : vector<1x1x1x16xf32> to vector<16xf32>
      %add3A_1375 = arith.addf %add3A_1357, %get3A_1374 : vector<16xf32>
      %get3A_1376 = arith.constant 1 : i32
      %get3A_1377 = arith.constant 5 : i32
      %get3A_1378 = arith.index_cast %get3A_1376 : i32 to index
      %get3A_1379 = arith.index_cast %get3A_1377 : i32 to index
      %get3A_1380 = arith.index_cast %scan3A_1332 : i32 to index
      %get3A_1381 = arith.constant 0 : index
      %get3A_1382 = tpu.vector_load %arg7[%get3A_1378, %get3A_1379, %get3A_1380, %get3A_1381] {strides = array<i32>} : memref<2x10x128x16xf32, #tpu.memory_space<vmem>>, vector<1x1x1x16xf32>,
      %get3A_1383 = vector.shape_cast %get3A_1382 : vector<1x1x1x16xf32> to vector<16xf32>
      %add3A_1384 = arith.addf %add3A_1366, %get3A_1383 : vector<16xf32>
      %get3A_1385 = arith.constant 1 : i32
      %get3A_1386 = arith.constant 6 : i32
      %get3A_1387 = arith.index_cast %get3A_1385 : i32 to index
      %get3A_1388 = arith.index_cast %get3A_1386 : i32 to index
      %get3A_1389 = arith.index_cast %scan3A_1332 : i32 to index
      %get3A_1390 = arith.constant 0 : index
      %get3A_1391 = tpu.vector_load %arg7[%get3A_1387, %get3A_1388, %get3A_1389, %get3A_1390] {strides = array<i32>} : memref<2x10x128x16xf32, #tpu.memory_space<vmem>>, vector<1x1x1x16xf32>,
      %get3A_1392 = vector.shape_cast %get3A_1391 : vector<1x1x1x16xf32> to vector<16xf32>
      %add3A_1393 = arith.addf %add3A_1375, %get3A_1392 : vector<16xf32>
      %get3A_1394 = arith.constant 1 : i32
      %get3A_1395 = arith.constant 7 : i32
      %get3A_1396 = arith.index_cast %get3A_1394 : i32 to index
      %get3A_1397 = arith.index_cast %get3A_1395 : i32 to index
      %get3A_1398 = arith.index_cast %scan3A_1332 : i32 to index
      %get3A_1399 = arith.constant 0 : index
      %get3A_1400 = tpu.vector_load %arg7[%get3A_1396, %get3A_1397, %get3A_1398, %get3A_1399] {strides = array<i32>} : memref<2x10x128x16xf32, #tpu.memory_space<vmem>>, vector<1x1x1x16xf32>,
      %get3A_1401 = vector.shape_cast %get3A_1400 : vector<1x1x1x16xf32> to vector<16xf32>
      %add3A_1402 = arith.addf %add3A_1384, %get3A_1401 : vector<16xf32>
      %get3A_1403 = arith.constant 1 : i32
      %get3A_1404 = arith.constant 8 : i32
      %get3A_1405 = arith.index_cast %get3A_1403 : i32 to index
      %get3A_1406 = arith.index_cast %get3A_1404 : i32 to index
      %get3A_1407 = arith.index_cast %scan3A_1332 : i32 to index
      %get3A_1408 = arith.constant 0 : index
      %get3A_1409 = tpu.vector_load %arg7[%get3A_1405, %get3A_1406, %get3A_1407, %get3A_1408] {strides = array<i32>} : memref<2x10x128x16xf32, #tpu.memory_space<vmem>>, vector<1x1x1x16xf32>,
      %get3A_1410 = vector.shape_cast %get3A_1409 : vector<1x1x1x16xf32> to vector<16xf32>
      %add3A_1411 = arith.addf %add3A_1393, %get3A_1410 : vector<16xf32>
      %get3A_1412 = arith.constant 1 : i32
      %get3A_1413 = arith.constant 9 : i32
      %get3A_1414 = arith.index_cast %get3A_1412 : i32 to index
      %get3A_1415 = arith.index_cast %get3A_1413 : i32 to index
      %get3A_1416 = arith.index_cast %scan3A_1332 : i32 to index
      %get3A_1417 = arith.constant 0 : index
      %get3A_1418 = tpu.vector_load %arg7[%get3A_1414, %get3A_1415, %get3A_1416, %get3A_1417] {strides = array<i32>} : memref<2x10x128x16xf32, #tpu.memory_space<vmem>>, vector<1x1x1x16xf32>,
      %get3A_1419 = vector.shape_cast %get3A_1418 : vector<1x1x1x16xf32> to vector<16xf32>
      %add3A_1420 = arith.addf %add3A_1402, %get3A_1419 : vector<16xf32>
      %add3A_1421 = arith.addf %add3A_1411, %add3A_1420 : vector<16xf32>
      %get3A_1422 = arith.index_cast %scan3A_1332 : i32 to index
      %get3A_1423 = arith.constant 0 : index
      %get3A_1424 = tpu.vector_load %arg8[%get3A_1422, %get3A_1423] {strides = array<i32>} : memref<128x16xf32, #tpu.memory_space<vmem>>, vector<1x16xf32>,
      %get3A_1425 = vector.shape_cast %get3A_1424 : vector<1x16xf32> to vector<16xf32>
      %add3A_1426 = arith.addf %add3A_1421, %get3A_1425 : vector<16xf32>
      %swap3A = arith.index_cast %scan3A_1332 : i32 to index
      %swap3A_1427 = arith.constant 0 : index
      %swap3A_1428 = tpu.vector_load %arg8[%swap3A, %swap3A_1427] {strides = array<i32>} : memref<128x16xf32, #tpu.memory_space<vmem>>, vector<1x16xf32>,
      %swap3A_1429 = vector.shape_cast %swap3A_1428 : vector<1x16xf32> to vector<16xf32>
      %swap3A_1430 = vector.shape_cast %add3A_1426 : vector<16xf32> to vector<1x16xf32>
      tpu.vector_store %arg8[%swap3A, %swap3A_1427], %swap3A_1430 {strides = array<i32>} : memref<128x16xf32, #tpu.memory_space<vmem>>, vector<1x16xf32>,
    }
    %scan3A_663 = arith.constant 128 : i32
    %dma_start3A_664 = arith.constant 30 : i32
    %dma_start3A_665 = arith.constant 1 : i32
    %dma_start3A_666 = arith.constant 0 : i32
    %dma_start3A_667 = arith.constant 0 : i32
    %dma_start3A_668 = arith.constant 0 : i32
    %dma_start3A_669 = tpu.memref_slice %arg7[%dma_start3A_665, %dma_start3A_666, %dma_start3A_667, %dma_start3A_668] : memref<2x10x128x16xf32, #tpu.memory_space<vmem>> -> memref<1x1x128x16xf32, #tpu.memory_space<vmem>>
    %dma_start3A_670 = tpu.memref_squeeze %dma_start3A_669 : memref<1x1x128x16xf32, #tpu.memory_space<vmem>> -> memref<128x16xf32, #tpu.memory_space<vmem>>
    %dma_start3A_671 = arith.constant 0 : i32
    %dma_start3A_672 = tpu.memref_slice %arg6[%dma_start3A_664, %dma_start3A_671] : memref<50x128xi32, #tpu.memory_space<vmem>> -> memref<1x128xi32, #tpu.memory_space<vmem>>
    %dma_start3A_673 = tpu.memref_squeeze %dma_start3A_672 : memref<1x128xi32, #tpu.memory_space<vmem>> -> memref<128xi32, #tpu.memory_space<vmem>>
    %dma_start3A_674 = arith.constant 0 : i32
    %dma_start3A_675 = arith.constant 0 : i32
    %dma_start3A_676 = tpu.memref_slice %arg2[%dma_start3A_674, %dma_start3A_675] : memref<100000x16xf32, #tpu.memory_space<hbm>> -> memref<100000x16xf32, #tpu.memory_space<hbm>>
    tpu.enqueue_indirect_dma source(%dma_start3A_676 : memref<100000x16xf32, #tpu.memory_space<hbm>>) target(%dma_start3A_670 : memref<128x16xf32, #tpu.memory_space<vmem>>) offsets(%dma_start3A_673 : memref<128xi32, #tpu.memory_space<vmem>>) semaphore(%arg11 : memref<!tpu.dma_semaphore, #tpu.memory_space<semaphore_mem>>)
    %dma_start3A_677 = arith.constant 31 : i32
    %dma_start3A_678 = arith.constant 1 : i32
    %dma_start3A_679 = arith.constant 1 : i32
    %dma_start3A_680 = arith.constant 0 : i32
    %dma_start3A_681 = arith.constant 0 : i32
    %dma_start3A_682 = tpu.memref_slice %arg7[%dma_start3A_678, %dma_start3A_679, %dma_start3A_680, %dma_start3A_681] : memref<2x10x128x16xf32, #tpu.memory_space<vmem>> -> memref<1x1x128x16xf32, #tpu.memory_space<vmem>>
    %dma_start3A_683 = tpu.memref_squeeze %dma_start3A_682 : memref<1x1x128x16xf32, #tpu.memory_space<vmem>> -> memref<128x16xf32, #tpu.memory_space<vmem>>
    %dma_start3A_684 = arith.constant 0 : i32
    %dma_start3A_685 = tpu.memref_slice %arg6[%dma_start3A_677, %dma_start3A_684] : memref<50x128xi32, #tpu.memory_space<vmem>> -> memref<1x128xi32, #tpu.memory_space<vmem>>
    %dma_start3A_686 = tpu.memref_squeeze %dma_start3A_685 : memref<1x128xi32, #tpu.memory_space<vmem>> -> memref<128xi32, #tpu.memory_space<vmem>>
    %dma_start3A_687 = arith.constant 0 : i32
    %dma_start3A_688 = arith.constant 0 : i32
    %dma_start3A_689 = tpu.memref_slice %arg2[%dma_start3A_687, %dma_start3A_688] : memref<100000x16xf32, #tpu.memory_space<hbm>> -> memref<100000x16xf32, #tpu.memory_space<hbm>>
    tpu.enqueue_indirect_dma source(%dma_start3A_689 : memref<100000x16xf32, #tpu.memory_space<hbm>>) target(%dma_start3A_683 : memref<128x16xf32, #tpu.memory_space<vmem>>) offsets(%dma_start3A_686 : memref<128xi32, #tpu.memory_space<vmem>>) semaphore(%arg11 : memref<!tpu.dma_semaphore, #tpu.memory_space<semaphore_mem>>)
    %dma_start3A_690 = arith.constant 32 : i32
    %dma_start3A_691 = arith.constant 1 : i32
    %dma_start3A_692 = arith.constant 2 : i32
    %dma_start3A_693 = arith.constant 0 : i32
    %dma_start3A_694 = arith.constant 0 : i32
    %dma_start3A_695 = tpu.memref_slice %arg7[%dma_start3A_691, %dma_start3A_692, %dma_start3A_693, %dma_start3A_694] : memref<2x10x128x16xf32, #tpu.memory_space<vmem>> -> memref<1x1x128x16xf32, #tpu.memory_space<vmem>>
    %dma_start3A_696 = tpu.memref_squeeze %dma_start3A_695 : memref<1x1x128x16xf32, #tpu.memory_space<vmem>> -> memref<128x16xf32, #tpu.memory_space<vmem>>
    %dma_start3A_697 = arith.constant 0 : i32
    %dma_start3A_698 = tpu.memref_slice %arg6[%dma_start3A_690, %dma_start3A_697] : memref<50x128xi32, #tpu.memory_space<vmem>> -> memref<1x128xi32, #tpu.memory_space<vmem>>
    %dma_start3A_699 = tpu.memref_squeeze %dma_start3A_698 : memref<1x128xi32, #tpu.memory_space<vmem>> -> memref<128xi32, #tpu.memory_space<vmem>>
    %dma_start3A_700 = arith.constant 0 : i32
    %dma_start3A_701 = arith.constant 0 : i32
    %dma_start3A_702 = tpu.memref_slice %arg2[%dma_start3A_700, %dma_start3A_701] : memref<100000x16xf32, #tpu.memory_space<hbm>> -> memref<100000x16xf32, #tpu.memory_space<hbm>>
    tpu.enqueue_indirect_dma source(%dma_start3A_702 : memref<100000x16xf32, #tpu.memory_space<hbm>>) target(%dma_start3A_696 : memref<128x16xf32, #tpu.memory_space<vmem>>) offsets(%dma_start3A_699 : memref<128xi32, #tpu.memory_space<vmem>>) semaphore(%arg11 : memref<!tpu.dma_semaphore, #tpu.memory_space<semaphore_mem>>)
    %dma_start3A_703 = arith.constant 33 : i32
    %dma_start3A_704 = arith.constant 1 : i32
    %dma_start3A_705 = arith.constant 3 : i32
    %dma_start3A_706 = arith.constant 0 : i32
    %dma_start3A_707 = arith.constant 0 : i32
    %dma_start3A_708 = tpu.memref_slice %arg7[%dma_start3A_704, %dma_start3A_705, %dma_start3A_706, %dma_start3A_707] : memref<2x10x128x16xf32, #tpu.memory_space<vmem>> -> memref<1x1x128x16xf32, #tpu.memory_space<vmem>>
    %dma_start3A_709 = tpu.memref_squeeze %dma_start3A_708 : memref<1x1x128x16xf32, #tpu.memory_space<vmem>> -> memref<128x16xf32, #tpu.memory_space<vmem>>
    %dma_start3A_710 = arith.constant 0 : i32
    %dma_start3A_711 = tpu.memref_slice %arg6[%dma_start3A_703, %dma_start3A_710] : memref<50x128xi32, #tpu.memory_space<vmem>> -> memref<1x128xi32, #tpu.memory_space<vmem>>
    %dma_start3A_712 = tpu.memref_squeeze %dma_start3A_711 : memref<1x128xi32, #tpu.memory_space<vmem>> -> memref<128xi32, #tpu.memory_space<vmem>>
    %dma_start3A_713 = arith.constant 0 : i32
    %dma_start3A_714 = arith.constant 0 : i32
    %dma_start3A_715 = tpu.memref_slice %arg2[%dma_start3A_713, %dma_start3A_714] : memref<100000x16xf32, #tpu.memory_space<hbm>> -> memref<100000x16xf32, #tpu.memory_space<hbm>>
    tpu.enqueue_indirect_dma source(%dma_start3A_715 : memref<100000x16xf32, #tpu.memory_space<hbm>>) target(%dma_start3A_709 : memref<128x16xf32, #tpu.memory_space<vmem>>) offsets(%dma_start3A_712 : memref<128xi32, #tpu.memory_space<vmem>>) semaphore(%arg11 : memref<!tpu.dma_semaphore, #tpu.memory_space<semaphore_mem>>)
    %dma_start3A_716 = arith.constant 34 : i32
    %dma_start3A_717 = arith.constant 1 : i32
    %dma_start3A_718 = arith.constant 4 : i32
    %dma_start3A_719 = arith.constant 0 : i32
    %dma_start3A_720 = arith.constant 0 : i32
    %dma_start3A_721 = tpu.memref_slice %arg7[%dma_start3A_717, %dma_start3A_718, %dma_start3A_719, %dma_start3A_720] : memref<2x10x128x16xf32, #tpu.memory_space<vmem>> -> memref<1x1x128x16xf32, #tpu.memory_space<vmem>>
    %dma_start3A_722 = tpu.memref_squeeze %dma_start3A_721 : memref<1x1x128x16xf32, #tpu.memory_space<vmem>> -> memref<128x16xf32, #tpu.memory_space<vmem>>
    %dma_start3A_723 = arith.constant 0 : i32
    %dma_start3A_724 = tpu.memref_slice %arg6[%dma_start3A_716, %dma_start3A_723] : memref<50x128xi32, #tpu.memory_space<vmem>> -> memref<1x128xi32, #tpu.memory_space<vmem>>
    %dma_start3A_725 = tpu.memref_squeeze %dma_start3A_724 : memref<1x128xi32, #tpu.memory_space<vmem>> -> memref<128xi32, #tpu.memory_space<vmem>>
    %dma_start3A_726 = arith.constant 0 : i32
    %dma_start3A_727 = arith.constant 0 : i32
    %dma_start3A_728 = tpu.memref_slice %arg2[%dma_start3A_726, %dma_start3A_727] : memref<100000x16xf32, #tpu.memory_space<hbm>> -> memref<100000x16xf32, #tpu.memory_space<hbm>>
    tpu.enqueue_indirect_dma source(%dma_start3A_728 : memref<100000x16xf32, #tpu.memory_space<hbm>>) target(%dma_start3A_722 : memref<128x16xf32, #tpu.memory_space<vmem>>) offsets(%dma_start3A_725 : memref<128xi32, #tpu.memory_space<vmem>>) semaphore(%arg11 : memref<!tpu.dma_semaphore, #tpu.memory_space<semaphore_mem>>)
    %dma_start3A_729 = arith.constant 35 : i32
    %dma_start3A_730 = arith.constant 1 : i32
    %dma_start3A_731 = arith.constant 5 : i32
    %dma_start3A_732 = arith.constant 0 : i32
    %dma_start3A_733 = arith.constant 0 : i32
    %dma_start3A_734 = tpu.memref_slice %arg7[%dma_start3A_730, %dma_start3A_731, %dma_start3A_732, %dma_start3A_733] : memref<2x10x128x16xf32, #tpu.memory_space<vmem>> -> memref<1x1x128x16xf32, #tpu.memory_space<vmem>>
    %dma_start3A_735 = tpu.memref_squeeze %dma_start3A_734 : memref<1x1x128x16xf32, #tpu.memory_space<vmem>> -> memref<128x16xf32, #tpu.memory_space<vmem>>
    %dma_start3A_736 = arith.constant 0 : i32
    %dma_start3A_737 = tpu.memref_slice %arg6[%dma_start3A_729, %dma_start3A_736] : memref<50x128xi32, #tpu.memory_space<vmem>> -> memref<1x128xi32, #tpu.memory_space<vmem>>
    %dma_start3A_738 = tpu.memref_squeeze %dma_start3A_737 : memref<1x128xi32, #tpu.memory_space<vmem>> -> memref<128xi32, #tpu.memory_space<vmem>>
    %dma_start3A_739 = arith.constant 0 : i32
    %dma_start3A_740 = arith.constant 0 : i32
    %dma_start3A_741 = tpu.memref_slice %arg2[%dma_start3A_739, %dma_start3A_740] : memref<100000x16xf32, #tpu.memory_space<hbm>> -> memref<100000x16xf32, #tpu.memory_space<hbm>>
    tpu.enqueue_indirect_dma source(%dma_start3A_741 : memref<100000x16xf32, #tpu.memory_space<hbm>>) target(%dma_start3A_735 : memref<128x16xf32, #tpu.memory_space<vmem>>) offsets(%dma_start3A_738 : memref<128xi32, #tpu.memory_space<vmem>>) semaphore(%arg11 : memref<!tpu.dma_semaphore, #tpu.memory_space<semaphore_mem>>)
    %dma_start3A_742 = arith.constant 36 : i32
    %dma_start3A_743 = arith.constant 1 : i32
    %dma_start3A_744 = arith.constant 6 : i32
    %dma_start3A_745 = arith.constant 0 : i32
    %dma_start3A_746 = arith.constant 0 : i32
    %dma_start3A_747 = tpu.memref_slice %arg7[%dma_start3A_743, %dma_start3A_744, %dma_start3A_745, %dma_start3A_746] : memref<2x10x128x16xf32, #tpu.memory_space<vmem>> -> memref<1x1x128x16xf32, #tpu.memory_space<vmem>>
    %dma_start3A_748 = tpu.memref_squeeze %dma_start3A_747 : memref<1x1x128x16xf32, #tpu.memory_space<vmem>> -> memref<128x16xf32, #tpu.memory_space<vmem>>
    %dma_start3A_749 = arith.constant 0 : i32
    %dma_start3A_750 = tpu.memref_slice %arg6[%dma_start3A_742, %dma_start3A_749] : memref<50x128xi32, #tpu.memory_space<vmem>> -> memref<1x128xi32, #tpu.memory_space<vmem>>
    %dma_start3A_751 = tpu.memref_squeeze %dma_start3A_750 : memref<1x128xi32, #tpu.memory_space<vmem>> -> memref<128xi32, #tpu.memory_space<vmem>>
    %dma_start3A_752 = arith.constant 0 : i32
    %dma_start3A_753 = arith.constant 0 : i32
    %dma_start3A_754 = tpu.memref_slice %arg2[%dma_start3A_752, %dma_start3A_753] : memref<100000x16xf32, #tpu.memory_space<hbm>> -> memref<100000x16xf32, #tpu.memory_space<hbm>>
    tpu.enqueue_indirect_dma source(%dma_start3A_754 : memref<100000x16xf32, #tpu.memory_space<hbm>>) target(%dma_start3A_748 : memref<128x16xf32, #tpu.memory_space<vmem>>) offsets(%dma_start3A_751 : memref<128xi32, #tpu.memory_space<vmem>>) semaphore(%arg11 : memref<!tpu.dma_semaphore, #tpu.memory_space<semaphore_mem>>)
    %dma_start3A_755 = arith.constant 37 : i32
    %dma_start3A_756 = arith.constant 1 : i32
    %dma_start3A_757 = arith.constant 7 : i32
    %dma_start3A_758 = arith.constant 0 : i32
    %dma_start3A_759 = arith.constant 0 : i32
    %dma_start3A_760 = tpu.memref_slice %arg7[%dma_start3A_756, %dma_start3A_757, %dma_start3A_758, %dma_start3A_759] : memref<2x10x128x16xf32, #tpu.memory_space<vmem>> -> memref<1x1x128x16xf32, #tpu.memory_space<vmem>>
    %dma_start3A_761 = tpu.memref_squeeze %dma_start3A_760 : memref<1x1x128x16xf32, #tpu.memory_space<vmem>> -> memref<128x16xf32, #tpu.memory_space<vmem>>
    %dma_start3A_762 = arith.constant 0 : i32
    %dma_start3A_763 = tpu.memref_slice %arg6[%dma_start3A_755, %dma_start3A_762] : memref<50x128xi32, #tpu.memory_space<vmem>> -> memref<1x128xi32, #tpu.memory_space<vmem>>
    %dma_start3A_764 = tpu.memref_squeeze %dma_start3A_763 : memref<1x128xi32, #tpu.memory_space<vmem>> -> memref<128xi32, #tpu.memory_space<vmem>>
    %dma_start3A_765 = arith.constant 0 : i32
    %dma_start3A_766 = arith.constant 0 : i32
    %dma_start3A_767 = tpu.memref_slice %arg2[%dma_start3A_765, %dma_start3A_766] : memref<100000x16xf32, #tpu.memory_space<hbm>> -> memref<100000x16xf32, #tpu.memory_space<hbm>>
    tpu.enqueue_indirect_dma source(%dma_start3A_767 : memref<100000x16xf32, #tpu.memory_space<hbm>>) target(%dma_start3A_761 : memref<128x16xf32, #tpu.memory_space<vmem>>) offsets(%dma_start3A_764 : memref<128xi32, #tpu.memory_space<vmem>>) semaphore(%arg11 : memref<!tpu.dma_semaphore, #tpu.memory_space<semaphore_mem>>)
    %dma_start3A_768 = arith.constant 38 : i32
    %dma_start3A_769 = arith.constant 1 : i32
    %dma_start3A_770 = arith.constant 8 : i32
    %dma_start3A_771 = arith.constant 0 : i32
    %dma_start3A_772 = arith.constant 0 : i32
    %dma_start3A_773 = tpu.memref_slice %arg7[%dma_start3A_769, %dma_start3A_770, %dma_start3A_771, %dma_start3A_772] : memref<2x10x128x16xf32, #tpu.memory_space<vmem>> -> memref<1x1x128x16xf32, #tpu.memory_space<vmem>>
    %dma_start3A_774 = tpu.memref_squeeze %dma_start3A_773 : memref<1x1x128x16xf32, #tpu.memory_space<vmem>> -> memref<128x16xf32, #tpu.memory_space<vmem>>
    %dma_start3A_775 = arith.constant 0 : i32
    %dma_start3A_776 = tpu.memref_slice %arg6[%dma_start3A_768, %dma_start3A_775] : memref<50x128xi32, #tpu.memory_space<vmem>> -> memref<1x128xi32, #tpu.memory_space<vmem>>
    %dma_start3A_777 = tpu.memref_squeeze %dma_start3A_776 : memref<1x128xi32, #tpu.memory_space<vmem>> -> memref<128xi32, #tpu.memory_space<vmem>>
    %dma_start3A_778 = arith.constant 0 : i32
    %dma_start3A_779 = arith.constant 0 : i32
    %dma_start3A_780 = tpu.memref_slice %arg2[%dma_start3A_778, %dma_start3A_779] : memref<100000x16xf32, #tpu.memory_space<hbm>> -> memref<100000x16xf32, #tpu.memory_space<hbm>>
    tpu.enqueue_indirect_dma source(%dma_start3A_780 : memref<100000x16xf32, #tpu.memory_space<hbm>>) target(%dma_start3A_774 : memref<128x16xf32, #tpu.memory_space<vmem>>) offsets(%dma_start3A_777 : memref<128xi32, #tpu.memory_space<vmem>>) semaphore(%arg11 : memref<!tpu.dma_semaphore, #tpu.memory_space<semaphore_mem>>)
    %dma_start3A_781 = arith.constant 39 : i32
    %dma_start3A_782 = arith.constant 1 : i32
    %dma_start3A_783 = arith.constant 9 : i32
    %dma_start3A_784 = arith.constant 0 : i32
    %dma_start3A_785 = arith.constant 0 : i32
    %dma_start3A_786 = tpu.memref_slice %arg7[%dma_start3A_782, %dma_start3A_783, %dma_start3A_784, %dma_start3A_785] : memref<2x10x128x16xf32, #tpu.memory_space<vmem>> -> memref<1x1x128x16xf32, #tpu.memory_space<vmem>>
    %dma_start3A_787 = tpu.memref_squeeze %dma_start3A_786 : memref<1x1x128x16xf32, #tpu.memory_space<vmem>> -> memref<128x16xf32, #tpu.memory_space<vmem>>
    %dma_start3A_788 = arith.constant 0 : i32
    %dma_start3A_789 = tpu.memref_slice %arg6[%dma_start3A_781, %dma_start3A_788] : memref<50x128xi32, #tpu.memory_space<vmem>> -> memref<1x128xi32, #tpu.memory_space<vmem>>
    %dma_start3A_790 = tpu.memref_squeeze %dma_start3A_789 : memref<1x128xi32, #tpu.memory_space<vmem>> -> memref<128xi32, #tpu.memory_space<vmem>>
    %dma_start3A_791 = arith.constant 0 : i32
    %dma_start3A_792 = arith.constant 0 : i32
    %dma_start3A_793 = tpu.memref_slice %arg2[%dma_start3A_791, %dma_start3A_792] : memref<100000x16xf32, #tpu.memory_space<hbm>> -> memref<100000x16xf32, #tpu.memory_space<hbm>>
    tpu.enqueue_indirect_dma source(%dma_start3A_793 : memref<100000x16xf32, #tpu.memory_space<hbm>>) target(%dma_start3A_787 : memref<128x16xf32, #tpu.memory_space<vmem>>) offsets(%dma_start3A_790 : memref<128xi32, #tpu.memory_space<vmem>>) semaphore(%arg11 : memref<!tpu.dma_semaphore, #tpu.memory_space<semaphore_mem>>)
    %dma_wait3A_794 = arith.constant 20 : i32
    %dma_wait3A_795 = arith.constant 0 : i32
    %dma_wait3A_796 = arith.constant 0 : i32
    %dma_wait3A_797 = arith.constant 0 : i32
    %dma_wait3A_798 = arith.constant 0 : i32
    %dma_wait3A_799 = tpu.memref_slice %arg7[%dma_wait3A_795, %dma_wait3A_796, %dma_wait3A_797, %dma_wait3A_798] : memref<2x10x128x16xf32, #tpu.memory_space<vmem>> -> memref<1x1x128x16xf32, #tpu.memory_space<vmem>>
    %dma_wait3A_800 = tpu.memref_squeeze %dma_wait3A_799 : memref<1x1x128x16xf32, #tpu.memory_space<vmem>> -> memref<128x16xf32, #tpu.memory_space<vmem>>
    %dma_wait3A_801 = arith.constant 0 : i32
    %dma_wait3A_802 = tpu.memref_slice %arg6[%dma_wait3A_794, %dma_wait3A_801] : memref<50x128xi32, #tpu.memory_space<vmem>> -> memref<1x128xi32, #tpu.memory_space<vmem>>
    %dma_wait3A_803 = tpu.memref_squeeze %dma_wait3A_802 : memref<1x128xi32, #tpu.memory_space<vmem>> -> memref<128xi32, #tpu.memory_space<vmem>>
    %dma_wait3A_804 = arith.constant 0 : i32
    %dma_wait3A_805 = arith.constant 0 : i32
    %dma_wait3A_806 = tpu.memref_slice %arg2[%dma_wait3A_804, %dma_wait3A_805] : memref<100000x16xf32, #tpu.memory_space<hbm>> -> memref<100000x16xf32, #tpu.memory_space<hbm>>
    tpu.wait_indirect_dma semaphore(%arg10 : memref<!tpu.dma_semaphore, #tpu.memory_space<semaphore_mem>>) src(%dma_wait3A_806 : memref<100000x16xf32, #tpu.memory_space<hbm>>) dst(%dma_wait3A_800 : memref<128x16xf32, #tpu.memory_space<vmem>>)
    %dma_wait3A_807 = arith.constant 21 : i32
    %dma_wait3A_808 = arith.constant 0 : i32
    %dma_wait3A_809 = arith.constant 1 : i32
    %dma_wait3A_810 = arith.constant 0 : i32
    %dma_wait3A_811 = arith.constant 0 : i32
    %dma_wait3A_812 = tpu.memref_slice %arg7[%dma_wait3A_808, %dma_wait3A_809, %dma_wait3A_810, %dma_wait3A_811] : memref<2x10x128x16xf32, #tpu.memory_space<vmem>> -> memref<1x1x128x16xf32, #tpu.memory_space<vmem>>
    %dma_wait3A_813 = tpu.memref_squeeze %dma_wait3A_812 : memref<1x1x128x16xf32, #tpu.memory_space<vmem>> -> memref<128x16xf32, #tpu.memory_space<vmem>>
    %dma_wait3A_814 = arith.constant 0 : i32
    %dma_wait3A_815 = tpu.memref_slice %arg6[%dma_wait3A_807, %dma_wait3A_814] : memref<50x128xi32, #tpu.memory_space<vmem>> -> memref<1x128xi32, #tpu.memory_space<vmem>>
    %dma_wait3A_816 = tpu.memref_squeeze %dma_wait3A_815 : memref<1x128xi32, #tpu.memory_space<vmem>> -> memref<128xi32, #tpu.memory_space<vmem>>
    %dma_wait3A_817 = arith.constant 0 : i32
    %dma_wait3A_818 = arith.constant 0 : i32
    %dma_wait3A_819 = tpu.memref_slice %arg2[%dma_wait3A_817, %dma_wait3A_818] : memref<100000x16xf32, #tpu.memory_space<hbm>> -> memref<100000x16xf32, #tpu.memory_space<hbm>>
    tpu.wait_indirect_dma semaphore(%arg10 : memref<!tpu.dma_semaphore, #tpu.memory_space<semaphore_mem>>) src(%dma_wait3A_819 : memref<100000x16xf32, #tpu.memory_space<hbm>>) dst(%dma_wait3A_813 : memref<128x16xf32, #tpu.memory_space<vmem>>)
    %dma_wait3A_820 = arith.constant 22 : i32
    %dma_wait3A_821 = arith.constant 0 : i32
    %dma_wait3A_822 = arith.constant 2 : i32
    %dma_wait3A_823 = arith.constant 0 : i32
    %dma_wait3A_824 = arith.constant 0 : i32
    %dma_wait3A_825 = tpu.memref_slice %arg7[%dma_wait3A_821, %dma_wait3A_822, %dma_wait3A_823, %dma_wait3A_824] : memref<2x10x128x16xf32, #tpu.memory_space<vmem>> -> memref<1x1x128x16xf32, #tpu.memory_space<vmem>>
    %dma_wait3A_826 = tpu.memref_squeeze %dma_wait3A_825 : memref<1x1x128x16xf32, #tpu.memory_space<vmem>> -> memref<128x16xf32, #tpu.memory_space<vmem>>
    %dma_wait3A_827 = arith.constant 0 : i32
    %dma_wait3A_828 = tpu.memref_slice %arg6[%dma_wait3A_820, %dma_wait3A_827] : memref<50x128xi32, #tpu.memory_space<vmem>> -> memref<1x128xi32, #tpu.memory_space<vmem>>
    %dma_wait3A_829 = tpu.memref_squeeze %dma_wait3A_828 : memref<1x128xi32, #tpu.memory_space<vmem>> -> memref<128xi32, #tpu.memory_space<vmem>>
    %dma_wait3A_830 = arith.constant 0 : i32
    %dma_wait3A_831 = arith.constant 0 : i32
    %dma_wait3A_832 = tpu.memref_slice %arg2[%dma_wait3A_830, %dma_wait3A_831] : memref<100000x16xf32, #tpu.memory_space<hbm>> -> memref<100000x16xf32, #tpu.memory_space<hbm>>
    tpu.wait_indirect_dma semaphore(%arg10 : memref<!tpu.dma_semaphore, #tpu.memory_space<semaphore_mem>>) src(%dma_wait3A_832 : memref<100000x16xf32, #tpu.memory_space<hbm>>) dst(%dma_wait3A_826 : memref<128x16xf32, #tpu.memory_space<vmem>>)
    %dma_wait3A_833 = arith.constant 23 : i32
    %dma_wait3A_834 = arith.constant 0 : i32
    %dma_wait3A_835 = arith.constant 3 : i32
    %dma_wait3A_836 = arith.constant 0 : i32
    %dma_wait3A_837 = arith.constant 0 : i32
    %dma_wait3A_838 = tpu.memref_slice %arg7[%dma_wait3A_834, %dma_wait3A_835, %dma_wait3A_836, %dma_wait3A_837] : memref<2x10x128x16xf32, #tpu.memory_space<vmem>> -> memref<1x1x128x16xf32, #tpu.memory_space<vmem>>
    %dma_wait3A_839 = tpu.memref_squeeze %dma_wait3A_838 : memref<1x1x128x16xf32, #tpu.memory_space<vmem>> -> memref<128x16xf32, #tpu.memory_space<vmem>>
    %dma_wait3A_840 = arith.constant 0 : i32
    %dma_wait3A_841 = tpu.memref_slice %arg6[%dma_wait3A_833, %dma_wait3A_840] : memref<50x128xi32, #tpu.memory_space<vmem>> -> memref<1x128xi32, #tpu.memory_space<vmem>>
    %dma_wait3A_842 = tpu.memref_squeeze %dma_wait3A_841 : memref<1x128xi32, #tpu.memory_space<vmem>> -> memref<128xi32, #tpu.memory_space<vmem>>
    %dma_wait3A_843 = arith.constant 0 : i32
    %dma_wait3A_844 = arith.constant 0 : i32
    %dma_wait3A_845 = tpu.memref_slice %arg2[%dma_wait3A_843, %dma_wait3A_844] : memref<100000x16xf32, #tpu.memory_space<hbm>> -> memref<100000x16xf32, #tpu.memory_space<hbm>>
    tpu.wait_indirect_dma semaphore(%arg10 : memref<!tpu.dma_semaphore, #tpu.memory_space<semaphore_mem>>) src(%dma_wait3A_845 : memref<100000x16xf32, #tpu.memory_space<hbm>>) dst(%dma_wait3A_839 : memref<128x16xf32, #tpu.memory_space<vmem>>)
    %dma_wait3A_846 = arith.constant 24 : i32
    %dma_wait3A_847 = arith.constant 0 : i32
    %dma_wait3A_848 = arith.constant 4 : i32
    %dma_wait3A_849 = arith.constant 0 : i32
    %dma_wait3A_850 = arith.constant 0 : i32
    %dma_wait3A_851 = tpu.memref_slice %arg7[%dma_wait3A_847, %dma_wait3A_848, %dma_wait3A_849, %dma_wait3A_850] : memref<2x10x128x16xf32, #tpu.memory_space<vmem>> -> memref<1x1x128x16xf32, #tpu.memory_space<vmem>>
    %dma_wait3A_852 = tpu.memref_squeeze %dma_wait3A_851 : memref<1x1x128x16xf32, #tpu.memory_space<vmem>> -> memref<128x16xf32, #tpu.memory_space<vmem>>
    %dma_wait3A_853 = arith.constant 0 : i32
    %dma_wait3A_854 = tpu.memref_slice %arg6[%dma_wait3A_846, %dma_wait3A_853] : memref<50x128xi32, #tpu.memory_space<vmem>> -> memref<1x128xi32, #tpu.memory_space<vmem>>
    %dma_wait3A_855 = tpu.memref_squeeze %dma_wait3A_854 : memref<1x128xi32, #tpu.memory_space<vmem>> -> memref<128xi32, #tpu.memory_space<vmem>>
    %dma_wait3A_856 = arith.constant 0 : i32
    %dma_wait3A_857 = arith.constant 0 : i32
    %dma_wait3A_858 = tpu.memref_slice %arg2[%dma_wait3A_856, %dma_wait3A_857] : memref<100000x16xf32, #tpu.memory_space<hbm>> -> memref<100000x16xf32, #tpu.memory_space<hbm>>
    tpu.wait_indirect_dma semaphore(%arg10 : memref<!tpu.dma_semaphore, #tpu.memory_space<semaphore_mem>>) src(%dma_wait3A_858 : memref<100000x16xf32, #tpu.memory_space<hbm>>) dst(%dma_wait3A_852 : memref<128x16xf32, #tpu.memory_space<vmem>>)
    %dma_wait3A_859 = arith.constant 25 : i32
    %dma_wait3A_860 = arith.constant 0 : i32
    %dma_wait3A_861 = arith.constant 5 : i32
    %dma_wait3A_862 = arith.constant 0 : i32
    %dma_wait3A_863 = arith.constant 0 : i32
    %dma_wait3A_864 = tpu.memref_slice %arg7[%dma_wait3A_860, %dma_wait3A_861, %dma_wait3A_862, %dma_wait3A_863] : memref<2x10x128x16xf32, #tpu.memory_space<vmem>> -> memref<1x1x128x16xf32, #tpu.memory_space<vmem>>
    %dma_wait3A_865 = tpu.memref_squeeze %dma_wait3A_864 : memref<1x1x128x16xf32, #tpu.memory_space<vmem>> -> memref<128x16xf32, #tpu.memory_space<vmem>>
    %dma_wait3A_866 = arith.constant 0 : i32
    %dma_wait3A_867 = tpu.memref_slice %arg6[%dma_wait3A_859, %dma_wait3A_866] : memref<50x128xi32, #tpu.memory_space<vmem>> -> memref<1x128xi32, #tpu.memory_space<vmem>>
    %dma_wait3A_868 = tpu.memref_squeeze %dma_wait3A_867 : memref<1x128xi32, #tpu.memory_space<vmem>> -> memref<128xi32, #tpu.memory_space<vmem>>
    %dma_wait3A_869 = arith.constant 0 : i32
    %dma_wait3A_870 = arith.constant 0 : i32
    %dma_wait3A_871 = tpu.memref_slice %arg2[%dma_wait3A_869, %dma_wait3A_870] : memref<100000x16xf32, #tpu.memory_space<hbm>> -> memref<100000x16xf32, #tpu.memory_space<hbm>>
    tpu.wait_indirect_dma semaphore(%arg10 : memref<!tpu.dma_semaphore, #tpu.memory_space<semaphore_mem>>) src(%dma_wait3A_871 : memref<100000x16xf32, #tpu.memory_space<hbm>>) dst(%dma_wait3A_865 : memref<128x16xf32, #tpu.memory_space<vmem>>)
    %dma_wait3A_872 = arith.constant 26 : i32
    %dma_wait3A_873 = arith.constant 0 : i32
    %dma_wait3A_874 = arith.constant 6 : i32
    %dma_wait3A_875 = arith.constant 0 : i32
    %dma_wait3A_876 = arith.constant 0 : i32
    %dma_wait3A_877 = tpu.memref_slice %arg7[%dma_wait3A_873, %dma_wait3A_874, %dma_wait3A_875, %dma_wait3A_876] : memref<2x10x128x16xf32, #tpu.memory_space<vmem>> -> memref<1x1x128x16xf32, #tpu.memory_space<vmem>>
    %dma_wait3A_878 = tpu.memref_squeeze %dma_wait3A_877 : memref<1x1x128x16xf32, #tpu.memory_space<vmem>> -> memref<128x16xf32, #tpu.memory_space<vmem>>
    %dma_wait3A_879 = arith.constant 0 : i32
    %dma_wait3A_880 = tpu.memref_slice %arg6[%dma_wait3A_872, %dma_wait3A_879] : memref<50x128xi32, #tpu.memory_space<vmem>> -> memref<1x128xi32, #tpu.memory_space<vmem>>
    %dma_wait3A_881 = tpu.memref_squeeze %dma_wait3A_880 : memref<1x128xi32, #tpu.memory_space<vmem>> -> memref<128xi32, #tpu.memory_space<vmem>>
    %dma_wait3A_882 = arith.constant 0 : i32
    %dma_wait3A_883 = arith.constant 0 : i32
    %dma_wait3A_884 = tpu.memref_slice %arg2[%dma_wait3A_882, %dma_wait3A_883] : memref<100000x16xf32, #tpu.memory_space<hbm>> -> memref<100000x16xf32, #tpu.memory_space<hbm>>
    tpu.wait_indirect_dma semaphore(%arg10 : memref<!tpu.dma_semaphore, #tpu.memory_space<semaphore_mem>>) src(%dma_wait3A_884 : memref<100000x16xf32, #tpu.memory_space<hbm>>) dst(%dma_wait3A_878 : memref<128x16xf32, #tpu.memory_space<vmem>>)
    %dma_wait3A_885 = arith.constant 27 : i32
    %dma_wait3A_886 = arith.constant 0 : i32
    %dma_wait3A_887 = arith.constant 7 : i32
    %dma_wait3A_888 = arith.constant 0 : i32
    %dma_wait3A_889 = arith.constant 0 : i32
    %dma_wait3A_890 = tpu.memref_slice %arg7[%dma_wait3A_886, %dma_wait3A_887, %dma_wait3A_888, %dma_wait3A_889] : memref<2x10x128x16xf32, #tpu.memory_space<vmem>> -> memref<1x1x128x16xf32, #tpu.memory_space<vmem>>
    %dma_wait3A_891 = tpu.memref_squeeze %dma_wait3A_890 : memref<1x1x128x16xf32, #tpu.memory_space<vmem>> -> memref<128x16xf32, #tpu.memory_space<vmem>>
    %dma_wait3A_892 = arith.constant 0 : i32
    %dma_wait3A_893 = tpu.memref_slice %arg6[%dma_wait3A_885, %dma_wait3A_892] : memref<50x128xi32, #tpu.memory_space<vmem>> -> memref<1x128xi32, #tpu.memory_space<vmem>>
    %dma_wait3A_894 = tpu.memref_squeeze %dma_wait3A_893 : memref<1x128xi32, #tpu.memory_space<vmem>> -> memref<128xi32, #tpu.memory_space<vmem>>
    %dma_wait3A_895 = arith.constant 0 : i32
    %dma_wait3A_896 = arith.constant 0 : i32
    %dma_wait3A_897 = tpu.memref_slice %arg2[%dma_wait3A_895, %dma_wait3A_896] : memref<100000x16xf32, #tpu.memory_space<hbm>> -> memref<100000x16xf32, #tpu.memory_space<hbm>>
    tpu.wait_indirect_dma semaphore(%arg10 : memref<!tpu.dma_semaphore, #tpu.memory_space<semaphore_mem>>) src(%dma_wait3A_897 : memref<100000x16xf32, #tpu.memory_space<hbm>>) dst(%dma_wait3A_891 : memref<128x16xf32, #tpu.memory_space<vmem>>)
    %dma_wait3A_898 = arith.constant 28 : i32
    %dma_wait3A_899 = arith.constant 0 : i32
    %dma_wait3A_900 = arith.constant 8 : i32
    %dma_wait3A_901 = arith.constant 0 : i32
    %dma_wait3A_902 = arith.constant 0 : i32
    %dma_wait3A_903 = tpu.memref_slice %arg7[%dma_wait3A_899, %dma_wait3A_900, %dma_wait3A_901, %dma_wait3A_902] : memref<2x10x128x16xf32, #tpu.memory_space<vmem>> -> memref<1x1x128x16xf32, #tpu.memory_space<vmem>>
    %dma_wait3A_904 = tpu.memref_squeeze %dma_wait3A_903 : memref<1x1x128x16xf32, #tpu.memory_space<vmem>> -> memref<128x16xf32, #tpu.memory_space<vmem>>
    %dma_wait3A_905 = arith.constant 0 : i32
    %dma_wait3A_906 = tpu.memref_slice %arg6[%dma_wait3A_898, %dma_wait3A_905] : memref<50x128xi32, #tpu.memory_space<vmem>> -> memref<1x128xi32, #tpu.memory_space<vmem>>
    %dma_wait3A_907 = tpu.memref_squeeze %dma_wait3A_906 : memref<1x128xi32, #tpu.memory_space<vmem>> -> memref<128xi32, #tpu.memory_space<vmem>>
    %dma_wait3A_908 = arith.constant 0 : i32
    %dma_wait3A_909 = arith.constant 0 : i32
    %dma_wait3A_910 = tpu.memref_slice %arg2[%dma_wait3A_908, %dma_wait3A_909] : memref<100000x16xf32, #tpu.memory_space<hbm>> -> memref<100000x16xf32, #tpu.memory_space<hbm>>
    tpu.wait_indirect_dma semaphore(%arg10 : memref<!tpu.dma_semaphore, #tpu.memory_space<semaphore_mem>>) src(%dma_wait3A_910 : memref<100000x16xf32, #tpu.memory_space<hbm>>) dst(%dma_wait3A_904 : memref<128x16xf32, #tpu.memory_space<vmem>>)
    %dma_wait3A_911 = arith.constant 29 : i32
    %dma_wait3A_912 = arith.constant 0 : i32
    %dma_wait3A_913 = arith.constant 9 : i32
    %dma_wait3A_914 = arith.constant 0 : i32
    %dma_wait3A_915 = arith.constant 0 : i32
    %dma_wait3A_916 = tpu.memref_slice %arg7[%dma_wait3A_912, %dma_wait3A_913, %dma_wait3A_914, %dma_wait3A_915] : memref<2x10x128x16xf32, #tpu.memory_space<vmem>> -> memref<1x1x128x16xf32, #tpu.memory_space<vmem>>
    %dma_wait3A_917 = tpu.memref_squeeze %dma_wait3A_916 : memref<1x1x128x16xf32, #tpu.memory_space<vmem>> -> memref<128x16xf32, #tpu.memory_space<vmem>>
    %dma_wait3A_918 = arith.constant 0 : i32
    %dma_wait3A_919 = tpu.memref_slice %arg6[%dma_wait3A_911, %dma_wait3A_918] : memref<50x128xi32, #tpu.memory_space<vmem>> -> memref<1x128xi32, #tpu.memory_space<vmem>>
    %dma_wait3A_920 = tpu.memref_squeeze %dma_wait3A_919 : memref<1x128xi32, #tpu.memory_space<vmem>> -> memref<128xi32, #tpu.memory_space<vmem>>
    %dma_wait3A_921 = arith.constant 0 : i32
    %dma_wait3A_922 = arith.constant 0 : i32
    %dma_wait3A_923 = tpu.memref_slice %arg2[%dma_wait3A_921, %dma_wait3A_922] : memref<100000x16xf32, #tpu.memory_space<hbm>> -> memref<100000x16xf32, #tpu.memory_space<hbm>>
    tpu.wait_indirect_dma semaphore(%arg10 : memref<!tpu.dma_semaphore, #tpu.memory_space<semaphore_mem>>) src(%dma_wait3A_923 : memref<100000x16xf32, #tpu.memory_space<hbm>>) dst(%dma_wait3A_917 : memref<128x16xf32, #tpu.memory_space<vmem>>)
    %scan3A_924 = arith.constant 0 : i32
    %scan3A_925 = arith.constant 0 : i32
    %scan3A_926 = arith.constant 128 : i32
    %scan3A_927 = arith.addi %scan3A_925, %scan3A_926 : i32
    %scan3A_928 = arith.constant 1 : i32
    scf.for %scan3A_1332 = %scan3A_925 to %scan3A_927 step %scan3A_928  : i32 {
      %get3A_1333 = arith.constant 0 : i32
      %get3A_1334 = arith.constant 0 : i32
      %get3A_1335 = arith.index_cast %get3A_1333 : i32 to index
      %get3A_1336 = arith.index_cast %get3A_1334 : i32 to index
      %get3A_1337 = arith.index_cast %scan3A_1332 : i32 to index
      %get3A_1338 = arith.constant 0 : index
      %get3A_1339 = tpu.vector_load %arg7[%get3A_1335, %get3A_1336, %get3A_1337, %get3A_1338] {strides = array<i32>} : memref<2x10x128x16xf32, #tpu.memory_space<vmem>>, vector<1x1x1x16xf32>,
      %get3A_1340 = vector.shape_cast %get3A_1339 : vector<1x1x1x16xf32> to vector<16xf32>
      %get3A_1341 = arith.constant 0 : i32
      %get3A_1342 = arith.constant 1 : i32
      %get3A_1343 = arith.index_cast %get3A_1341 : i32 to index
      %get3A_1344 = arith.index_cast %get3A_1342 : i32 to index
      %get3A_1345 = arith.index_cast %scan3A_1332 : i32 to index
      %get3A_1346 = arith.constant 0 : index
      %get3A_1347 = tpu.vector_load %arg7[%get3A_1343, %get3A_1344, %get3A_1345, %get3A_1346] {strides = array<i32>} : memref<2x10x128x16xf32, #tpu.memory_space<vmem>>, vector<1x1x1x16xf32>,
      %get3A_1348 = vector.shape_cast %get3A_1347 : vector<1x1x1x16xf32> to vector<16xf32>
      %get3A_1349 = arith.constant 0 : i32
      %get3A_1350 = arith.constant 2 : i32
      %get3A_1351 = arith.index_cast %get3A_1349 : i32 to index
      %get3A_1352 = arith.index_cast %get3A_1350 : i32 to index
      %get3A_1353 = arith.index_cast %scan3A_1332 : i32 to index
      %get3A_1354 = arith.constant 0 : index
      %get3A_1355 = tpu.vector_load %arg7[%get3A_1351, %get3A_1352, %get3A_1353, %get3A_1354] {strides = array<i32>} : memref<2x10x128x16xf32, #tpu.memory_space<vmem>>, vector<1x1x1x16xf32>,
      %get3A_1356 = vector.shape_cast %get3A_1355 : vector<1x1x1x16xf32> to vector<16xf32>
      %add3A_1357 = arith.addf %get3A_1340, %get3A_1356 : vector<16xf32>
      %get3A_1358 = arith.constant 0 : i32
      %get3A_1359 = arith.constant 3 : i32
      %get3A_1360 = arith.index_cast %get3A_1358 : i32 to index
      %get3A_1361 = arith.index_cast %get3A_1359 : i32 to index
      %get3A_1362 = arith.index_cast %scan3A_1332 : i32 to index
      %get3A_1363 = arith.constant 0 : index
      %get3A_1364 = tpu.vector_load %arg7[%get3A_1360, %get3A_1361, %get3A_1362, %get3A_1363] {strides = array<i32>} : memref<2x10x128x16xf32, #tpu.memory_space<vmem>>, vector<1x1x1x16xf32>,
      %get3A_1365 = vector.shape_cast %get3A_1364 : vector<1x1x1x16xf32> to vector<16xf32>
      %add3A_1366 = arith.addf %get3A_1348, %get3A_1365 : vector<16xf32>
      %get3A_1367 = arith.constant 0 : i32
      %get3A_1368 = arith.constant 4 : i32
      %get3A_1369 = arith.index_cast %get3A_1367 : i32 to index
      %get3A_1370 = arith.index_cast %get3A_1368 : i32 to index
      %get3A_1371 = arith.index_cast %scan3A_1332 : i32 to index
      %get3A_1372 = arith.constant 0 : index
      %get3A_1373 = tpu.vector_load %arg7[%get3A_1369, %get3A_1370, %get3A_1371, %get3A_1372] {strides = array<i32>} : memref<2x10x128x16xf32, #tpu.memory_space<vmem>>, vector<1x1x1x16xf32>,
      %get3A_1374 = vector.shape_cast %get3A_1373 : vector<1x1x1x16xf32> to vector<16xf32>
      %add3A_1375 = arith.addf %add3A_1357, %get3A_1374 : vector<16xf32>
      %get3A_1376 = arith.constant 0 : i32
      %get3A_1377 = arith.constant 5 : i32
      %get3A_1378 = arith.index_cast %get3A_1376 : i32 to index
      %get3A_1379 = arith.index_cast %get3A_1377 : i32 to index
      %get3A_1380 = arith.index_cast %scan3A_1332 : i32 to index
      %get3A_1381 = arith.constant 0 : index
      %get3A_1382 = tpu.vector_load %arg7[%get3A_1378, %get3A_1379, %get3A_1380, %get3A_1381] {strides = array<i32>} : memref<2x10x128x16xf32, #tpu.memory_space<vmem>>, vector<1x1x1x16xf32>,
      %get3A_1383 = vector.shape_cast %get3A_1382 : vector<1x1x1x16xf32> to vector<16xf32>
      %add3A_1384 = arith.addf %add3A_1366, %get3A_1383 : vector<16xf32>
      %get3A_1385 = arith.constant 0 : i32
      %get3A_1386 = arith.constant 6 : i32
      %get3A_1387 = arith.index_cast %get3A_1385 : i32 to index
      %get3A_1388 = arith.index_cast %get3A_1386 : i32 to index
      %get3A_1389 = arith.index_cast %scan3A_1332 : i32 to index
      %get3A_1390 = arith.constant 0 : index
      %get3A_1391 = tpu.vector_load %arg7[%get3A_1387, %get3A_1388, %get3A_1389, %get3A_1390] {strides = array<i32>} : memref<2x10x128x16xf32, #tpu.memory_space<vmem>>, vector<1x1x1x16xf32>,
      %get3A_1392 = vector.shape_cast %get3A_1391 : vector<1x1x1x16xf32> to vector<16xf32>
      %add3A_1393 = arith.addf %add3A_1375, %get3A_1392 : vector<16xf32>
      %get3A_1394 = arith.constant 0 : i32
      %get3A_1395 = arith.constant 7 : i32
      %get3A_1396 = arith.index_cast %get3A_1394 : i32 to index
      %get3A_1397 = arith.index_cast %get3A_1395 : i32 to index
      %get3A_1398 = arith.index_cast %scan3A_1332 : i32 to index
      %get3A_1399 = arith.constant 0 : index
      %get3A_1400 = tpu.vector_load %arg7[%get3A_1396, %get3A_1397, %get3A_1398, %get3A_1399] {strides = array<i32>} : memref<2x10x128x16xf32, #tpu.memory_space<vmem>>, vector<1x1x1x16xf32>,
      %get3A_1401 = vector.shape_cast %get3A_1400 : vector<1x1x1x16xf32> to vector<16xf32>
      %add3A_1402 = arith.addf %add3A_1384, %get3A_1401 : vector<16xf32>
      %get3A_1403 = arith.constant 0 : i32
      %get3A_1404 = arith.constant 8 : i32
      %get3A_1405 = arith.index_cast %get3A_1403 : i32 to index
      %get3A_1406 = arith.index_cast %get3A_1404 : i32 to index
      %get3A_1407 = arith.index_cast %scan3A_1332 : i32 to index
      %get3A_1408 = arith.constant 0 : index
      %get3A_1409 = tpu.vector_load %arg7[%get3A_1405, %get3A_1406, %get3A_1407, %get3A_1408] {strides = array<i32>} : memref<2x10x128x16xf32, #tpu.memory_space<vmem>>, vector<1x1x1x16xf32>,
      %get3A_1410 = vector.shape_cast %get3A_1409 : vector<1x1x1x16xf32> to vector<16xf32>
      %add3A_1411 = arith.addf %add3A_1393, %get3A_1410 : vector<16xf32>
      %get3A_1412 = arith.constant 0 : i32
      %get3A_1413 = arith.constant 9 : i32
      %get3A_1414 = arith.index_cast %get3A_1412 : i32 to index
      %get3A_1415 = arith.index_cast %get3A_1413 : i32 to index
      %get3A_1416 = arith.index_cast %scan3A_1332 : i32 to index
      %get3A_1417 = arith.constant 0 : index
      %get3A_1418 = tpu.vector_load %arg7[%get3A_1414, %get3A_1415, %get3A_1416, %get3A_1417] {strides = array<i32>} : memref<2x10x128x16xf32, #tpu.memory_space<vmem>>, vector<1x1x1x16xf32>,
      %get3A_1419 = vector.shape_cast %get3A_1418 : vector<1x1x1x16xf32> to vector<16xf32>
      %add3A_1420 = arith.addf %add3A_1402, %get3A_1419 : vector<16xf32>
      %add3A_1421 = arith.addf %add3A_1411, %add3A_1420 : vector<16xf32>
      %get3A_1422 = arith.index_cast %scan3A_1332 : i32 to index
      %get3A_1423 = arith.constant 0 : index
      %get3A_1424 = tpu.vector_load %arg8[%get3A_1422, %get3A_1423] {strides = array<i32>} : memref<128x16xf32, #tpu.memory_space<vmem>>, vector<1x16xf32>,
      %get3A_1425 = vector.shape_cast %get3A_1424 : vector<1x16xf32> to vector<16xf32>
      %add3A_1426 = arith.addf %add3A_1421, %get3A_1425 : vector<16xf32>
      %swap3A = arith.index_cast %scan3A_1332 : i32 to index
      %swap3A_1427 = arith.constant 0 : index
      %swap3A_1428 = tpu.vector_load %arg8[%swap3A, %swap3A_1427] {strides = array<i32>} : memref<128x16xf32, #tpu.memory_space<vmem>>, vector<1x16xf32>,
      %swap3A_1429 = vector.shape_cast %swap3A_1428 : vector<1x16xf32> to vector<16xf32>
      %swap3A_1430 = vector.shape_cast %add3A_1426 : vector<16xf32> to vector<1x16xf32>
      tpu.vector_store %arg8[%swap3A, %swap3A_1427], %swap3A_1430 {strides = array<i32>} : memref<128x16xf32, #tpu.memory_space<vmem>>, vector<1x16xf32>,
    }
    %scan3A_929 = arith.constant 128 : i32
    %dma_start3A_930 = arith.constant 40 : i32
    %dma_start3A_931 = arith.constant 0 : i32
    %dma_start3A_932 = arith.constant 0 : i32
    %dma_start3A_933 = arith.constant 0 : i32
    %dma_start3A_934 = arith.constant 0 : i32
    %dma_start3A_935 = tpu.memref_slice %arg7[%dma_start3A_931, %dma_start3A_932, %dma_start3A_933, %dma_start3A_934] : memref<2x10x128x16xf32, #tpu.memory_space<vmem>> -> memref<1x1x128x16xf32, #tpu.memory_space<vmem>>
    %dma_start3A_936 = tpu.memref_squeeze %dma_start3A_935 : memref<1x1x128x16xf32, #tpu.memory_space<vmem>> -> memref<128x16xf32, #tpu.memory_space<vmem>>
    %dma_start3A_937 = arith.constant 0 : i32
    %dma_start3A_938 = tpu.memref_slice %arg6[%dma_start3A_930, %dma_start3A_937] : memref<50x128xi32, #tpu.memory_space<vmem>> -> memref<1x128xi32, #tpu.memory_space<vmem>>
    %dma_start3A_939 = tpu.memref_squeeze %dma_start3A_938 : memref<1x128xi32, #tpu.memory_space<vmem>> -> memref<128xi32, #tpu.memory_space<vmem>>
    %dma_start3A_940 = arith.constant 0 : i32
    %dma_start3A_941 = arith.constant 0 : i32
    %dma_start3A_942 = tpu.memref_slice %arg2[%dma_start3A_940, %dma_start3A_941] : memref<100000x16xf32, #tpu.memory_space<hbm>> -> memref<100000x16xf32, #tpu.memory_space<hbm>>
    tpu.enqueue_indirect_dma source(%dma_start3A_942 : memref<100000x16xf32, #tpu.memory_space<hbm>>) target(%dma_start3A_936 : memref<128x16xf32, #tpu.memory_space<vmem>>) offsets(%dma_start3A_939 : memref<128xi32, #tpu.memory_space<vmem>>) semaphore(%arg10 : memref<!tpu.dma_semaphore, #tpu.memory_space<semaphore_mem>>)
    %dma_start3A_943 = arith.constant 41 : i32
    %dma_start3A_944 = arith.constant 0 : i32
    %dma_start3A_945 = arith.constant 1 : i32
    %dma_start3A_946 = arith.constant 0 : i32
    %dma_start3A_947 = arith.constant 0 : i32
    %dma_start3A_948 = tpu.memref_slice %arg7[%dma_start3A_944, %dma_start3A_945, %dma_start3A_946, %dma_start3A_947] : memref<2x10x128x16xf32, #tpu.memory_space<vmem>> -> memref<1x1x128x16xf32, #tpu.memory_space<vmem>>
    %dma_start3A_949 = tpu.memref_squeeze %dma_start3A_948 : memref<1x1x128x16xf32, #tpu.memory_space<vmem>> -> memref<128x16xf32, #tpu.memory_space<vmem>>
    %dma_start3A_950 = arith.constant 0 : i32
    %dma_start3A_951 = tpu.memref_slice %arg6[%dma_start3A_943, %dma_start3A_950] : memref<50x128xi32, #tpu.memory_space<vmem>> -> memref<1x128xi32, #tpu.memory_space<vmem>>
    %dma_start3A_952 = tpu.memref_squeeze %dma_start3A_951 : memref<1x128xi32, #tpu.memory_space<vmem>> -> memref<128xi32, #tpu.memory_space<vmem>>
    %dma_start3A_953 = arith.constant 0 : i32
    %dma_start3A_954 = arith.constant 0 : i32
    %dma_start3A_955 = tpu.memref_slice %arg2[%dma_start3A_953, %dma_start3A_954] : memref<100000x16xf32, #tpu.memory_space<hbm>> -> memref<100000x16xf32, #tpu.memory_space<hbm>>
    tpu.enqueue_indirect_dma source(%dma_start3A_955 : memref<100000x16xf32, #tpu.memory_space<hbm>>) target(%dma_start3A_949 : memref<128x16xf32, #tpu.memory_space<vmem>>) offsets(%dma_start3A_952 : memref<128xi32, #tpu.memory_space<vmem>>) semaphore(%arg10 : memref<!tpu.dma_semaphore, #tpu.memory_space<semaphore_mem>>)
    %dma_start3A_956 = arith.constant 42 : i32
    %dma_start3A_957 = arith.constant 0 : i32
    %dma_start3A_958 = arith.constant 2 : i32
    %dma_start3A_959 = arith.constant 0 : i32
    %dma_start3A_960 = arith.constant 0 : i32
    %dma_start3A_961 = tpu.memref_slice %arg7[%dma_start3A_957, %dma_start3A_958, %dma_start3A_959, %dma_start3A_960] : memref<2x10x128x16xf32, #tpu.memory_space<vmem>> -> memref<1x1x128x16xf32, #tpu.memory_space<vmem>>
    %dma_start3A_962 = tpu.memref_squeeze %dma_start3A_961 : memref<1x1x128x16xf32, #tpu.memory_space<vmem>> -> memref<128x16xf32, #tpu.memory_space<vmem>>
    %dma_start3A_963 = arith.constant 0 : i32
    %dma_start3A_964 = tpu.memref_slice %arg6[%dma_start3A_956, %dma_start3A_963] : memref<50x128xi32, #tpu.memory_space<vmem>> -> memref<1x128xi32, #tpu.memory_space<vmem>>
    %dma_start3A_965 = tpu.memref_squeeze %dma_start3A_964 : memref<1x128xi32, #tpu.memory_space<vmem>> -> memref<128xi32, #tpu.memory_space<vmem>>
    %dma_start3A_966 = arith.constant 0 : i32
    %dma_start3A_967 = arith.constant 0 : i32
    %dma_start3A_968 = tpu.memref_slice %arg2[%dma_start3A_966, %dma_start3A_967] : memref<100000x16xf32, #tpu.memory_space<hbm>> -> memref<100000x16xf32, #tpu.memory_space<hbm>>
    tpu.enqueue_indirect_dma source(%dma_start3A_968 : memref<100000x16xf32, #tpu.memory_space<hbm>>) target(%dma_start3A_962 : memref<128x16xf32, #tpu.memory_space<vmem>>) offsets(%dma_start3A_965 : memref<128xi32, #tpu.memory_space<vmem>>) semaphore(%arg10 : memref<!tpu.dma_semaphore, #tpu.memory_space<semaphore_mem>>)
    %dma_start3A_969 = arith.constant 43 : i32
    %dma_start3A_970 = arith.constant 0 : i32
    %dma_start3A_971 = arith.constant 3 : i32
    %dma_start3A_972 = arith.constant 0 : i32
    %dma_start3A_973 = arith.constant 0 : i32
    %dma_start3A_974 = tpu.memref_slice %arg7[%dma_start3A_970, %dma_start3A_971, %dma_start3A_972, %dma_start3A_973] : memref<2x10x128x16xf32, #tpu.memory_space<vmem>> -> memref<1x1x128x16xf32, #tpu.memory_space<vmem>>
    %dma_start3A_975 = tpu.memref_squeeze %dma_start3A_974 : memref<1x1x128x16xf32, #tpu.memory_space<vmem>> -> memref<128x16xf32, #tpu.memory_space<vmem>>
    %dma_start3A_976 = arith.constant 0 : i32
    %dma_start3A_977 = tpu.memref_slice %arg6[%dma_start3A_969, %dma_start3A_976] : memref<50x128xi32, #tpu.memory_space<vmem>> -> memref<1x128xi32, #tpu.memory_space<vmem>>
    %dma_start3A_978 = tpu.memref_squeeze %dma_start3A_977 : memref<1x128xi32, #tpu.memory_space<vmem>> -> memref<128xi32, #tpu.memory_space<vmem>>
    %dma_start3A_979 = arith.constant 0 : i32
    %dma_start3A_980 = arith.constant 0 : i32
    %dma_start3A_981 = tpu.memref_slice %arg2[%dma_start3A_979, %dma_start3A_980] : memref<100000x16xf32, #tpu.memory_space<hbm>> -> memref<100000x16xf32, #tpu.memory_space<hbm>>
    tpu.enqueue_indirect_dma source(%dma_start3A_981 : memref<100000x16xf32, #tpu.memory_space<hbm>>) target(%dma_start3A_975 : memref<128x16xf32, #tpu.memory_space<vmem>>) offsets(%dma_start3A_978 : memref<128xi32, #tpu.memory_space<vmem>>) semaphore(%arg10 : memref<!tpu.dma_semaphore, #tpu.memory_space<semaphore_mem>>)
    %dma_start3A_982 = arith.constant 44 : i32
    %dma_start3A_983 = arith.constant 0 : i32
    %dma_start3A_984 = arith.constant 4 : i32
    %dma_start3A_985 = arith.constant 0 : i32
    %dma_start3A_986 = arith.constant 0 : i32
    %dma_start3A_987 = tpu.memref_slice %arg7[%dma_start3A_983, %dma_start3A_984, %dma_start3A_985, %dma_start3A_986] : memref<2x10x128x16xf32, #tpu.memory_space<vmem>> -> memref<1x1x128x16xf32, #tpu.memory_space<vmem>>
    %dma_start3A_988 = tpu.memref_squeeze %dma_start3A_987 : memref<1x1x128x16xf32, #tpu.memory_space<vmem>> -> memref<128x16xf32, #tpu.memory_space<vmem>>
    %dma_start3A_989 = arith.constant 0 : i32
    %dma_start3A_990 = tpu.memref_slice %arg6[%dma_start3A_982, %dma_start3A_989] : memref<50x128xi32, #tpu.memory_space<vmem>> -> memref<1x128xi32, #tpu.memory_space<vmem>>
    %dma_start3A_991 = tpu.memref_squeeze %dma_start3A_990 : memref<1x128xi32, #tpu.memory_space<vmem>> -> memref<128xi32, #tpu.memory_space<vmem>>
    %dma_start3A_992 = arith.constant 0 : i32
    %dma_start3A_993 = arith.constant 0 : i32
    %dma_start3A_994 = tpu.memref_slice %arg2[%dma_start3A_992, %dma_start3A_993] : memref<100000x16xf32, #tpu.memory_space<hbm>> -> memref<100000x16xf32, #tpu.memory_space<hbm>>
    tpu.enqueue_indirect_dma source(%dma_start3A_994 : memref<100000x16xf32, #tpu.memory_space<hbm>>) target(%dma_start3A_988 : memref<128x16xf32, #tpu.memory_space<vmem>>) offsets(%dma_start3A_991 : memref<128xi32, #tpu.memory_space<vmem>>) semaphore(%arg10 : memref<!tpu.dma_semaphore, #tpu.memory_space<semaphore_mem>>)
    %dma_start3A_995 = arith.constant 45 : i32
    %dma_start3A_996 = arith.constant 0 : i32
    %dma_start3A_997 = arith.constant 5 : i32
    %dma_start3A_998 = arith.constant 0 : i32
    %dma_start3A_999 = arith.constant 0 : i32
    %dma_start3A_1000 = tpu.memref_slice %arg7[%dma_start3A_996, %dma_start3A_997, %dma_start3A_998, %dma_start3A_999] : memref<2x10x128x16xf32, #tpu.memory_space<vmem>> -> memref<1x1x128x16xf32, #tpu.memory_space<vmem>>
    %dma_start3A_1001 = tpu.memref_squeeze %dma_start3A_1000 : memref<1x1x128x16xf32, #tpu.memory_space<vmem>> -> memref<128x16xf32, #tpu.memory_space<vmem>>
    %dma_start3A_1002 = arith.constant 0 : i32
    %dma_start3A_1003 = tpu.memref_slice %arg6[%dma_start3A_995, %dma_start3A_1002] : memref<50x128xi32, #tpu.memory_space<vmem>> -> memref<1x128xi32, #tpu.memory_space<vmem>>
    %dma_start3A_1004 = tpu.memref_squeeze %dma_start3A_1003 : memref<1x128xi32, #tpu.memory_space<vmem>> -> memref<128xi32, #tpu.memory_space<vmem>>
    %dma_start3A_1005 = arith.constant 0 : i32
    %dma_start3A_1006 = arith.constant 0 : i32
    %dma_start3A_1007 = tpu.memref_slice %arg2[%dma_start3A_1005, %dma_start3A_1006] : memref<100000x16xf32, #tpu.memory_space<hbm>> -> memref<100000x16xf32, #tpu.memory_space<hbm>>
    tpu.enqueue_indirect_dma source(%dma_start3A_1007 : memref<100000x16xf32, #tpu.memory_space<hbm>>) target(%dma_start3A_1001 : memref<128x16xf32, #tpu.memory_space<vmem>>) offsets(%dma_start3A_1004 : memref<128xi32, #tpu.memory_space<vmem>>) semaphore(%arg10 : memref<!tpu.dma_semaphore, #tpu.memory_space<semaphore_mem>>)
    %dma_start3A_1008 = arith.constant 46 : i32
    %dma_start3A_1009 = arith.constant 0 : i32
    %dma_start3A_1010 = arith.constant 6 : i32
    %dma_start3A_1011 = arith.constant 0 : i32
    %dma_start3A_1012 = arith.constant 0 : i32
    %dma_start3A_1013 = tpu.memref_slice %arg7[%dma_start3A_1009, %dma_start3A_1010, %dma_start3A_1011, %dma_start3A_1012] : memref<2x10x128x16xf32, #tpu.memory_space<vmem>> -> memref<1x1x128x16xf32, #tpu.memory_space<vmem>>
    %dma_start3A_1014 = tpu.memref_squeeze %dma_start3A_1013 : memref<1x1x128x16xf32, #tpu.memory_space<vmem>> -> memref<128x16xf32, #tpu.memory_space<vmem>>
    %dma_start3A_1015 = arith.constant 0 : i32
    %dma_start3A_1016 = tpu.memref_slice %arg6[%dma_start3A_1008, %dma_start3A_1015] : memref<50x128xi32, #tpu.memory_space<vmem>> -> memref<1x128xi32, #tpu.memory_space<vmem>>
    %dma_start3A_1017 = tpu.memref_squeeze %dma_start3A_1016 : memref<1x128xi32, #tpu.memory_space<vmem>> -> memref<128xi32, #tpu.memory_space<vmem>>
    %dma_start3A_1018 = arith.constant 0 : i32
    %dma_start3A_1019 = arith.constant 0 : i32
    %dma_start3A_1020 = tpu.memref_slice %arg2[%dma_start3A_1018, %dma_start3A_1019] : memref<100000x16xf32, #tpu.memory_space<hbm>> -> memref<100000x16xf32, #tpu.memory_space<hbm>>
    tpu.enqueue_indirect_dma source(%dma_start3A_1020 : memref<100000x16xf32, #tpu.memory_space<hbm>>) target(%dma_start3A_1014 : memref<128x16xf32, #tpu.memory_space<vmem>>) offsets(%dma_start3A_1017 : memref<128xi32, #tpu.memory_space<vmem>>) semaphore(%arg10 : memref<!tpu.dma_semaphore, #tpu.memory_space<semaphore_mem>>)
    %dma_start3A_1021 = arith.constant 47 : i32
    %dma_start3A_1022 = arith.constant 0 : i32
    %dma_start3A_1023 = arith.constant 7 : i32
    %dma_start3A_1024 = arith.constant 0 : i32
    %dma_start3A_1025 = arith.constant 0 : i32
    %dma_start3A_1026 = tpu.memref_slice %arg7[%dma_start3A_1022, %dma_start3A_1023, %dma_start3A_1024, %dma_start3A_1025] : memref<2x10x128x16xf32, #tpu.memory_space<vmem>> -> memref<1x1x128x16xf32, #tpu.memory_space<vmem>>
    %dma_start3A_1027 = tpu.memref_squeeze %dma_start3A_1026 : memref<1x1x128x16xf32, #tpu.memory_space<vmem>> -> memref<128x16xf32, #tpu.memory_space<vmem>>
    %dma_start3A_1028 = arith.constant 0 : i32
    %dma_start3A_1029 = tpu.memref_slice %arg6[%dma_start3A_1021, %dma_start3A_1028] : memref<50x128xi32, #tpu.memory_space<vmem>> -> memref<1x128xi32, #tpu.memory_space<vmem>>
    %dma_start3A_1030 = tpu.memref_squeeze %dma_start3A_1029 : memref<1x128xi32, #tpu.memory_space<vmem>> -> memref<128xi32, #tpu.memory_space<vmem>>
    %dma_start3A_1031 = arith.constant 0 : i32
    %dma_start3A_1032 = arith.constant 0 : i32
    %dma_start3A_1033 = tpu.memref_slice %arg2[%dma_start3A_1031, %dma_start3A_1032] : memref<100000x16xf32, #tpu.memory_space<hbm>> -> memref<100000x16xf32, #tpu.memory_space<hbm>>
    tpu.enqueue_indirect_dma source(%dma_start3A_1033 : memref<100000x16xf32, #tpu.memory_space<hbm>>) target(%dma_start3A_1027 : memref<128x16xf32, #tpu.memory_space<vmem>>) offsets(%dma_start3A_1030 : memref<128xi32, #tpu.memory_space<vmem>>) semaphore(%arg10 : memref<!tpu.dma_semaphore, #tpu.memory_space<semaphore_mem>>)
    %dma_start3A_1034 = arith.constant 48 : i32
    %dma_start3A_1035 = arith.constant 0 : i32
    %dma_start3A_1036 = arith.constant 8 : i32
    %dma_start3A_1037 = arith.constant 0 : i32
    %dma_start3A_1038 = arith.constant 0 : i32
    %dma_start3A_1039 = tpu.memref_slice %arg7[%dma_start3A_1035, %dma_start3A_1036, %dma_start3A_1037, %dma_start3A_1038] : memref<2x10x128x16xf32, #tpu.memory_space<vmem>> -> memref<1x1x128x16xf32, #tpu.memory_space<vmem>>
    %dma_start3A_1040 = tpu.memref_squeeze %dma_start3A_1039 : memref<1x1x128x16xf32, #tpu.memory_space<vmem>> -> memref<128x16xf32, #tpu.memory_space<vmem>>
    %dma_start3A_1041 = arith.constant 0 : i32
    %dma_start3A_1042 = tpu.memref_slice %arg6[%dma_start3A_1034, %dma_start3A_1041] : memref<50x128xi32, #tpu.memory_space<vmem>> -> memref<1x128xi32, #tpu.memory_space<vmem>>
    %dma_start3A_1043 = tpu.memref_squeeze %dma_start3A_1042 : memref<1x128xi32, #tpu.memory_space<vmem>> -> memref<128xi32, #tpu.memory_space<vmem>>
    %dma_start3A_1044 = arith.constant 0 : i32
    %dma_start3A_1045 = arith.constant 0 : i32
    %dma_start3A_1046 = tpu.memref_slice %arg2[%dma_start3A_1044, %dma_start3A_1045] : memref<100000x16xf32, #tpu.memory_space<hbm>> -> memref<100000x16xf32, #tpu.memory_space<hbm>>
    tpu.enqueue_indirect_dma source(%dma_start3A_1046 : memref<100000x16xf32, #tpu.memory_space<hbm>>) target(%dma_start3A_1040 : memref<128x16xf32, #tpu.memory_space<vmem>>) offsets(%dma_start3A_1043 : memref<128xi32, #tpu.memory_space<vmem>>) semaphore(%arg10 : memref<!tpu.dma_semaphore, #tpu.memory_space<semaphore_mem>>)
    %dma_start3A_1047 = arith.constant 49 : i32
    %dma_start3A_1048 = arith.constant 0 : i32
    %dma_start3A_1049 = arith.constant 9 : i32
    %dma_start3A_1050 = arith.constant 0 : i32
    %dma_start3A_1051 = arith.constant 0 : i32
    %dma_start3A_1052 = tpu.memref_slice %arg7[%dma_start3A_1048, %dma_start3A_1049, %dma_start3A_1050, %dma_start3A_1051] : memref<2x10x128x16xf32, #tpu.memory_space<vmem>> -> memref<1x1x128x16xf32, #tpu.memory_space<vmem>>
    %dma_start3A_1053 = tpu.memref_squeeze %dma_start3A_1052 : memref<1x1x128x16xf32, #tpu.memory_space<vmem>> -> memref<128x16xf32, #tpu.memory_space<vmem>>
    %dma_start3A_1054 = arith.constant 0 : i32
    %dma_start3A_1055 = tpu.memref_slice %arg6[%dma_start3A_1047, %dma_start3A_1054] : memref<50x128xi32, #tpu.memory_space<vmem>> -> memref<1x128xi32, #tpu.memory_space<vmem>>
    %dma_start3A_1056 = tpu.memref_squeeze %dma_start3A_1055 : memref<1x128xi32, #tpu.memory_space<vmem>> -> memref<128xi32, #tpu.memory_space<vmem>>
    %dma_start3A_1057 = arith.constant 0 : i32
    %dma_start3A_1058 = arith.constant 0 : i32
    %dma_start3A_1059 = tpu.memref_slice %arg2[%dma_start3A_1057, %dma_start3A_1058] : memref<100000x16xf32, #tpu.memory_space<hbm>> -> memref<100000x16xf32, #tpu.memory_space<hbm>>
    tpu.enqueue_indirect_dma source(%dma_start3A_1059 : memref<100000x16xf32, #tpu.memory_space<hbm>>) target(%dma_start3A_1053 : memref<128x16xf32, #tpu.memory_space<vmem>>) offsets(%dma_start3A_1056 : memref<128xi32, #tpu.memory_space<vmem>>) semaphore(%arg10 : memref<!tpu.dma_semaphore, #tpu.memory_space<semaphore_mem>>)
    %dma_wait3A_1060 = arith.constant 30 : i32
    %dma_wait3A_1061 = arith.constant 1 : i32
    %dma_wait3A_1062 = arith.constant 0 : i32
    %dma_wait3A_1063 = arith.constant 0 : i32
    %dma_wait3A_1064 = arith.constant 0 : i32
    %dma_wait3A_1065 = tpu.memref_slice %arg7[%dma_wait3A_1061, %dma_wait3A_1062, %dma_wait3A_1063, %dma_wait3A_1064] : memref<2x10x128x16xf32, #tpu.memory_space<vmem>> -> memref<1x1x128x16xf32, #tpu.memory_space<vmem>>
    %dma_wait3A_1066 = tpu.memref_squeeze %dma_wait3A_1065 : memref<1x1x128x16xf32, #tpu.memory_space<vmem>> -> memref<128x16xf32, #tpu.memory_space<vmem>>
    %dma_wait3A_1067 = arith.constant 0 : i32
    %dma_wait3A_1068 = tpu.memref_slice %arg6[%dma_wait3A_1060, %dma_wait3A_1067] : memref<50x128xi32, #tpu.memory_space<vmem>> -> memref<1x128xi32, #tpu.memory_space<vmem>>
    %dma_wait3A_1069 = tpu.memref_squeeze %dma_wait3A_1068 : memref<1x128xi32, #tpu.memory_space<vmem>> -> memref<128xi32, #tpu.memory_space<vmem>>
    %dma_wait3A_1070 = arith.constant 0 : i32
    %dma_wait3A_1071 = arith.constant 0 : i32
    %dma_wait3A_1072 = tpu.memref_slice %arg2[%dma_wait3A_1070, %dma_wait3A_1071] : memref<100000x16xf32, #tpu.memory_space<hbm>> -> memref<100000x16xf32, #tpu.memory_space<hbm>>
    tpu.wait_indirect_dma semaphore(%arg11 : memref<!tpu.dma_semaphore, #tpu.memory_space<semaphore_mem>>) src(%dma_wait3A_1072 : memref<100000x16xf32, #tpu.memory_space<hbm>>) dst(%dma_wait3A_1066 : memref<128x16xf32, #tpu.memory_space<vmem>>)
    %dma_wait3A_1073 = arith.constant 31 : i32
    %dma_wait3A_1074 = arith.constant 1 : i32
    %dma_wait3A_1075 = arith.constant 1 : i32
    %dma_wait3A_1076 = arith.constant 0 : i32
    %dma_wait3A_1077 = arith.constant 0 : i32
    %dma_wait3A_1078 = tpu.memref_slice %arg7[%dma_wait3A_1074, %dma_wait3A_1075, %dma_wait3A_1076, %dma_wait3A_1077] : memref<2x10x128x16xf32, #tpu.memory_space<vmem>> -> memref<1x1x128x16xf32, #tpu.memory_space<vmem>>
    %dma_wait3A_1079 = tpu.memref_squeeze %dma_wait3A_1078 : memref<1x1x128x16xf32, #tpu.memory_space<vmem>> -> memref<128x16xf32, #tpu.memory_space<vmem>>
    %dma_wait3A_1080 = arith.constant 0 : i32
    %dma_wait3A_1081 = tpu.memref_slice %arg6[%dma_wait3A_1073, %dma_wait3A_1080] : memref<50x128xi32, #tpu.memory_space<vmem>> -> memref<1x128xi32, #tpu.memory_space<vmem>>
    %dma_wait3A_1082 = tpu.memref_squeeze %dma_wait3A_1081 : memref<1x128xi32, #tpu.memory_space<vmem>> -> memref<128xi32, #tpu.memory_space<vmem>>
    %dma_wait3A_1083 = arith.constant 0 : i32
    %dma_wait3A_1084 = arith.constant 0 : i32
    %dma_wait3A_1085 = tpu.memref_slice %arg2[%dma_wait3A_1083, %dma_wait3A_1084] : memref<100000x16xf32, #tpu.memory_space<hbm>> -> memref<100000x16xf32, #tpu.memory_space<hbm>>
    tpu.wait_indirect_dma semaphore(%arg11 : memref<!tpu.dma_semaphore, #tpu.memory_space<semaphore_mem>>) src(%dma_wait3A_1085 : memref<100000x16xf32, #tpu.memory_space<hbm>>) dst(%dma_wait3A_1079 : memref<128x16xf32, #tpu.memory_space<vmem>>)
    %dma_wait3A_1086 = arith.constant 32 : i32
    %dma_wait3A_1087 = arith.constant 1 : i32
    %dma_wait3A_1088 = arith.constant 2 : i32
    %dma_wait3A_1089 = arith.constant 0 : i32
    %dma_wait3A_1090 = arith.constant 0 : i32
    %dma_wait3A_1091 = tpu.memref_slice %arg7[%dma_wait3A_1087, %dma_wait3A_1088, %dma_wait3A_1089, %dma_wait3A_1090] : memref<2x10x128x16xf32, #tpu.memory_space<vmem>> -> memref<1x1x128x16xf32, #tpu.memory_space<vmem>>
    %dma_wait3A_1092 = tpu.memref_squeeze %dma_wait3A_1091 : memref<1x1x128x16xf32, #tpu.memory_space<vmem>> -> memref<128x16xf32, #tpu.memory_space<vmem>>
    %dma_wait3A_1093 = arith.constant 0 : i32
    %dma_wait3A_1094 = tpu.memref_slice %arg6[%dma_wait3A_1086, %dma_wait3A_1093] : memref<50x128xi32, #tpu.memory_space<vmem>> -> memref<1x128xi32, #tpu.memory_space<vmem>>
    %dma_wait3A_1095 = tpu.memref_squeeze %dma_wait3A_1094 : memref<1x128xi32, #tpu.memory_space<vmem>> -> memref<128xi32, #tpu.memory_space<vmem>>
    %dma_wait3A_1096 = arith.constant 0 : i32
    %dma_wait3A_1097 = arith.constant 0 : i32
    %dma_wait3A_1098 = tpu.memref_slice %arg2[%dma_wait3A_1096, %dma_wait3A_1097] : memref<100000x16xf32, #tpu.memory_space<hbm>> -> memref<100000x16xf32, #tpu.memory_space<hbm>>
    tpu.wait_indirect_dma semaphore(%arg11 : memref<!tpu.dma_semaphore, #tpu.memory_space<semaphore_mem>>) src(%dma_wait3A_1098 : memref<100000x16xf32, #tpu.memory_space<hbm>>) dst(%dma_wait3A_1092 : memref<128x16xf32, #tpu.memory_space<vmem>>)
    %dma_wait3A_1099 = arith.constant 33 : i32
    %dma_wait3A_1100 = arith.constant 1 : i32
    %dma_wait3A_1101 = arith.constant 3 : i32
    %dma_wait3A_1102 = arith.constant 0 : i32
    %dma_wait3A_1103 = arith.constant 0 : i32
    %dma_wait3A_1104 = tpu.memref_slice %arg7[%dma_wait3A_1100, %dma_wait3A_1101, %dma_wait3A_1102, %dma_wait3A_1103] : memref<2x10x128x16xf32, #tpu.memory_space<vmem>> -> memref<1x1x128x16xf32, #tpu.memory_space<vmem>>
    %dma_wait3A_1105 = tpu.memref_squeeze %dma_wait3A_1104 : memref<1x1x128x16xf32, #tpu.memory_space<vmem>> -> memref<128x16xf32, #tpu.memory_space<vmem>>
    %dma_wait3A_1106 = arith.constant 0 : i32
    %dma_wait3A_1107 = tpu.memref_slice %arg6[%dma_wait3A_1099, %dma_wait3A_1106] : memref<50x128xi32, #tpu.memory_space<vmem>> -> memref<1x128xi32, #tpu.memory_space<vmem>>
    %dma_wait3A_1108 = tpu.memref_squeeze %dma_wait3A_1107 : memref<1x128xi32, #tpu.memory_space<vmem>> -> memref<128xi32, #tpu.memory_space<vmem>>
    %dma_wait3A_1109 = arith.constant 0 : i32
    %dma_wait3A_1110 = arith.constant 0 : i32
    %dma_wait3A_1111 = tpu.memref_slice %arg2[%dma_wait3A_1109, %dma_wait3A_1110] : memref<100000x16xf32, #tpu.memory_space<hbm>> -> memref<100000x16xf32, #tpu.memory_space<hbm>>
    tpu.wait_indirect_dma semaphore(%arg11 : memref<!tpu.dma_semaphore, #tpu.memory_space<semaphore_mem>>) src(%dma_wait3A_1111 : memref<100000x16xf32, #tpu.memory_space<hbm>>) dst(%dma_wait3A_1105 : memref<128x16xf32, #tpu.memory_space<vmem>>)
    %dma_wait3A_1112 = arith.constant 34 : i32
    %dma_wait3A_1113 = arith.constant 1 : i32
    %dma_wait3A_1114 = arith.constant 4 : i32
    %dma_wait3A_1115 = arith.constant 0 : i32
    %dma_wait3A_1116 = arith.constant 0 : i32
    %dma_wait3A_1117 = tpu.memref_slice %arg7[%dma_wait3A_1113, %dma_wait3A_1114, %dma_wait3A_1115, %dma_wait3A_1116] : memref<2x10x128x16xf32, #tpu.memory_space<vmem>> -> memref<1x1x128x16xf32, #tpu.memory_space<vmem>>
    %dma_wait3A_1118 = tpu.memref_squeeze %dma_wait3A_1117 : memref<1x1x128x16xf32, #tpu.memory_space<vmem>> -> memref<128x16xf32, #tpu.memory_space<vmem>>
    %dma_wait3A_1119 = arith.constant 0 : i32
    %dma_wait3A_1120 = tpu.memref_slice %arg6[%dma_wait3A_1112, %dma_wait3A_1119] : memref<50x128xi32, #tpu.memory_space<vmem>> -> memref<1x128xi32, #tpu.memory_space<vmem>>
    %dma_wait3A_1121 = tpu.memref_squeeze %dma_wait3A_1120 : memref<1x128xi32, #tpu.memory_space<vmem>> -> memref<128xi32, #tpu.memory_space<vmem>>
    %dma_wait3A_1122 = arith.constant 0 : i32
    %dma_wait3A_1123 = arith.constant 0 : i32
    %dma_wait3A_1124 = tpu.memref_slice %arg2[%dma_wait3A_1122, %dma_wait3A_1123] : memref<100000x16xf32, #tpu.memory_space<hbm>> -> memref<100000x16xf32, #tpu.memory_space<hbm>>
    tpu.wait_indirect_dma semaphore(%arg11 : memref<!tpu.dma_semaphore, #tpu.memory_space<semaphore_mem>>) src(%dma_wait3A_1124 : memref<100000x16xf32, #tpu.memory_space<hbm>>) dst(%dma_wait3A_1118 : memref<128x16xf32, #tpu.memory_space<vmem>>)
    %dma_wait3A_1125 = arith.constant 35 : i32
    %dma_wait3A_1126 = arith.constant 1 : i32
    %dma_wait3A_1127 = arith.constant 5 : i32
    %dma_wait3A_1128 = arith.constant 0 : i32
    %dma_wait3A_1129 = arith.constant 0 : i32
    %dma_wait3A_1130 = tpu.memref_slice %arg7[%dma_wait3A_1126, %dma_wait3A_1127, %dma_wait3A_1128, %dma_wait3A_1129] : memref<2x10x128x16xf32, #tpu.memory_space<vmem>> -> memref<1x1x128x16xf32, #tpu.memory_space<vmem>>
    %dma_wait3A_1131 = tpu.memref_squeeze %dma_wait3A_1130 : memref<1x1x128x16xf32, #tpu.memory_space<vmem>> -> memref<128x16xf32, #tpu.memory_space<vmem>>
    %dma_wait3A_1132 = arith.constant 0 : i32
    %dma_wait3A_1133 = tpu.memref_slice %arg6[%dma_wait3A_1125, %dma_wait3A_1132] : memref<50x128xi32, #tpu.memory_space<vmem>> -> memref<1x128xi32, #tpu.memory_space<vmem>>
    %dma_wait3A_1134 = tpu.memref_squeeze %dma_wait3A_1133 : memref<1x128xi32, #tpu.memory_space<vmem>> -> memref<128xi32, #tpu.memory_space<vmem>>
    %dma_wait3A_1135 = arith.constant 0 : i32
    %dma_wait3A_1136 = arith.constant 0 : i32
    %dma_wait3A_1137 = tpu.memref_slice %arg2[%dma_wait3A_1135, %dma_wait3A_1136] : memref<100000x16xf32, #tpu.memory_space<hbm>> -> memref<100000x16xf32, #tpu.memory_space<hbm>>
    tpu.wait_indirect_dma semaphore(%arg11 : memref<!tpu.dma_semaphore, #tpu.memory_space<semaphore_mem>>) src(%dma_wait3A_1137 : memref<100000x16xf32, #tpu.memory_space<hbm>>) dst(%dma_wait3A_1131 : memref<128x16xf32, #tpu.memory_space<vmem>>)
    %dma_wait3A_1138 = arith.constant 36 : i32
    %dma_wait3A_1139 = arith.constant 1 : i32
    %dma_wait3A_1140 = arith.constant 6 : i32
    %dma_wait3A_1141 = arith.constant 0 : i32
    %dma_wait3A_1142 = arith.constant 0 : i32
    %dma_wait3A_1143 = tpu.memref_slice %arg7[%dma_wait3A_1139, %dma_wait3A_1140, %dma_wait3A_1141, %dma_wait3A_1142] : memref<2x10x128x16xf32, #tpu.memory_space<vmem>> -> memref<1x1x128x16xf32, #tpu.memory_space<vmem>>
    %dma_wait3A_1144 = tpu.memref_squeeze %dma_wait3A_1143 : memref<1x1x128x16xf32, #tpu.memory_space<vmem>> -> memref<128x16xf32, #tpu.memory_space<vmem>>
    %dma_wait3A_1145 = arith.constant 0 : i32
    %dma_wait3A_1146 = tpu.memref_slice %arg6[%dma_wait3A_1138, %dma_wait3A_1145] : memref<50x128xi32, #tpu.memory_space<vmem>> -> memref<1x128xi32, #tpu.memory_space<vmem>>
    %dma_wait3A_1147 = tpu.memref_squeeze %dma_wait3A_1146 : memref<1x128xi32, #tpu.memory_space<vmem>> -> memref<128xi32, #tpu.memory_space<vmem>>
    %dma_wait3A_1148 = arith.constant 0 : i32
    %dma_wait3A_1149 = arith.constant 0 : i32
    %dma_wait3A_1150 = tpu.memref_slice %arg2[%dma_wait3A_1148, %dma_wait3A_1149] : memref<100000x16xf32, #tpu.memory_space<hbm>> -> memref<100000x16xf32, #tpu.memory_space<hbm>>
    tpu.wait_indirect_dma semaphore(%arg11 : memref<!tpu.dma_semaphore, #tpu.memory_space<semaphore_mem>>) src(%dma_wait3A_1150 : memref<100000x16xf32, #tpu.memory_space<hbm>>) dst(%dma_wait3A_1144 : memref<128x16xf32, #tpu.memory_space<vmem>>)
    %dma_wait3A_1151 = arith.constant 37 : i32
    %dma_wait3A_1152 = arith.constant 1 : i32
    %dma_wait3A_1153 = arith.constant 7 : i32
    %dma_wait3A_1154 = arith.constant 0 : i32
    %dma_wait3A_1155 = arith.constant 0 : i32
    %dma_wait3A_1156 = tpu.memref_slice %arg7[%dma_wait3A_1152, %dma_wait3A_1153, %dma_wait3A_1154, %dma_wait3A_1155] : memref<2x10x128x16xf32, #tpu.memory_space<vmem>> -> memref<1x1x128x16xf32, #tpu.memory_space<vmem>>
    %dma_wait3A_1157 = tpu.memref_squeeze %dma_wait3A_1156 : memref<1x1x128x16xf32, #tpu.memory_space<vmem>> -> memref<128x16xf32, #tpu.memory_space<vmem>>
    %dma_wait3A_1158 = arith.constant 0 : i32
    %dma_wait3A_1159 = tpu.memref_slice %arg6[%dma_wait3A_1151, %dma_wait3A_1158] : memref<50x128xi32, #tpu.memory_space<vmem>> -> memref<1x128xi32, #tpu.memory_space<vmem>>
    %dma_wait3A_1160 = tpu.memref_squeeze %dma_wait3A_1159 : memref<1x128xi32, #tpu.memory_space<vmem>> -> memref<128xi32, #tpu.memory_space<vmem>>
    %dma_wait3A_1161 = arith.constant 0 : i32
    %dma_wait3A_1162 = arith.constant 0 : i32
    %dma_wait3A_1163 = tpu.memref_slice %arg2[%dma_wait3A_1161, %dma_wait3A_1162] : memref<100000x16xf32, #tpu.memory_space<hbm>> -> memref<100000x16xf32, #tpu.memory_space<hbm>>
    tpu.wait_indirect_dma semaphore(%arg11 : memref<!tpu.dma_semaphore, #tpu.memory_space<semaphore_mem>>) src(%dma_wait3A_1163 : memref<100000x16xf32, #tpu.memory_space<hbm>>) dst(%dma_wait3A_1157 : memref<128x16xf32, #tpu.memory_space<vmem>>)
    %dma_wait3A_1164 = arith.constant 38 : i32
    %dma_wait3A_1165 = arith.constant 1 : i32
    %dma_wait3A_1166 = arith.constant 8 : i32
    %dma_wait3A_1167 = arith.constant 0 : i32
    %dma_wait3A_1168 = arith.constant 0 : i32
    %dma_wait3A_1169 = tpu.memref_slice %arg7[%dma_wait3A_1165, %dma_wait3A_1166, %dma_wait3A_1167, %dma_wait3A_1168] : memref<2x10x128x16xf32, #tpu.memory_space<vmem>> -> memref<1x1x128x16xf32, #tpu.memory_space<vmem>>
    %dma_wait3A_1170 = tpu.memref_squeeze %dma_wait3A_1169 : memref<1x1x128x16xf32, #tpu.memory_space<vmem>> -> memref<128x16xf32, #tpu.memory_space<vmem>>
    %dma_wait3A_1171 = arith.constant 0 : i32
    %dma_wait3A_1172 = tpu.memref_slice %arg6[%dma_wait3A_1164, %dma_wait3A_1171] : memref<50x128xi32, #tpu.memory_space<vmem>> -> memref<1x128xi32, #tpu.memory_space<vmem>>
    %dma_wait3A_1173 = tpu.memref_squeeze %dma_wait3A_1172 : memref<1x128xi32, #tpu.memory_space<vmem>> -> memref<128xi32, #tpu.memory_space<vmem>>
    %dma_wait3A_1174 = arith.constant 0 : i32
    %dma_wait3A_1175 = arith.constant 0 : i32
    %dma_wait3A_1176 = tpu.memref_slice %arg2[%dma_wait3A_1174, %dma_wait3A_1175] : memref<100000x16xf32, #tpu.memory_space<hbm>> -> memref<100000x16xf32, #tpu.memory_space<hbm>>
    tpu.wait_indirect_dma semaphore(%arg11 : memref<!tpu.dma_semaphore, #tpu.memory_space<semaphore_mem>>) src(%dma_wait3A_1176 : memref<100000x16xf32, #tpu.memory_space<hbm>>) dst(%dma_wait3A_1170 : memref<128x16xf32, #tpu.memory_space<vmem>>)
    %dma_wait3A_1177 = arith.constant 39 : i32
    %dma_wait3A_1178 = arith.constant 1 : i32
    %dma_wait3A_1179 = arith.constant 9 : i32
    %dma_wait3A_1180 = arith.constant 0 : i32
    %dma_wait3A_1181 = arith.constant 0 : i32
    %dma_wait3A_1182 = tpu.memref_slice %arg7[%dma_wait3A_1178, %dma_wait3A_1179, %dma_wait3A_1180, %dma_wait3A_1181] : memref<2x10x128x16xf32, #tpu.memory_space<vmem>> -> memref<1x1x128x16xf32, #tpu.memory_space<vmem>>
    %dma_wait3A_1183 = tpu.memref_squeeze %dma_wait3A_1182 : memref<1x1x128x16xf32, #tpu.memory_space<vmem>> -> memref<128x16xf32, #tpu.memory_space<vmem>>
    %dma_wait3A_1184 = arith.constant 0 : i32
    %dma_wait3A_1185 = tpu.memref_slice %arg6[%dma_wait3A_1177, %dma_wait3A_1184] : memref<50x128xi32, #tpu.memory_space<vmem>> -> memref<1x128xi32, #tpu.memory_space<vmem>>
    %dma_wait3A_1186 = tpu.memref_squeeze %dma_wait3A_1185 : memref<1x128xi32, #tpu.memory_space<vmem>> -> memref<128xi32, #tpu.memory_space<vmem>>
    %dma_wait3A_1187 = arith.constant 0 : i32
    %dma_wait3A_1188 = arith.constant 0 : i32
    %dma_wait3A_1189 = tpu.memref_slice %arg2[%dma_wait3A_1187, %dma_wait3A_1188] : memref<100000x16xf32, #tpu.memory_space<hbm>> -> memref<100000x16xf32, #tpu.memory_space<hbm>>
    tpu.wait_indirect_dma semaphore(%arg11 : memref<!tpu.dma_semaphore, #tpu.memory_space<semaphore_mem>>) src(%dma_wait3A_1189 : memref<100000x16xf32, #tpu.memory_space<hbm>>) dst(%dma_wait3A_1183 : memref<128x16xf32, #tpu.memory_space<vmem>>)
    %scan3A_1190 = arith.constant 0 : i32
    %scan3A_1191 = arith.constant 0 : i32
    %scan3A_1192 = arith.constant 128 : i32
    %scan3A_1193 = arith.addi %scan3A_1191, %scan3A_1192 : i32
    %scan3A_1194 = arith.constant 1 : i32
    scf.for %scan3A_1332 = %scan3A_1191 to %scan3A_1193 step %scan3A_1194  : i32 {
      %get3A_1333 = arith.constant 1 : i32
      %get3A_1334 = arith.constant 0 : i32
      %get3A_1335 = arith.index_cast %get3A_1333 : i32 to index
      %get3A_1336 = arith.index_cast %get3A_1334 : i32 to index
      %get3A_1337 = arith.index_cast %scan3A_1332 : i32 to index
      %get3A_1338 = arith.constant 0 : index
      %get3A_1339 = tpu.vector_load %arg7[%get3A_1335, %get3A_1336, %get3A_1337, %get3A_1338] {strides = array<i32>} : memref<2x10x128x16xf32, #tpu.memory_space<vmem>>, vector<1x1x1x16xf32>,
      %get3A_1340 = vector.shape_cast %get3A_1339 : vector<1x1x1x16xf32> to vector<16xf32>
      %get3A_1341 = arith.constant 1 : i32
      %get3A_1342 = arith.constant 1 : i32
      %get3A_1343 = arith.index_cast %get3A_1341 : i32 to index
      %get3A_1344 = arith.index_cast %get3A_1342 : i32 to index
      %get3A_1345 = arith.index_cast %scan3A_1332 : i32 to index
      %get3A_1346 = arith.constant 0 : index
      %get3A_1347 = tpu.vector_load %arg7[%get3A_1343, %get3A_1344, %get3A_1345, %get3A_1346] {strides = array<i32>} : memref<2x10x128x16xf32, #tpu.memory_space<vmem>>, vector<1x1x1x16xf32>,
      %get3A_1348 = vector.shape_cast %get3A_1347 : vector<1x1x1x16xf32> to vector<16xf32>
      %get3A_1349 = arith.constant 1 : i32
      %get3A_1350 = arith.constant 2 : i32
      %get3A_1351 = arith.index_cast %get3A_1349 : i32 to index
      %get3A_1352 = arith.index_cast %get3A_1350 : i32 to index
      %get3A_1353 = arith.index_cast %scan3A_1332 : i32 to index
      %get3A_1354 = arith.constant 0 : index
      %get3A_1355 = tpu.vector_load %arg7[%get3A_1351, %get3A_1352, %get3A_1353, %get3A_1354] {strides = array<i32>} : memref<2x10x128x16xf32, #tpu.memory_space<vmem>>, vector<1x1x1x16xf32>,
      %get3A_1356 = vector.shape_cast %get3A_1355 : vector<1x1x1x16xf32> to vector<16xf32>
      %add3A_1357 = arith.addf %get3A_1340, %get3A_1356 : vector<16xf32>
      %get3A_1358 = arith.constant 1 : i32
      %get3A_1359 = arith.constant 3 : i32
      %get3A_1360 = arith.index_cast %get3A_1358 : i32 to index
      %get3A_1361 = arith.index_cast %get3A_1359 : i32 to index
      %get3A_1362 = arith.index_cast %scan3A_1332 : i32 to index
      %get3A_1363 = arith.constant 0 : index
      %get3A_1364 = tpu.vector_load %arg7[%get3A_1360, %get3A_1361, %get3A_1362, %get3A_1363] {strides = array<i32>} : memref<2x10x128x16xf32, #tpu.memory_space<vmem>>, vector<1x1x1x16xf32>,
      %get3A_1365 = vector.shape_cast %get3A_1364 : vector<1x1x1x16xf32> to vector<16xf32>
      %add3A_1366 = arith.addf %get3A_1348, %get3A_1365 : vector<16xf32>
      %get3A_1367 = arith.constant 1 : i32
      %get3A_1368 = arith.constant 4 : i32
      %get3A_1369 = arith.index_cast %get3A_1367 : i32 to index
      %get3A_1370 = arith.index_cast %get3A_1368 : i32 to index
      %get3A_1371 = arith.index_cast %scan3A_1332 : i32 to index
      %get3A_1372 = arith.constant 0 : index
      %get3A_1373 = tpu.vector_load %arg7[%get3A_1369, %get3A_1370, %get3A_1371, %get3A_1372] {strides = array<i32>} : memref<2x10x128x16xf32, #tpu.memory_space<vmem>>, vector<1x1x1x16xf32>,
      %get3A_1374 = vector.shape_cast %get3A_1373 : vector<1x1x1x16xf32> to vector<16xf32>
      %add3A_1375 = arith.addf %add3A_1357, %get3A_1374 : vector<16xf32>
      %get3A_1376 = arith.constant 1 : i32
      %get3A_1377 = arith.constant 5 : i32
      %get3A_1378 = arith.index_cast %get3A_1376 : i32 to index
      %get3A_1379 = arith.index_cast %get3A_1377 : i32 to index
      %get3A_1380 = arith.index_cast %scan3A_1332 : i32 to index
      %get3A_1381 = arith.constant 0 : index
      %get3A_1382 = tpu.vector_load %arg7[%get3A_1378, %get3A_1379, %get3A_1380, %get3A_1381] {strides = array<i32>} : memref<2x10x128x16xf32, #tpu.memory_space<vmem>>, vector<1x1x1x16xf32>,
      %get3A_1383 = vector.shape_cast %get3A_1382 : vector<1x1x1x16xf32> to vector<16xf32>
      %add3A_1384 = arith.addf %add3A_1366, %get3A_1383 : vector<16xf32>
      %get3A_1385 = arith.constant 1 : i32
      %get3A_1386 = arith.constant 6 : i32
      %get3A_1387 = arith.index_cast %get3A_1385 : i32 to index
      %get3A_1388 = arith.index_cast %get3A_1386 : i32 to index
      %get3A_1389 = arith.index_cast %scan3A_1332 : i32 to index
      %get3A_1390 = arith.constant 0 : index
      %get3A_1391 = tpu.vector_load %arg7[%get3A_1387, %get3A_1388, %get3A_1389, %get3A_1390] {strides = array<i32>} : memref<2x10x128x16xf32, #tpu.memory_space<vmem>>, vector<1x1x1x16xf32>,
      %get3A_1392 = vector.shape_cast %get3A_1391 : vector<1x1x1x16xf32> to vector<16xf32>
      %add3A_1393 = arith.addf %add3A_1375, %get3A_1392 : vector<16xf32>
      %get3A_1394 = arith.constant 1 : i32
      %get3A_1395 = arith.constant 7 : i32
      %get3A_1396 = arith.index_cast %get3A_1394 : i32 to index
      %get3A_1397 = arith.index_cast %get3A_1395 : i32 to index
      %get3A_1398 = arith.index_cast %scan3A_1332 : i32 to index
      %get3A_1399 = arith.constant 0 : index
      %get3A_1400 = tpu.vector_load %arg7[%get3A_1396, %get3A_1397, %get3A_1398, %get3A_1399] {strides = array<i32>} : memref<2x10x128x16xf32, #tpu.memory_space<vmem>>, vector<1x1x1x16xf32>,
      %get3A_1401 = vector.shape_cast %get3A_1400 : vector<1x1x1x16xf32> to vector<16xf32>
      %add3A_1402 = arith.addf %add3A_1384, %get3A_1401 : vector<16xf32>
      %get3A_1403 = arith.constant 1 : i32
      %get3A_1404 = arith.constant 8 : i32
      %get3A_1405 = arith.index_cast %get3A_1403 : i32 to index
      %get3A_1406 = arith.index_cast %get3A_1404 : i32 to index
      %get3A_1407 = arith.index_cast %scan3A_1332 : i32 to index
      %get3A_1408 = arith.constant 0 : index
      %get3A_1409 = tpu.vector_load %arg7[%get3A_1405, %get3A_1406, %get3A_1407, %get3A_1408] {strides = array<i32>} : memref<2x10x128x16xf32, #tpu.memory_space<vmem>>, vector<1x1x1x16xf32>,
      %get3A_1410 = vector.shape_cast %get3A_1409 : vector<1x1x1x16xf32> to vector<16xf32>
      %add3A_1411 = arith.addf %add3A_1393, %get3A_1410 : vector<16xf32>
      %get3A_1412 = arith.constant 1 : i32
      %get3A_1413 = arith.constant 9 : i32
      %get3A_1414 = arith.index_cast %get3A_1412 : i32 to index
      %get3A_1415 = arith.index_cast %get3A_1413 : i32 to index
      %get3A_1416 = arith.index_cast %scan3A_1332 : i32 to index
      %get3A_1417 = arith.constant 0 : index
      %get3A_1418 = tpu.vector_load %arg7[%get3A_1414, %get3A_1415, %get3A_1416, %get3A_1417] {strides = array<i32>} : memref<2x10x128x16xf32, #tpu.memory_space<vmem>>, vector<1x1x1x16xf32>,
      %get3A_1419 = vector.shape_cast %get3A_1418 : vector<1x1x1x16xf32> to vector<16xf32>
      %add3A_1420 = arith.addf %add3A_1402, %get3A_1419 : vector<16xf32>
      %add3A_1421 = arith.addf %add3A_1411, %add3A_1420 : vector<16xf32>
      %get3A_1422 = arith.index_cast %scan3A_1332 : i32 to index
      %get3A_1423 = arith.constant 0 : index
      %get3A_1424 = tpu.vector_load %arg8[%get3A_1422, %get3A_1423] {strides = array<i32>} : memref<128x16xf32, #tpu.memory_space<vmem>>, vector<1x16xf32>,
      %get3A_1425 = vector.shape_cast %get3A_1424 : vector<1x16xf32> to vector<16xf32>
      %add3A_1426 = arith.addf %add3A_1421, %get3A_1425 : vector<16xf32>
      %swap3A = arith.index_cast %scan3A_1332 : i32 to index
      %swap3A_1427 = arith.constant 0 : index
      %swap3A_1428 = tpu.vector_load %arg8[%swap3A, %swap3A_1427] {strides = array<i32>} : memref<128x16xf32, #tpu.memory_space<vmem>>, vector<1x16xf32>,
      %swap3A_1429 = vector.shape_cast %swap3A_1428 : vector<1x16xf32> to vector<16xf32>
      %swap3A_1430 = vector.shape_cast %add3A_1426 : vector<16xf32> to vector<1x16xf32>
      tpu.vector_store %arg8[%swap3A, %swap3A_1427], %swap3A_1430 {strides = array<i32>} : memref<128x16xf32, #tpu.memory_space<vmem>>, vector<1x16xf32>,
    }
    %scan3A_1195 = arith.constant 128 : i32
    %dma_wait3A_1196 = arith.constant 40 : i32
    %dma_wait3A_1197 = arith.constant 0 : i32
    %dma_wait3A_1198 = arith.constant 0 : i32
    %dma_wait3A_1199 = arith.constant 0 : i32
    %dma_wait3A_1200 = arith.constant 0 : i32
    %dma_wait3A_1201 = tpu.memref_slice %arg7[%dma_wait3A_1197, %dma_wait3A_1198, %dma_wait3A_1199, %dma_wait3A_1200] : memref<2x10x128x16xf32, #tpu.memory_space<vmem>> -> memref<1x1x128x16xf32, #tpu.memory_space<vmem>>
    %dma_wait3A_1202 = tpu.memref_squeeze %dma_wait3A_1201 : memref<1x1x128x16xf32, #tpu.memory_space<vmem>> -> memref<128x16xf32, #tpu.memory_space<vmem>>
    %dma_wait3A_1203 = arith.constant 0 : i32
    %dma_wait3A_1204 = tpu.memref_slice %arg6[%dma_wait3A_1196, %dma_wait3A_1203] : memref<50x128xi32, #tpu.memory_space<vmem>> -> memref<1x128xi32, #tpu.memory_space<vmem>>
    %dma_wait3A_1205 = tpu.memref_squeeze %dma_wait3A_1204 : memref<1x128xi32, #tpu.memory_space<vmem>> -> memref<128xi32, #tpu.memory_space<vmem>>
    %dma_wait3A_1206 = arith.constant 0 : i32
    %dma_wait3A_1207 = arith.constant 0 : i32
    %dma_wait3A_1208 = tpu.memref_slice %arg2[%dma_wait3A_1206, %dma_wait3A_1207] : memref<100000x16xf32, #tpu.memory_space<hbm>> -> memref<100000x16xf32, #tpu.memory_space<hbm>>
    tpu.wait_indirect_dma semaphore(%arg10 : memref<!tpu.dma_semaphore, #tpu.memory_space<semaphore_mem>>) src(%dma_wait3A_1208 : memref<100000x16xf32, #tpu.memory_space<hbm>>) dst(%dma_wait3A_1202 : memref<128x16xf32, #tpu.memory_space<vmem>>)
    %dma_wait3A_1209 = arith.constant 41 : i32
    %dma_wait3A_1210 = arith.constant 0 : i32
    %dma_wait3A_1211 = arith.constant 1 : i32
    %dma_wait3A_1212 = arith.constant 0 : i32
    %dma_wait3A_1213 = arith.constant 0 : i32
    %dma_wait3A_1214 = tpu.memref_slice %arg7[%dma_wait3A_1210, %dma_wait3A_1211, %dma_wait3A_1212, %dma_wait3A_1213] : memref<2x10x128x16xf32, #tpu.memory_space<vmem>> -> memref<1x1x128x16xf32, #tpu.memory_space<vmem>>
    %dma_wait3A_1215 = tpu.memref_squeeze %dma_wait3A_1214 : memref<1x1x128x16xf32, #tpu.memory_space<vmem>> -> memref<128x16xf32, #tpu.memory_space<vmem>>
    %dma_wait3A_1216 = arith.constant 0 : i32
    %dma_wait3A_1217 = tpu.memref_slice %arg6[%dma_wait3A_1209, %dma_wait3A_1216] : memref<50x128xi32, #tpu.memory_space<vmem>> -> memref<1x128xi32, #tpu.memory_space<vmem>>
    %dma_wait3A_1218 = tpu.memref_squeeze %dma_wait3A_1217 : memref<1x128xi32, #tpu.memory_space<vmem>> -> memref<128xi32, #tpu.memory_space<vmem>>
    %dma_wait3A_1219 = arith.constant 0 : i32
    %dma_wait3A_1220 = arith.constant 0 : i32
    %dma_wait3A_1221 = tpu.memref_slice %arg2[%dma_wait3A_1219, %dma_wait3A_1220] : memref<100000x16xf32, #tpu.memory_space<hbm>> -> memref<100000x16xf32, #tpu.memory_space<hbm>>
    tpu.wait_indirect_dma semaphore(%arg10 : memref<!tpu.dma_semaphore, #tpu.memory_space<semaphore_mem>>) src(%dma_wait3A_1221 : memref<100000x16xf32, #tpu.memory_space<hbm>>) dst(%dma_wait3A_1215 : memref<128x16xf32, #tpu.memory_space<vmem>>)
    %dma_wait3A_1222 = arith.constant 42 : i32
    %dma_wait3A_1223 = arith.constant 0 : i32
    %dma_wait3A_1224 = arith.constant 2 : i32
    %dma_wait3A_1225 = arith.constant 0 : i32
    %dma_wait3A_1226 = arith.constant 0 : i32
    %dma_wait3A_1227 = tpu.memref_slice %arg7[%dma_wait3A_1223, %dma_wait3A_1224, %dma_wait3A_1225, %dma_wait3A_1226] : memref<2x10x128x16xf32, #tpu.memory_space<vmem>> -> memref<1x1x128x16xf32, #tpu.memory_space<vmem>>
    %dma_wait3A_1228 = tpu.memref_squeeze %dma_wait3A_1227 : memref<1x1x128x16xf32, #tpu.memory_space<vmem>> -> memref<128x16xf32, #tpu.memory_space<vmem>>
    %dma_wait3A_1229 = arith.constant 0 : i32
    %dma_wait3A_1230 = tpu.memref_slice %arg6[%dma_wait3A_1222, %dma_wait3A_1229] : memref<50x128xi32, #tpu.memory_space<vmem>> -> memref<1x128xi32, #tpu.memory_space<vmem>>
    %dma_wait3A_1231 = tpu.memref_squeeze %dma_wait3A_1230 : memref<1x128xi32, #tpu.memory_space<vmem>> -> memref<128xi32, #tpu.memory_space<vmem>>
    %dma_wait3A_1232 = arith.constant 0 : i32
    %dma_wait3A_1233 = arith.constant 0 : i32
    %dma_wait3A_1234 = tpu.memref_slice %arg2[%dma_wait3A_1232, %dma_wait3A_1233] : memref<100000x16xf32, #tpu.memory_space<hbm>> -> memref<100000x16xf32, #tpu.memory_space<hbm>>
    tpu.wait_indirect_dma semaphore(%arg10 : memref<!tpu.dma_semaphore, #tpu.memory_space<semaphore_mem>>) src(%dma_wait3A_1234 : memref<100000x16xf32, #tpu.memory_space<hbm>>) dst(%dma_wait3A_1228 : memref<128x16xf32, #tpu.memory_space<vmem>>)
    %dma_wait3A_1235 = arith.constant 43 : i32
    %dma_wait3A_1236 = arith.constant 0 : i32
    %dma_wait3A_1237 = arith.constant 3 : i32
    %dma_wait3A_1238 = arith.constant 0 : i32
    %dma_wait3A_1239 = arith.constant 0 : i32
    %dma_wait3A_1240 = tpu.memref_slice %arg7[%dma_wait3A_1236, %dma_wait3A_1237, %dma_wait3A_1238, %dma_wait3A_1239] : memref<2x10x128x16xf32, #tpu.memory_space<vmem>> -> memref<1x1x128x16xf32, #tpu.memory_space<vmem>>
    %dma_wait3A_1241 = tpu.memref_squeeze %dma_wait3A_1240 : memref<1x1x128x16xf32, #tpu.memory_space<vmem>> -> memref<128x16xf32, #tpu.memory_space<vmem>>
    %dma_wait3A_1242 = arith.constant 0 : i32
    %dma_wait3A_1243 = tpu.memref_slice %arg6[%dma_wait3A_1235, %dma_wait3A_1242] : memref<50x128xi32, #tpu.memory_space<vmem>> -> memref<1x128xi32, #tpu.memory_space<vmem>>
    %dma_wait3A_1244 = tpu.memref_squeeze %dma_wait3A_1243 : memref<1x128xi32, #tpu.memory_space<vmem>> -> memref<128xi32, #tpu.memory_space<vmem>>
    %dma_wait3A_1245 = arith.constant 0 : i32
    %dma_wait3A_1246 = arith.constant 0 : i32
    %dma_wait3A_1247 = tpu.memref_slice %arg2[%dma_wait3A_1245, %dma_wait3A_1246] : memref<100000x16xf32, #tpu.memory_space<hbm>> -> memref<100000x16xf32, #tpu.memory_space<hbm>>
    tpu.wait_indirect_dma semaphore(%arg10 : memref<!tpu.dma_semaphore, #tpu.memory_space<semaphore_mem>>) src(%dma_wait3A_1247 : memref<100000x16xf32, #tpu.memory_space<hbm>>) dst(%dma_wait3A_1241 : memref<128x16xf32, #tpu.memory_space<vmem>>)
    %dma_wait3A_1248 = arith.constant 44 : i32
    %dma_wait3A_1249 = arith.constant 0 : i32
    %dma_wait3A_1250 = arith.constant 4 : i32
    %dma_wait3A_1251 = arith.constant 0 : i32
    %dma_wait3A_1252 = arith.constant 0 : i32
    %dma_wait3A_1253 = tpu.memref_slice %arg7[%dma_wait3A_1249, %dma_wait3A_1250, %dma_wait3A_1251, %dma_wait3A_1252] : memref<2x10x128x16xf32, #tpu.memory_space<vmem>> -> memref<1x1x128x16xf32, #tpu.memory_space<vmem>>
    %dma_wait3A_1254 = tpu.memref_squeeze %dma_wait3A_1253 : memref<1x1x128x16xf32, #tpu.memory_space<vmem>> -> memref<128x16xf32, #tpu.memory_space<vmem>>
    %dma_wait3A_1255 = arith.constant 0 : i32
    %dma_wait3A_1256 = tpu.memref_slice %arg6[%dma_wait3A_1248, %dma_wait3A_1255] : memref<50x128xi32, #tpu.memory_space<vmem>> -> memref<1x128xi32, #tpu.memory_space<vmem>>
    %dma_wait3A_1257 = tpu.memref_squeeze %dma_wait3A_1256 : memref<1x128xi32, #tpu.memory_space<vmem>> -> memref<128xi32, #tpu.memory_space<vmem>>
    %dma_wait3A_1258 = arith.constant 0 : i32
    %dma_wait3A_1259 = arith.constant 0 : i32
    %dma_wait3A_1260 = tpu.memref_slice %arg2[%dma_wait3A_1258, %dma_wait3A_1259] : memref<100000x16xf32, #tpu.memory_space<hbm>> -> memref<100000x16xf32, #tpu.memory_space<hbm>>
    tpu.wait_indirect_dma semaphore(%arg10 : memref<!tpu.dma_semaphore, #tpu.memory_space<semaphore_mem>>) src(%dma_wait3A_1260 : memref<100000x16xf32, #tpu.memory_space<hbm>>) dst(%dma_wait3A_1254 : memref<128x16xf32, #tpu.memory_space<vmem>>)
    %dma_wait3A_1261 = arith.constant 45 : i32
    %dma_wait3A_1262 = arith.constant 0 : i32
    %dma_wait3A_1263 = arith.constant 5 : i32
    %dma_wait3A_1264 = arith.constant 0 : i32
    %dma_wait3A_1265 = arith.constant 0 : i32
    %dma_wait3A_1266 = tpu.memref_slice %arg7[%dma_wait3A_1262, %dma_wait3A_1263, %dma_wait3A_1264, %dma_wait3A_1265] : memref<2x10x128x16xf32, #tpu.memory_space<vmem>> -> memref<1x1x128x16xf32, #tpu.memory_space<vmem>>
    %dma_wait3A_1267 = tpu.memref_squeeze %dma_wait3A_1266 : memref<1x1x128x16xf32, #tpu.memory_space<vmem>> -> memref<128x16xf32, #tpu.memory_space<vmem>>
    %dma_wait3A_1268 = arith.constant 0 : i32
    %dma_wait3A_1269 = tpu.memref_slice %arg6[%dma_wait3A_1261, %dma_wait3A_1268] : memref<50x128xi32, #tpu.memory_space<vmem>> -> memref<1x128xi32, #tpu.memory_space<vmem>>
    %dma_wait3A_1270 = tpu.memref_squeeze %dma_wait3A_1269 : memref<1x128xi32, #tpu.memory_space<vmem>> -> memref<128xi32, #tpu.memory_space<vmem>>
    %dma_wait3A_1271 = arith.constant 0 : i32
    %dma_wait3A_1272 = arith.constant 0 : i32
    %dma_wait3A_1273 = tpu.memref_slice %arg2[%dma_wait3A_1271, %dma_wait3A_1272] : memref<100000x16xf32, #tpu.memory_space<hbm>> -> memref<100000x16xf32, #tpu.memory_space<hbm>>
    tpu.wait_indirect_dma semaphore(%arg10 : memref<!tpu.dma_semaphore, #tpu.memory_space<semaphore_mem>>) src(%dma_wait3A_1273 : memref<100000x16xf32, #tpu.memory_space<hbm>>) dst(%dma_wait3A_1267 : memref<128x16xf32, #tpu.memory_space<vmem>>)
    %dma_wait3A_1274 = arith.constant 46 : i32
    %dma_wait3A_1275 = arith.constant 0 : i32
    %dma_wait3A_1276 = arith.constant 6 : i32
    %dma_wait3A_1277 = arith.constant 0 : i32
    %dma_wait3A_1278 = arith.constant 0 : i32
    %dma_wait3A_1279 = tpu.memref_slice %arg7[%dma_wait3A_1275, %dma_wait3A_1276, %dma_wait3A_1277, %dma_wait3A_1278] : memref<2x10x128x16xf32, #tpu.memory_space<vmem>> -> memref<1x1x128x16xf32, #tpu.memory_space<vmem>>
    %dma_wait3A_1280 = tpu.memref_squeeze %dma_wait3A_1279 : memref<1x1x128x16xf32, #tpu.memory_space<vmem>> -> memref<128x16xf32, #tpu.memory_space<vmem>>
    %dma_wait3A_1281 = arith.constant 0 : i32
    %dma_wait3A_1282 = tpu.memref_slice %arg6[%dma_wait3A_1274, %dma_wait3A_1281] : memref<50x128xi32, #tpu.memory_space<vmem>> -> memref<1x128xi32, #tpu.memory_space<vmem>>
    %dma_wait3A_1283 = tpu.memref_squeeze %dma_wait3A_1282 : memref<1x128xi32, #tpu.memory_space<vmem>> -> memref<128xi32, #tpu.memory_space<vmem>>
    %dma_wait3A_1284 = arith.constant 0 : i32
    %dma_wait3A_1285 = arith.constant 0 : i32
    %dma_wait3A_1286 = tpu.memref_slice %arg2[%dma_wait3A_1284, %dma_wait3A_1285] : memref<100000x16xf32, #tpu.memory_space<hbm>> -> memref<100000x16xf32, #tpu.memory_space<hbm>>
    tpu.wait_indirect_dma semaphore(%arg10 : memref<!tpu.dma_semaphore, #tpu.memory_space<semaphore_mem>>) src(%dma_wait3A_1286 : memref<100000x16xf32, #tpu.memory_space<hbm>>) dst(%dma_wait3A_1280 : memref<128x16xf32, #tpu.memory_space<vmem>>)
    %dma_wait3A_1287 = arith.constant 47 : i32
    %dma_wait3A_1288 = arith.constant 0 : i32
    %dma_wait3A_1289 = arith.constant 7 : i32
    %dma_wait3A_1290 = arith.constant 0 : i32
    %dma_wait3A_1291 = arith.constant 0 : i32
    %dma_wait3A_1292 = tpu.memref_slice %arg7[%dma_wait3A_1288, %dma_wait3A_1289, %dma_wait3A_1290, %dma_wait3A_1291] : memref<2x10x128x16xf32, #tpu.memory_space<vmem>> -> memref<1x1x128x16xf32, #tpu.memory_space<vmem>>
    %dma_wait3A_1293 = tpu.memref_squeeze %dma_wait3A_1292 : memref<1x1x128x16xf32, #tpu.memory_space<vmem>> -> memref<128x16xf32, #tpu.memory_space<vmem>>
    %dma_wait3A_1294 = arith.constant 0 : i32
    %dma_wait3A_1295 = tpu.memref_slice %arg6[%dma_wait3A_1287, %dma_wait3A_1294] : memref<50x128xi32, #tpu.memory_space<vmem>> -> memref<1x128xi32, #tpu.memory_space<vmem>>
    %dma_wait3A_1296 = tpu.memref_squeeze %dma_wait3A_1295 : memref<1x128xi32, #tpu.memory_space<vmem>> -> memref<128xi32, #tpu.memory_space<vmem>>
    %dma_wait3A_1297 = arith.constant 0 : i32
    %dma_wait3A_1298 = arith.constant 0 : i32
    %dma_wait3A_1299 = tpu.memref_slice %arg2[%dma_wait3A_1297, %dma_wait3A_1298] : memref<100000x16xf32, #tpu.memory_space<hbm>> -> memref<100000x16xf32, #tpu.memory_space<hbm>>
    tpu.wait_indirect_dma semaphore(%arg10 : memref<!tpu.dma_semaphore, #tpu.memory_space<semaphore_mem>>) src(%dma_wait3A_1299 : memref<100000x16xf32, #tpu.memory_space<hbm>>) dst(%dma_wait3A_1293 : memref<128x16xf32, #tpu.memory_space<vmem>>)
    %dma_wait3A_1300 = arith.constant 48 : i32
    %dma_wait3A_1301 = arith.constant 0 : i32
    %dma_wait3A_1302 = arith.constant 8 : i32
    %dma_wait3A_1303 = arith.constant 0 : i32
    %dma_wait3A_1304 = arith.constant 0 : i32
    %dma_wait3A_1305 = tpu.memref_slice %arg7[%dma_wait3A_1301, %dma_wait3A_1302, %dma_wait3A_1303, %dma_wait3A_1304] : memref<2x10x128x16xf32, #tpu.memory_space<vmem>> -> memref<1x1x128x16xf32, #tpu.memory_space<vmem>>
    %dma_wait3A_1306 = tpu.memref_squeeze %dma_wait3A_1305 : memref<1x1x128x16xf32, #tpu.memory_space<vmem>> -> memref<128x16xf32, #tpu.memory_space<vmem>>
    %dma_wait3A_1307 = arith.constant 0 : i32
    %dma_wait3A_1308 = tpu.memref_slice %arg6[%dma_wait3A_1300, %dma_wait3A_1307] : memref<50x128xi32, #tpu.memory_space<vmem>> -> memref<1x128xi32, #tpu.memory_space<vmem>>
    %dma_wait3A_1309 = tpu.memref_squeeze %dma_wait3A_1308 : memref<1x128xi32, #tpu.memory_space<vmem>> -> memref<128xi32, #tpu.memory_space<vmem>>
    %dma_wait3A_1310 = arith.constant 0 : i32
    %dma_wait3A_1311 = arith.constant 0 : i32
    %dma_wait3A_1312 = tpu.memref_slice %arg2[%dma_wait3A_1310, %dma_wait3A_1311] : memref<100000x16xf32, #tpu.memory_space<hbm>> -> memref<100000x16xf32, #tpu.memory_space<hbm>>
    tpu.wait_indirect_dma semaphore(%arg10 : memref<!tpu.dma_semaphore, #tpu.memory_space<semaphore_mem>>) src(%dma_wait3A_1312 : memref<100000x16xf32, #tpu.memory_space<hbm>>) dst(%dma_wait3A_1306 : memref<128x16xf32, #tpu.memory_space<vmem>>)
    %dma_wait3A_1313 = arith.constant 49 : i32
    %dma_wait3A_1314 = arith.constant 0 : i32
    %dma_wait3A_1315 = arith.constant 9 : i32
    %dma_wait3A_1316 = arith.constant 0 : i32
    %dma_wait3A_1317 = arith.constant 0 : i32
    %dma_wait3A_1318 = tpu.memref_slice %arg7[%dma_wait3A_1314, %dma_wait3A_1315, %dma_wait3A_1316, %dma_wait3A_1317] : memref<2x10x128x16xf32, #tpu.memory_space<vmem>> -> memref<1x1x128x16xf32, #tpu.memory_space<vmem>>
    %dma_wait3A_1319 = tpu.memref_squeeze %dma_wait3A_1318 : memref<1x1x128x16xf32, #tpu.memory_space<vmem>> -> memref<128x16xf32, #tpu.memory_space<vmem>>
    %dma_wait3A_1320 = arith.constant 0 : i32
    %dma_wait3A_1321 = tpu.memref_slice %arg6[%dma_wait3A_1313, %dma_wait3A_1320] : memref<50x128xi32, #tpu.memory_space<vmem>> -> memref<1x128xi32, #tpu.memory_space<vmem>>
    %dma_wait3A_1322 = tpu.memref_squeeze %dma_wait3A_1321 : memref<1x128xi32, #tpu.memory_space<vmem>> -> memref<128xi32, #tpu.memory_space<vmem>>
    %dma_wait3A_1323 = arith.constant 0 : i32
    %dma_wait3A_1324 = arith.constant 0 : i32
    %dma_wait3A_1325 = tpu.memref_slice %arg2[%dma_wait3A_1323, %dma_wait3A_1324] : memref<100000x16xf32, #tpu.memory_space<hbm>> -> memref<100000x16xf32, #tpu.memory_space<hbm>>
    tpu.wait_indirect_dma semaphore(%arg10 : memref<!tpu.dma_semaphore, #tpu.memory_space<semaphore_mem>>) src(%dma_wait3A_1325 : memref<100000x16xf32, #tpu.memory_space<hbm>>) dst(%dma_wait3A_1319 : memref<128x16xf32, #tpu.memory_space<vmem>>)
    %scan3A_1326 = arith.constant 0 : i32
    %scan3A_1327 = arith.constant 0 : i32
    %scan3A_1328 = arith.constant 128 : i32
    %scan3A_1329 = arith.addi %scan3A_1327, %scan3A_1328 : i32
    %scan3A_1330 = arith.constant 1 : i32
    scf.for %scan3A_1332 = %scan3A_1327 to %scan3A_1329 step %scan3A_1330  : i32 {
      %get3A_1333 = arith.constant 0 : i32
      %get3A_1334 = arith.constant 0 : i32
      %get3A_1335 = arith.index_cast %get3A_1333 : i32 to index
      %get3A_1336 = arith.index_cast %get3A_1334 : i32 to index
      %get3A_1337 = arith.index_cast %scan3A_1332 : i32 to index
      %get3A_1338 = arith.constant 0 : index
      %get3A_1339 = tpu.vector_load %arg7[%get3A_1335, %get3A_1336, %get3A_1337, %get3A_1338] {strides = array<i32>} : memref<2x10x128x16xf32, #tpu.memory_space<vmem>>, vector<1x1x1x16xf32>,
      %get3A_1340 = vector.shape_cast %get3A_1339 : vector<1x1x1x16xf32> to vector<16xf32>
      %get3A_1341 = arith.constant 0 : i32
      %get3A_1342 = arith.constant 1 : i32
      %get3A_1343 = arith.index_cast %get3A_1341 : i32 to index
      %get3A_1344 = arith.index_cast %get3A_1342 : i32 to index
      %get3A_1345 = arith.index_cast %scan3A_1332 : i32 to index
      %get3A_1346 = arith.constant 0 : index
      %get3A_1347 = tpu.vector_load %arg7[%get3A_1343, %get3A_1344, %get3A_1345, %get3A_1346] {strides = array<i32>} : memref<2x10x128x16xf32, #tpu.memory_space<vmem>>, vector<1x1x1x16xf32>,
      %get3A_1348 = vector.shape_cast %get3A_1347 : vector<1x1x1x16xf32> to vector<16xf32>
      %get3A_1349 = arith.constant 0 : i32
      %get3A_1350 = arith.constant 2 : i32
      %get3A_1351 = arith.index_cast %get3A_1349 : i32 to index
      %get3A_1352 = arith.index_cast %get3A_1350 : i32 to index
      %get3A_1353 = arith.index_cast %scan3A_1332 : i32 to index
      %get3A_1354 = arith.constant 0 : index
      %get3A_1355 = tpu.vector_load %arg7[%get3A_1351, %get3A_1352, %get3A_1353, %get3A_1354] {strides = array<i32>} : memref<2x10x128x16xf32, #tpu.memory_space<vmem>>, vector<1x1x1x16xf32>,
      %get3A_1356 = vector.shape_cast %get3A_1355 : vector<1x1x1x16xf32> to vector<16xf32>
      %add3A_1357 = arith.addf %get3A_1340, %get3A_1356 : vector<16xf32>
      %get3A_1358 = arith.constant 0 : i32
      %get3A_1359 = arith.constant 3 : i32
      %get3A_1360 = arith.index_cast %get3A_1358 : i32 to index
      %get3A_1361 = arith.index_cast %get3A_1359 : i32 to index
      %get3A_1362 = arith.index_cast %scan3A_1332 : i32 to index
      %get3A_1363 = arith.constant 0 : index
      %get3A_1364 = tpu.vector_load %arg7[%get3A_1360, %get3A_1361, %get3A_1362, %get3A_1363] {strides = array<i32>} : memref<2x10x128x16xf32, #tpu.memory_space<vmem>>, vector<1x1x1x16xf32>,
      %get3A_1365 = vector.shape_cast %get3A_1364 : vector<1x1x1x16xf32> to vector<16xf32>
      %add3A_1366 = arith.addf %get3A_1348, %get3A_1365 : vector<16xf32>
      %get3A_1367 = arith.constant 0 : i32
      %get3A_1368 = arith.constant 4 : i32
      %get3A_1369 = arith.index_cast %get3A_1367 : i32 to index
      %get3A_1370 = arith.index_cast %get3A_1368 : i32 to index
      %get3A_1371 = arith.index_cast %scan3A_1332 : i32 to index
      %get3A_1372 = arith.constant 0 : index
      %get3A_1373 = tpu.vector_load %arg7[%get3A_1369, %get3A_1370, %get3A_1371, %get3A_1372] {strides = array<i32>} : memref<2x10x128x16xf32, #tpu.memory_space<vmem>>, vector<1x1x1x16xf32>,
      %get3A_1374 = vector.shape_cast %get3A_1373 : vector<1x1x1x16xf32> to vector<16xf32>
      %add3A_1375 = arith.addf %add3A_1357, %get3A_1374 : vector<16xf32>
      %get3A_1376 = arith.constant 0 : i32
      %get3A_1377 = arith.constant 5 : i32
      %get3A_1378 = arith.index_cast %get3A_1376 : i32 to index
      %get3A_1379 = arith.index_cast %get3A_1377 : i32 to index
      %get3A_1380 = arith.index_cast %scan3A_1332 : i32 to index
      %get3A_1381 = arith.constant 0 : index
      %get3A_1382 = tpu.vector_load %arg7[%get3A_1378, %get3A_1379, %get3A_1380, %get3A_1381] {strides = array<i32>} : memref<2x10x128x16xf32, #tpu.memory_space<vmem>>, vector<1x1x1x16xf32>,
      %get3A_1383 = vector.shape_cast %get3A_1382 : vector<1x1x1x16xf32> to vector<16xf32>
      %add3A_1384 = arith.addf %add3A_1366, %get3A_1383 : vector<16xf32>
      %get3A_1385 = arith.constant 0 : i32
      %get3A_1386 = arith.constant 6 : i32
      %get3A_1387 = arith.index_cast %get3A_1385 : i32 to index
      %get3A_1388 = arith.index_cast %get3A_1386 : i32 to index
      %get3A_1389 = arith.index_cast %scan3A_1332 : i32 to index
      %get3A_1390 = arith.constant 0 : index
      %get3A_1391 = tpu.vector_load %arg7[%get3A_1387, %get3A_1388, %get3A_1389, %get3A_1390] {strides = array<i32>} : memref<2x10x128x16xf32, #tpu.memory_space<vmem>>, vector<1x1x1x16xf32>,
      %get3A_1392 = vector.shape_cast %get3A_1391 : vector<1x1x1x16xf32> to vector<16xf32>
      %add3A_1393 = arith.addf %add3A_1375, %get3A_1392 : vector<16xf32>
      %get3A_1394 = arith.constant 0 : i32
      %get3A_1395 = arith.constant 7 : i32
      %get3A_1396 = arith.index_cast %get3A_1394 : i32 to index
      %get3A_1397 = arith.index_cast %get3A_1395 : i32 to index
      %get3A_1398 = arith.index_cast %scan3A_1332 : i32 to index
      %get3A_1399 = arith.constant 0 : index
      %get3A_1400 = tpu.vector_load %arg7[%get3A_1396, %get3A_1397, %get3A_1398, %get3A_1399] {strides = array<i32>} : memref<2x10x128x16xf32, #tpu.memory_space<vmem>>, vector<1x1x1x16xf32>,
      %get3A_1401 = vector.shape_cast %get3A_1400 : vector<1x1x1x16xf32> to vector<16xf32>
      %add3A_1402 = arith.addf %add3A_1384, %get3A_1401 : vector<16xf32>
      %get3A_1403 = arith.constant 0 : i32
      %get3A_1404 = arith.constant 8 : i32
      %get3A_1405 = arith.index_cast %get3A_1403 : i32 to index
      %get3A_1406 = arith.index_cast %get3A_1404 : i32 to index
      %get3A_1407 = arith.index_cast %scan3A_1332 : i32 to index
      %get3A_1408 = arith.constant 0 : index
      %get3A_1409 = tpu.vector_load %arg7[%get3A_1405, %get3A_1406, %get3A_1407, %get3A_1408] {strides = array<i32>} : memref<2x10x128x16xf32, #tpu.memory_space<vmem>>, vector<1x1x1x16xf32>,
      %get3A_1410 = vector.shape_cast %get3A_1409 : vector<1x1x1x16xf32> to vector<16xf32>
      %add3A_1411 = arith.addf %add3A_1393, %get3A_1410 : vector<16xf32>
      %get3A_1412 = arith.constant 0 : i32
      %get3A_1413 = arith.constant 9 : i32
      %get3A_1414 = arith.index_cast %get3A_1412 : i32 to index
      %get3A_1415 = arith.index_cast %get3A_1413 : i32 to index
      %get3A_1416 = arith.index_cast %scan3A_1332 : i32 to index
      %get3A_1417 = arith.constant 0 : index
      %get3A_1418 = tpu.vector_load %arg7[%get3A_1414, %get3A_1415, %get3A_1416, %get3A_1417] {strides = array<i32>} : memref<2x10x128x16xf32, #tpu.memory_space<vmem>>, vector<1x1x1x16xf32>,
      %get3A_1419 = vector.shape_cast %get3A_1418 : vector<1x1x1x16xf32> to vector<16xf32>
      %add3A_1420 = arith.addf %add3A_1402, %get3A_1419 : vector<16xf32>
      %add3A_1421 = arith.addf %add3A_1411, %add3A_1420 : vector<16xf32>
      %get3A_1422 = arith.index_cast %scan3A_1332 : i32 to index
      %get3A_1423 = arith.constant 0 : index
      %get3A_1424 = tpu.vector_load %arg8[%get3A_1422, %get3A_1423] {strides = array<i32>} : memref<128x16xf32, #tpu.memory_space<vmem>>, vector<1x16xf32>,
      %get3A_1425 = vector.shape_cast %get3A_1424 : vector<1x16xf32> to vector<16xf32>
      %add3A_1426 = arith.addf %add3A_1421, %get3A_1425 : vector<16xf32>
      %swap3A = arith.index_cast %scan3A_1332 : i32 to index
      %swap3A_1427 = arith.constant 0 : index
      %swap3A_1428 = tpu.vector_load %arg8[%swap3A, %swap3A_1427] {strides = array<i32>} : memref<128x16xf32, #tpu.memory_space<vmem>>, vector<1x16xf32>,
      %swap3A_1429 = vector.shape_cast %swap3A_1428 : vector<1x16xf32> to vector<16xf32>
      %swap3A_1430 = vector.shape_cast %add3A_1426 : vector<16xf32> to vector<1x16xf32>
      tpu.vector_store %arg8[%swap3A, %swap3A_1427], %swap3A_1430 {strides = array<i32>} : memref<128x16xf32, #tpu.memory_space<vmem>>, vector<1x16xf32>,
    }
    %scan3A_1331 = arith.constant 128 : i32
    "tpu.region"() ({
      %run_scoped3A = tpu.sem_alloc : memref<!tpu.dma_semaphore, #tpu.memory_space<semaphore_mem>>
      %dma_start3A_1332 = arith.constant 0 : i32
      %dma_start3A_1333 = tpu.memref_slice %arg5[%mul3A_2, %dma_start3A_1332] : memref<4096x16xf32, #tpu.memory_space<hbm>> -> memref<128x16xf32, #tpu.memory_space<hbm>>
      %dma_start3A_1334 = arith.constant 0 : i32
      %dma_start3A_1335 = tpu.memref_slice %arg5[%mul3A_2, %dma_start3A_1334] : memref<4096x16xf32, #tpu.memory_space<hbm>> -> memref<128x16xf32, #tpu.memory_space<hbm>>
      tpu.enqueue_dma source(%arg8 : memref<128x16xf32, #tpu.memory_space<vmem>>) target(%dma_start3A_1335 : memref<128x16xf32, #tpu.memory_space<hbm>>) target_semaphore(%run_scoped3A : memref<!tpu.dma_semaphore, #tpu.memory_space<semaphore_mem>>)
      %dma_wait3A_1336 = arith.constant 0 : i32
      %dma_wait3A_1337 = tpu.memref_slice %arg5[%mul3A_2, %dma_wait3A_1336] : memref<4096x16xf32, #tpu.memory_space<hbm>> -> memref<128x16xf32, #tpu.memory_space<hbm>>
      %dma_wait3A_1338 = arith.constant 0 : i32
      %dma_wait3A_1339 = tpu.memref_slice %arg5[%mul3A_2, %dma_wait3A_1338] : memref<4096x16xf32, #tpu.memory_space<hbm>> -> memref<128x16xf32, #tpu.memory_space<hbm>>
      tpu.wait_dma2 semaphore(%run_scoped3A : memref<!tpu.dma_semaphore, #tpu.memory_space<semaphore_mem>>) src(%arg8 : memref<128x16xf32, #tpu.memory_space<vmem>>) dst(%dma_wait3A_1339 : memref<128x16xf32, #tpu.memory_space<hbm>>)
      tpu.yield
    }) : () -> ()
    return
  }
}

module attributes {stable_mosaic.version = 14 : i64} {
  func.func @_fold_body(%arg0: i32, %arg1: memref<300x8192xf32, #tpu.memory_space<vmem>>, %arg2: memref<10x300xf32, #tpu.memory_space<vmem>>, %arg3: memref<16x10xf32, #tpu.memory_space<vmem>>, %arg4: memref<8192x16xf32, #tpu.memory_space<vmem>>) attributes {dimension_semantics = [#tpu.dimension_semantics<arbitrary>], iteration_bounds = array<i64: 13>, scalar_prefetch = 0 : i64, scratch_operands = 0 : i64, tpu.core_type = #tpu.core_type<tc>, window_params = [{transform_indices = @transform_0, window_bounds = array<i64: 300, 8192>}, {pipeline_mode = #tpu.pipeline_mode<synchronous>, transform_indices = @transform_1, window_bounds = array<i64: 10, 300>}, {pipeline_mode = #tpu.pipeline_mode<synchronous>, transform_indices = @transform_2, window_bounds = array<i64: 16, 10>}, {transform_indices = @transform_3, window_bounds = array<i64: 8192, 16>}]} {
    %get3A = arith.constant 0 : index
    %get3A_0 = arith.constant 0 : index
    %get3A_1 = vector.load %arg1[%get3A, %get3A_0] : memref<300x8192xf32, #tpu.memory_space<vmem>>, vector<300x8192xf32>
    %get3A_2 = arith.constant 0 : index
    %get3A_3 = arith.constant 0 : index
    %get3A_4 = vector.load %arg2[%get3A_2, %get3A_3] : memref<10x300xf32, #tpu.memory_space<vmem>>, vector<10x300xf32>
    %dot_general3A = arith.constant dense<0.000000e+00> : vector<8192x10xf32>
    %dot_general3A_5 = tpu.matmul %get3A_1, %get3A_4, %dot_general3A {dimension_numbers = #tpu.dot_dimension_numbers<[0], [1], [1], [0], [0, 1, 1, 0], [], []>, transpose_lhs_hint = false} : vector<300x8192xf32>, vector<10x300xf32>, vector<8192x10xf32> -> vector<8192x10xf32>
    %get3A_6 = arith.constant 0 : index
    %get3A_7 = arith.constant 0 : index
    %get3A_8 = vector.load %arg3[%get3A_6, %get3A_7] : memref<16x10xf32, #tpu.memory_space<vmem>>, vector<16x10xf32>
    %dot_general3A_9 = arith.constant dense<0.000000e+00> : vector<8192x16xf32>
    %dot_general3A_10 = tpu.matmul %dot_general3A_5, %get3A_8, %dot_general3A_9 {dimension_numbers = #tpu.dot_dimension_numbers<[1], [1], [0], [0], [0, 0, 1, 0], [], []>, transpose_lhs_hint = false} : vector<8192x10xf32>, vector<16x10xf32>, vector<8192x16xf32> -> vector<8192x16xf32>
    %mul3A = arith.constant 2.000000e-02 : f32
    %mul3A_11 = vector.broadcast %mul3A : f32 to vector<8192x16xf32>
    %mul3A_12 = arith.mulf %dot_general3A_10, %mul3A_11 : vector<8192x16xf32>
    %swap3A = arith.constant 0 : index
    %swap3A_13 = arith.constant 0 : index
    %swap3A_14 = vector.load %arg4[%swap3A, %swap3A_13] : memref<8192x16xf32, #tpu.memory_space<vmem>>, vector<8192x16xf32>
    tpu.vector_store %arg4[%swap3A, %swap3A_13], %mul3A_12 {strides = array<i32>} : memref<8192x16xf32, #tpu.memory_space<vmem>>, vector<8192x16xf32>,
    return
  }
  func.func @transform_0(%arg0: i32) -> (i32, i32) {
    %c0_i32 = arith.constant 0 : i32
    %c0_i32_0 = arith.constant 0 : i32
    return %c0_i32, %arg0 : i32, i32
  }
  func.func @transform_1(%arg0: i32) -> (i32, i32) {
    %c0_i32 = arith.constant 0 : i32
    %c0_i32_0 = arith.constant 0 : i32
    %c0_i32_1 = arith.constant 0 : i32
    return %c0_i32, %c0_i32_0 : i32, i32
  }
  func.func @transform_2(%arg0: i32) -> (i32, i32) {
    %c0_i32 = arith.constant 0 : i32
    %c0_i32_0 = arith.constant 0 : i32
    %c0_i32_1 = arith.constant 0 : i32
    return %c0_i32, %c0_i32_0 : i32, i32
  }
  func.func @transform_3(%arg0: i32) -> (i32, i32) {
    %c0_i32 = arith.constant 0 : i32
    %c0_i32_0 = arith.constant 0 : i32
    return %arg0, %c0_i32 : i32, i32
  }
}

</mosaic_0001>

<sc_bundles>
// kernel: kernel.4.cloned.1.call-start
scs
__scs_entry_jumppad:
0x0: {  	(pc) =	sbr.rel $0x88, $3  }
0x1: {  	(tag) =	ssettag $0x0;
	lr =	simm.s32 $0x1  }
0x2: {  	[smem:$0x3F9B] =	sst lr;
	_ =	strace $0xD0000000  }
0x3: {  	_ = 	snop  }
0x4: {  	_ = 	snop  }
0x5: {  	_ = 	snop  }
0x6: {  	_ = 	snop  }
0x7: {  	_ = 	snop  }
__scs_overlays_trampoline_lowered:
0x8: {  	[smem:$0x3FAA] =	sst s0  }
0x9: {  	[smem:$0x3FAB] =	sst s1  }
0xa: {  	[smem:$0x3FAC] =	sst s2  }
0xb: {  	[smem:$0x3FAD] =	sst s3  }
0xc: {  	[smem:$0x3FAE] =	sst s4  }
0xd: {  	[smem:$0x3FAF] =	sst s5  }
0xe: {  	[smem:$0x3FB0] =	sst s6  }
0xf: {  	[smem:$0x3FB1] =	sst s7  }
0x10: {  	[smem:$0x3FB2] =	sst s8  }
0x11: {  	[smem:$0x3FB3] =	sst s9;
	s0 =	simm.s32 @!p0 $0x0  }
0x12: {  	s1 =	sld [smem:$0x3F99];
	s0 =	simm.s32 @p0 $0x1  }
0x13: {  	[smem:$0x3FB4] =	sst s0;
	s0 =	simm.s32 @!p1 $0x0  }
0x14: {  	s2 =	sld [smem:$0x3F98];
	s0 =	simm.s32 @p1 $0x1  }
0x15: {  	[smem:$0x3FB5] =	sst s0;
	s0 =	simm.s32 @!p2 $0x0  }
0x16: {  	s3 =	sld [smem:$0x3FDB];
	s0 =	simm.s32 @p2 $0x1  }
0x17: {  	s4 =	simm.s32 $0x1BF5;
	[smem:$0x3FB7] =	sst s0  }
0x18: {  	s0 =	sld [smem:$0x3F9A];
	_ =	swait.ge [sflag:s4], $0x0  }
0x19: {  	s7 =	sld [smem:$0x3F9B]  }
0x1a: {  	s8 =	sadd.s32 $0xFFFFE003, lr  }
0x1b: {  	s9 =	sadd.s32 $0xFFFFFEF7, lr;
	s5 =	simm.s32 $0xFFFFFFFF;
	p2 =	slt.u32 s8, $0xFFFFF086  }
0x1c: {  	p1 =	slt.u32 s9, $0xF7A;
	s5 =	simm.s32 @!p2 $0x0  }
0x1d: {  	s5 =	simm.s32 @p1 $0x1;
	p0 =	seq.s32 s7, s2  }
0x1e: {  	s7 =	smul.u32 @!p0 $0xF7A, s2;
	p2 =	seq.s32 @!p0 s5, $0x0  }
0x1f: {  	s9 =	smul.u32 $0xF7A, s1;
	s8 =	simm.s32 @!p0 $0x1BF5;
	p2 =	por !p2, p0  }
0x20: {  	[sflag:s8] =	ssyncset.s32 @!p0 $0xFFFFF086;
	s6 =	sadd.s32 @!p0 s3, s7;
	s7 =	simm.s32 @!p0 $0x108  }
0x21: {  	s3 =	sadd.s32 s3, s9;
	s6 =	sadd.s32 @!p0 $0x88, s6;
	s7 =	simm.s32 @p2 $0x1082  }
0x22: {  	[simem:s7], [sflag:s8] =	dma.local @!p0 [hbm:s6], $0xF7A  }
0x23: {  	s9 =	sor.u32 $0xD0000000, s2;
	s6 =	simm.s32 $0x108;
	_ =	swait.ge @!p0 [sflag:s8], $0x0  }
0x24: {  	s3 =	sadd.s32 $0x88, s3;
	s6 =	simm.s32 @!p1 $0x1082;
	[sflag:s4] =	ssyncset.s32 $0xFFFFF086  }
0x25: {  	[simem:s6], [sflag:s4] =	dma.local [hbm:s3], $0xF7A  }
0x26: {  	[smem:$0x3F9B] =	sst s1;
	(tag) =	ssettag s2;
	_ =	strace s9  }
0x27: {  	s1 =	sld [smem:$0x3FAB]  }
0x28: {  	s2 =	sld [smem:$0x3FAC]  }
0x29: {  	s4 =	sld [smem:$0x3FAE]  }
0x2a: {  	p0 =	seq.s32 s5, $0x0;
	s5 =	sld [smem:$0x3FAF]  }
0x2b: {  	s6 =	sld [smem:$0x3FB0]  }
0x2c: {  	s7 =	sld [smem:$0x3FB1]  }
0x2d: {  	s3 =	simm.s32 $0x108;
	s8 =	sld [smem:$0x3FB2]  }
0x2e: {  	s3 =	simm.s32 @!p0 $0x1082;
	s9 =	sld [smem:$0x3FB3]  }
0x2f: {  	lr =	sadd.s32 s0, s3;
	s0 =	sld [smem:$0x3FAA]  }
0x30: {  	s3 =	sld [smem:$0x3FAD]  }
0x31: {  	[smem:$0x3FB6] =	sst s10  }
0x32: {  	s10 =	sld [smem:$0x3FB4];
	_ =	sdelay $0x3  }
0x33: {  	p0 =	seq.s32 s10, $0x1;
	s10 =	sld [smem:$0x3FB6];
	_ =	sdelay $0x3  }
0x34: {  	[smem:$0x3FB6] =	sst s10  }
0x35: {  	s10 =	sld [smem:$0x3FB5];
	_ =	sdelay $0x3  }
0x36: {  	p1 =	seq.s32 s10, $0x1;
	s10 =	sld [smem:$0x3FB6];
	_ =	sdelay $0x3  }
0x37: {  	[smem:$0x3FB6] =	sst s10  }
0x38: {  	s10 =	sld [smem:$0x3FB7]  }
0x39: {  	_ = 	snop;
	(pc) =	sbr.ind lr, $3  }
0x3a: {  	_ = 	snop  }
0x3b: {  	_ = 	snop  }
0x3c: {  	p2 =	seq.s32 s10, $0x1;
	s10 =	sld [smem:$0x3FB6]  }
0x3d: {  	_ =	shalt  }
0x3e: {  	_ =	shalt  }
0x3f: {  	_ =	shalt  }
0x40: {  	_ =	shalt  }
0x41: {  	_ =	shalt  }
0x42: {  	_ =	shalt  }
0x43: {  	_ =	shalt  }
0x44: {  	_ =	shalt  }
0x45: {  	_ =	shalt  }
0x46: {  	_ =	shalt  }
0x47: {  	_ =	shalt  }
0x48: {  	_ =	shalt  }
0x49: {  	_ =	shalt  }
0x4a: {  	_ =	shalt  }
0x4b: {  	_ =	shalt  }
0x4c: {  	_ =	shalt  }
0x4d: {  	_ =	shalt  }
0x4e: {  	_ =	shalt  }
0x4f: {  	_ =	shalt  }
0x50: {  	_ =	shalt  }
0x51: {  	_ =	shalt  }
0x52: {  	_ =	shalt  }
0x53: {  	_ =	shalt  }
0x54: {  	_ =	shalt  }
0x55: {  	_ =	shalt  }
0x56: {  	_ =	shalt  }
0x57: {  	_ =	shalt  }
0x58: {  	_ =	shalt  }
0x59: {  	_ =	shalt  }
0x5a: {  	_ =	shalt  }
0x5b: {  	_ =	shalt  }
0x5c: {  	_ =	shalt  }
0x5d: {  	_ =	shalt  }
0x5e: {  	_ =	shalt  }
0x5f: {  	_ =	shalt  }
0x60: {  	_ =	shalt  }
0x61: {  	_ =	shalt  }
0x62: {  	_ =	shalt  }
0x63: {  	_ =	shalt  }
0x64: {  	_ =	shalt  }
0x65: {  	_ =	shalt  }
0x66: {  	_ =	shalt  }
0x67: {  	_ =	shalt  }
0x68: {  	_ =	shalt  }
0x69: {  	_ =	shalt  }
0x6a: {  	_ =	shalt  }
0x6b: {  	_ =	shalt  }
0x6c: {  	_ =	shalt  }
0x6d: {  	_ =	shalt  }
0x6e: {  	_ =	shalt  }
0x6f: {  	_ =	shalt  }
0x70: {  	_ =	shalt  }
0x71: {  	_ =	shalt  }
0x72: {  	_ =	shalt  }
0x73: {  	_ =	shalt  }
0x74: {  	_ =	shalt  }
0x75: {  	_ =	shalt  }
0x76: {  	_ =	shalt  }
0x77: {  	_ =	shalt  }
0x78: {  	_ =	shalt  }
0x79: {  	_ =	shalt  }
0x7a: {  	_ =	shalt  }
0x7b: {  	_ =	shalt  }
0x7c: {  	_ =	shalt  }
0x7d: {  	_ =	shalt  }
0x7e: {  	_ =	shalt  }
0x7f: {  	_ =	shalt  }
0x80: {  	_ =	shalt  }
0x81: {  	_ =	shalt  }
0x82: {  	_ =	shalt  }
0x83: {  	_ =	shalt  }
0x84: {  	_ =	shalt  }
0x85: {  	_ =	shalt  }
0x86: {  	_ =	shalt  }
0x87: {  	_ =	shalt  }
.Lfunc_end0:
.L_simem_size_0:
called_computation_lowered:
.L_overlay_start_0:
0x88: {  	s2 =	sld [smem:$0x3FD9]  }
0x89: {  	s3 =	sld [smem:$0x3FFE];
	_ =	sdelay $0x1  }
0x8a: {  	s1 =	srdreg.scid  }
0x8b: {  	s0 =	sand.u32 $0x1, s1  }
0x8c: {  	s17 =	sshll.u32 s0, $0xA;
	s2 =	sadd.s32 s3, s2  }
0x8d: {  	s2 =	sadd.s32 s2, s17  }
0x8e: {  	[smem:$0x3FC2] =	sst s2  }
0x8f: {  	_ = 	snop  }
0x90: {  	s2 =	sld [smem:$0x3FD0];
	(tm) =	ssettm $0x1  }
0x91: {  	s18 =	sld [smem:$0x3FFB];
	_ =	sdelay $0x3  }
0x92: {  	_ =	strace s18  }
0x93: {  	s3 =	sld [smem:$0x3FFC];
	_ =	sdelay $0x3  }
0x94: {  	_ =	strace s3  }
0x95: {  	s3 =	sld [smem:$0x3FFD];
	_ =	sdelay $0x3  }
0x96: {  	_ =	strace s3  }
0x97: {  	_ =	strace $0x8FFFFFFF  }
0x98: {  	s19 =	sld [smem:$0x3FDB];
	_ =	sdelay $0x1  }
0x99: {  	s4 =	simm.s32 $_scs_section_size  }
0x9a: {  	s5 =	simm.s32 $_size__tile_overlayer_lowered;
	s6 =	simm.s32 $_tile_overlayer_lowered  }
0x9b: {  	s22 =	simm.s32 $0x1BFF;
	s21 =	sshll.u32 s6, $0x1;
	s3 =	sadd.s32 s4, s19  }
0x9c: {  	s7 =	simm.s32 $0x0;
	s20 =	sshll.u32 s5, $0x1;
	s5 =	sadd.s32 s21, s3  }
0x9d: {  	[timem:s7], [sflag:s22] =	dma.local [hbm:s5], s20  }
0x9e: {  	_ =	swait.ge [sflag:s22], s20  }
0x9f: {  	s4 =	ssub.s32 $0x0, s20;
	[sflag:s22] =	ssyncset.done $0x0  }
0xa0: {  	[sflag:s22] =	ssyncadd.s32 s4;
	_ =	sdelay $0x1  }
0xa1: {  	s23 =	simm.s32 $0x1B8B  }
0xa2: {  	_ =	swait.ge [sflag:s23], $0x1  }
0xa3: {  	[sflag:s23] =	ssyncset.done $0x0  }
0xa4: {  	s25 =	simm.s32 $0x1B8E;
	s24 =	sld [smem:$0x3FFE];
	[sflag:s23] =	ssyncadd.s32 $0xFFFFFFFF  }
0xa5: {  	s26 =	simm.s32 $execute0_lowered;
	[smem:$0x3FD2] =	sst s25  }
0xa6: {  	s5 =	sshll.u32 s26, $0x1;
	_ =	strace $0x80000046;
	[dreg:$0x1] =	wrdreg $0xFFFFFFFF  }
0xa7: {  	s28 =	simm.s32 $_size_execute0_lowered;
	s3 =	sadd.s32 s3, s5;
	[dreg:$0x0] =	wrdreg $0x0  }
0xa8: {  	s5 =	sshll.u32 s28, $0x1;
	[dreg:$0x2] =	wrdreg s3  }
0xa9: {  	[dreg:$0x3] =	wrdreg s5  }
0xaa: {  	[dreg:$0x4] =	wrdreg $0xC0  }
0xab: {  	_ =	task [dreg:s7], $0x5FFFF  }
0xac: {  	[dreg:$0x1] =	wrdreg $0xFFFFFFFF  }
0xad: {  	[dreg:$0x0] =	wrdreg $0x60  }
0xae: {  	[dreg:$0x2] =	wrdreg s24  }
0xaf: {  	[dreg:$0x3] =	wrdreg s2  }
0xb0: {  	[dreg:$0x4] =	wrdreg $0x9  }
0xb1: {  	_ =	task.clear_ibuf [dreg:s7], $0x5FFFF;
	_ =	strace $0x90000046  }
0xb2: {  	s29 =	simm.s32 $0x9;
	_ =	strace $0x80000048  }
0xb3: {  	_ =	swait.ge [sflag:s29], $0x1  }
0xb4: {  	[sflag:s29] =	ssyncadd.s32 $0xFFFFFFFF  }
0xb5: {  	_ =	strace $0x90000048  }
0xb6: {  	_ =	sfence  }
0xb7: {  	s30 =	sld [smem:$0x0];
	_ =	sdelay $0x2  }
0xb8: {  	s31 =	sshll.u32 s1, $0xD;
	s1 =	sshrl.u32 s1, $0x2  }
0xb9: {  	s3 =	sand.u32 $0x4000, s31;
	s1 =	sadd.s32 s1, s30  }
0xba: {  	s0 =	sor.u32 s3, s0;
	s1 =	sshll.u32 s1, $0x11  }
0xbb: {  	s0 =	sor.u32 s1, s0  }
0xbc: {  	s0 =	sadd.s32 $0x8F2B, s0  }
0xbd: {  	[sflag:s0] =	ssyncadd.remote.s32 $0x1  }
0xbe: {  	_ =	sfence.sel $0xFFFF  }
0xbf: {  	[dreg:$0x0] =	wrdreg $0xFFFFFFFF;
	(pc) =	sbr.abs _section_cstart, $3  }
0xc0: {  	[dreg:$0x1] =	wrdreg $0xFFFFFFFF  }
0xc1: {  	_ =	task.clear_ibuf [dreg:s7], $0x2FFFF;
	_ =	strace $0x9FFFFFFF  }
0xc2: {  	(tm) =	ssettm $0x7FFFFFFF  }
0xc3: {  	_ =	shalt  }
tec
execute0_lowered:
.L_overlay_start_1:
0x0: {  	(tag) =	ssettag $0x1  }
0x1: {  	s0 =	rddreg [dreg:$0x0]  }
0x2: {  	s1 =	rddreg [dreg:$0x1]  }
0x3: {  	s2 =	srdreg.scid;
	s4 =	stileid.u32  }
0x4: {  	s8 =	simm.s32 $0x80;
	s10 =	simm.s32 $0x3;
	s12 =	simm.s32 $0x1900  }
0x5: {  	s13 =	simm.s32 $0x2100;
	s15 =	simm.s32 $0x2900;
	s17 =	simm.s32 $0x3100  }
0x6: {  	s19 =	simm.s32 $0x3900;
	s21 =	simm.s32 $0x4100;
	s23 =	simm.s32 $0x4900  }
0x7: {  	s25 =	simm.s32 $0x5100;
	s28 =	simm.s32 $0x5900;
	s30 =	simm.s32 $0x6100  }
0x8: {  	s11 =	simm.s32 $0x7100;
	s16 =	simm.s32 $0x7900;
	s20 =	simm.s32 $0x8100  }
0x9: {  	s24 =	simm.s32 $0x8900;
	s29 =	simm.s32 $0x9100;
	s18 =	simm.s32 $0xA100  }
0xa: {  	s14 =	simm.s32 $0xB100;
	s22 =	simm.s32 $0x1;
	s31 =	simm.s32 $0x2  }
0xb: {  	s9 =	simm.s32 $0x0;
	s3 =	sand.u32 $0x1, s2;
	s2 =	simm.s32 $0x0  }
0xc: {  	s4 =	sshll.u32 s4, $0x8;
	s5 =	sshll.u32 s3, $0x7;
	[smem:$0x7FF] =	sst s2  }
0xd: {  	s6 =	ssub.s32 $0x2, s3;
	s3 =	sadd.s32 $0x187800, s0;
	s4 =	sor.u32 s5, s4  }
0xe: {  	_ =	strace $0x80000047;
	s7 =	sshrl.u32 s6, $0x1;
	s5 =	sshrl.u32 s4, $0x3  }
0xf: {  	s4 =	sshll.u32 s4, $0x1;
	s5 =	sadd.s32 s5, s0;
	s0 =	sadd.s32 $0x7200, s0  }
0x10: {  	s26 =	ssub.s32 s6, s7;
	s1 =	sadd.s32 s1, s4;
	[dreg:$0x3] =	wrdreg s0  }
0x11: {  	s7 =	simm.s32 $0x1000;
	s5 =	sadd.s32 $0xE00, s5;
	[dreg:$0x5] =	wrdreg s1  }
0x12: {  	s0 =	smax.u32 s26, $0x1;
	s1 =	simm.s32 $0x9900;
	[dreg:$0x4] =	wrdreg s5  }
0x13: {  	s26 =	simm.s32 $0xA900;
	[dreg:$0x6] =	wrdreg s0;
	s0 =	simm.s32 $0x6900  }
.LBB2_1:
0x14: {  	s4 =	rddreg [dreg:$0x4]  }
0x15: {  	[tilespmem:s2], [sflag:$0x3] =	stream.strided.gather [hbm4b:s4+s8], $0x1900, s7, s8, $0x38;
	[tilespmem:$0xC110] =	vst v63  }
0x16: {  	_ =	swait.ge [sflag:s10], $0x1900  }
0x17: {  	[sflag:s10] =	ssyncset.done $0x0  }
0x18: {  	s5 =	simm.s32 $0xC100;
	s7 =	rddreg [dreg:$0x3];
	[sflag:s10] =	ssyncadd.s32 $0xFFFFE700  }
0x19: {  	[tilespmem:s5], [sflag:$0x3] =	stream.linear.gather [hbm4b:s7+s2], $0x10, $0x38;
	[tilespmem:$0xC110] =	vst v63  }
0x1a: {  	_ =	swait.ge [sflag:s10], $0x10  }
0x1b: {  	[sflag:s10] =	ssyncset.done $0x0  }
0x1c: {  	[sflag:s10] =	ssyncadd.s32 $0xFFFFFFF0  }
0x1d: {  	v0 =	vld [tilespmem:$0xC100];
	[tilespmem:s12], [sflag:$0x1] =	stream.indirect.gather [hbm4b:s3+s8], $0x10, s2, s8, $0xb8  }
0x1e: {  	_ = 	snop  }
0x1f: {  	[tilespmem:s13], [sflag:$0x1] =	stream.indirect.gather [hbm4b:s3+s8], $0x10, s8, s8, $0xb8;
	[tilespmem:$0xC110] =	vst v63  }
0x20: {  	s5 =	simm.s32 $0x100  }
0x21: {  	[tilespmem:s15], [sflag:$0x1] =	stream.indirect.gather [hbm4b:s3+s8], $0x10, s5, s8, $0xb8;
	[tilespmem:$0xC110] =	vst v63  }
0x22: {  	s6 =	simm.s32 $0x180  }
0x23: {  	[tilespmem:s17], [sflag:$0x1] =	stream.indirect.gather [hbm4b:s3+s8], $0x10, s6, s8, $0xb8;
	[tilespmem:$0xC110] =	vst v63  }
0x24: {  	s7 =	simm.s32 $0x200  }
0x25: {  	[tilespmem:s19], [sflag:$0x1] =	stream.indirect.gather [hbm4b:s3+s8], $0x10, s7, s8, $0xb8;
	[tilespmem:$0xC110] =	vst v63  }
0x26: {  	s5 =	simm.s32 $0x280  }
0x27: {  	[tilespmem:s21], [sflag:$0x1] =	stream.indirect.gather [hbm4b:s3+s8], $0x10, s5, s8, $0xb8;
	[tilespmem:$0xC110] =	vst v63  }
0x28: {  	s6 =	simm.s32 $0x300  }
0x29: {  	[tilespmem:s23], [sflag:$0x1] =	stream.indirect.gather [hbm4b:s3+s8], $0x10, s6, s8, $0xb8;
	[tilespmem:$0xC110] =	vst v63  }
0x2a: {  	s7 =	simm.s32 $0x380  }
0x2b: {  	[tilespmem:s25], [sflag:$0x1] =	stream.indirect.gather [hbm4b:s3+s8], $0x10, s7, s8, $0xb8;
	[tilespmem:$0xC110] =	vst v63  }
0x2c: {  	s5 =	simm.s32 $0x400  }
0x2d: {  	[tilespmem:s28], [sflag:$0x1] =	stream.indirect.gather [hbm4b:s3+s8], $0x10, s5, s8, $0xb8;
	[tilespmem:$0xC110] =	vst v63  }
0x2e: {  	s6 =	simm.s32 $0x480  }
0x2f: {  	[tilespmem:s30], [sflag:$0x1] =	stream.indirect.gather [hbm4b:s3+s8], $0x10, s6, s8, $0xb8;
	[tilespmem:$0xC110] =	vst v63  }
0x30: {  	s7 =	simm.s32 $0x500  }
0x31: {  	[tilespmem:s0], [sflag:$0x2] =	stream.indirect.gather [hbm4b:s3+s8], $0x10, s7, s8, $0xb8;
	[tilespmem:$0xC110] =	vst v63  }
0x32: {  	s5 =	simm.s32 $0x580  }
0x33: {  	[tilespmem:s11], [sflag:$0x2] =	stream.indirect.gather [hbm4b:s3+s8], $0x10, s5, s8, $0xb8;
	[tilespmem:$0xC110] =	vst v63  }
0x34: {  	s6 =	simm.s32 $0x600  }
0x35: {  	[tilespmem:s16], [sflag:$0x2] =	stream.indirect.gather [hbm4b:s3+s8], $0x10, s6, s8, $0xb8;
	[tilespmem:$0xC110] =	vst v63  }
0x36: {  	s7 =	simm.s32 $0x680  }
0x37: {  	[tilespmem:s20], [sflag:$0x2] =	stream.indirect.gather [hbm4b:s3+s8], $0x10, s7, s8, $0xb8;
	[tilespmem:$0xC110] =	vst v63  }
0x38: {  	s5 =	simm.s32 $0x700  }
0x39: {  	[tilespmem:s24], [sflag:$0x2] =	stream.indirect.gather [hbm4b:s3+s8], $0x10, s5, s8, $0xb8;
	[tilespmem:$0xC110] =	vst v63  }
0x3a: {  	s6 =	simm.s32 $0x780  }
0x3b: {  	[tilespmem:s29], [sflag:$0x2] =	stream.indirect.gather [hbm4b:s3+s8], $0x10, s6, s8, $0xb8;
	[tilespmem:$0xC110] =	vst v63  }
0x3c: {  	s7 =	simm.s32 $0x800  }
0x3d: {  	[tilespmem:s1], [sflag:$0x2] =	stream.indirect.gather [hbm4b:s3+s8], $0x10, s7, s8, $0xb8;
	[tilespmem:$0xC110] =	vst v63  }
0x3e: {  	s5 =	simm.s32 $0x880  }
0x3f: {  	[tilespmem:s18], [sflag:$0x2] =	stream.indirect.gather [hbm4b:s3+s8], $0x10, s5, s8, $0xb8;
	[tilespmem:$0xC110] =	vst v63  }
0x40: {  	s6 =	simm.s32 $0x900  }
0x41: {  	[tilespmem:s26], [sflag:$0x2] =	stream.indirect.gather [hbm4b:s3+s8], $0x10, s6, s8, $0xb8;
	[tilespmem:$0xC110] =	vst v63  }
0x42: {  	s7 =	simm.s32 $0x980  }
0x43: {  	[tilespmem:s14], [sflag:$0x2] =	stream.indirect.gather [hbm4b:s3+s8], $0x10, s7, s8, $0xb8;
	[tilespmem:$0xC110] =	vst v63  }
0x44: {  	_ =	swait.ge [sflag:s22], $0x800  }
0x45: {  	[sflag:s22] =	ssyncset.done $0x0  }
0x46: {  	[sflag:s22] =	ssyncadd.s32 $0xFFFFF800  }
0x47: {  	_ =	swait.ge [sflag:s22], $0x800  }
0x48: {  	[sflag:s22] =	ssyncset.done $0x0  }
0x49: {  	[sflag:s22] =	ssyncadd.s32 $0xFFFFF800  }
0x4a: {  	_ =	swait.ge [sflag:s22], $0x800  }
0x4b: {  	[sflag:s22] =	ssyncset.done $0x0  }
0x4c: {  	[sflag:s22] =	ssyncadd.s32 $0xFFFFF800  }
0x4d: {  	_ =	swait.ge [sflag:s22], $0x800  }
0x4e: {  	[sflag:s22] =	ssyncset.done $0x0  }
0x4f: {  	[sflag:s22] =	ssyncadd.s32 $0xFFFFF800  }
0x50: {  	_ =	swait.ge [sflag:s22], $0x800  }
0x51: {  	[sflag:s22] =	ssyncset.done $0x0  }
0x52: {  	[sflag:s22] =	ssyncadd.s32 $0xFFFFF800  }
0x53: {  	_ =	swait.ge [sflag:s22], $0x800  }
0x54: {  	[sflag:s22] =	ssyncset.done $0x0  }
0x55: {  	[sflag:s22] =	ssyncadd.s32 $0xFFFFF800  }
0x56: {  	_ =	swait.ge [sflag:s22], $0x800  }
0x57: {  	[sflag:s22] =	ssyncset.done $0x0  }
0x58: {  	[sflag:s22] =	ssyncadd.s32 $0xFFFFF800  }
0x59: {  	_ =	swait.ge [sflag:s22], $0x800  }
0x5a: {  	[sflag:s22] =	ssyncset.done $0x0  }
0x5b: {  	[sflag:s22] =	ssyncadd.s32 $0xFFFFF800  }
0x5c: {  	_ =	swait.ge [sflag:s22], $0x800  }
0x5d: {  	[sflag:s22] =	ssyncset.done $0x0  }
0x5e: {  	[sflag:s22] =	ssyncadd.s32 $0xFFFFF800  }
0x5f: {  	_ =	swait.ge [sflag:s22], $0x800  }
0x60: {  	[sflag:s22] =	ssyncset.done $0x0  }
0x61: {  	s4 =	simm.s32 $0x0;
	[sflag:s22] =	ssyncadd.s32 $0xFFFFF800  }
0x62: {  	v1 =	vld [tilespmem:s4+$0x1900]  }
0x63: {  	v2 =	vld [tilespmem:s4+$0x2100]  }
0x64: {  	v3 =	vld [tilespmem:s4+$0x2900]  }
0x65: {  	v4 =	vld [tilespmem:s4+$0x3100]  }
0x66: {  	v5 =	vld [tilespmem:s4+$0x3900]  }
0x67: {  	v6 =	vld [tilespmem:s4+$0x4100]  }
0x68: {  	v7 =	vld [tilespmem:s4+$0x4900]  }
0x69: {  	v8 =	vld [tilespmem:s4+$0x5100]  }
0x6a: {  	v9 =	vadd.f32 v3, v1;
	v4 =	vadd.f32 v4, v2;
	v1 =	vld [tilespmem:s4+$0x5900]  }
0x6b: {  	s5 =	simm.s32 $0x10;
	v2 =	vld [tilespmem:s4+$0x6100]  }
0x6c: {  	v3 =	vld [tilespmem:s5+$0x1900];
	v9 =	vadd.f32 v5, v9;
	v10 =	vadd.f32 v6, v4  }
0x6d: {  	v4 =	vld [tilespmem:s5+$0x2100]  }
0x6e: {  	s6 =	simm.s32 $0x80;
	v5 =	vld [tilespmem:s5+$0x2900];
	v6 =	vadd.f32 v7, v9;
	v7 =	vadd.f32 v8, v10  }
.LBB2_2:
0x6f: {  	p0 =	sne.s32 s6, $0x1FC0;
	v8 =	vld [tilespmem:s5+$0x3100]  }
0x70: {  	v9 =	vld [tilespmem:s5+$0x3900];
	v1 =	vadd.f32 v1, v6;
	v2 =	vadd.f32 v2, v7  }
0x71: {  	v6 =	vld [tilespmem:s5+$0x4100]  }
0x72: {  	v7 =	vld [tilespmem:s5+$0x4900];
	v2 =	vadd.f32 v2, v1  }
0x73: {  	v5 =	vadd.f32 v5, v3;
	v10 =	vld [tilespmem:s5+$0x5100]  }
.Ltmp0:
0x74: {  	v4 =	vadd.f32 v8, v4;
	v1 =	vld [tilespmem:s5+$0x5900];
	v8 =	vadd.f32 v2, v0;
	(pc) =	sbr.rel @p0 .LBB2_2-.Ltmp0, $4  }
0x75: {  	s7 =	sshra.s32 s6, $0x2;
	v2 =	vld [tilespmem:s5+$0x6100]  }
0x76: {  	v9 =	vadd.f32 v9, v5;
	v3 =	vld [tilespmem:s7+$0x1900];
	v11 =	vadd.f32 v6, v4;
	[tilespmem:s4+$0xB900] =	vst v8;
	s4 =	smov.u32 s5;
	s5 =	smov.u32 s7  }
0x77: {  	v4 =	vld [tilespmem:s5+$0x2100]  }
0x78: {  	s6 =	sadd.s32 $0x40, s6;
	v6 =	vadd.f32 v7, v9;
	v5 =	vld [tilespmem:s5+$0x2900];
	v7 =	vadd.f32 v10, v11  }
0x79: {  	v8 =	vld [tilespmem:s5+$0x3100]  }
0x7a: {  	v9 =	vld [tilespmem:s5+$0x3900]  }
0x7b: {  	v10 =	vld [tilespmem:s5+$0x4100]  }
0x7c: {  	v11 =	vld [tilespmem:s5+$0x4900]  }
0x7d: {  	v12 =	vld [tilespmem:s5+$0x5100]  }
0x7e: {  	v3 =	vadd.f32 v5, v3;
	v5 =	vld [tilespmem:s5+$0x5900];
	v4 =	vadd.f32 v8, v4  }
0x7f: {  	v8 =	vld [tilespmem:s5+$0x6100]  }
0x80: {  	v3 =	vadd.f32 v9, v3;
	v4 =	vadd.f32 v10, v4;
	_ =	sdelay $0x1  }
0x81: {  	v3 =	vadd.f32 v11, v3;
	v4 =	vadd.f32 v12, v4  }
0x82: {  	v1 =	vadd.f32 v1, v6;
	v2 =	vadd.f32 v2, v7  }
0x83: {  	v3 =	vadd.f32 v5, v3;
	v4 =	vadd.f32 v8, v4  }
0x84: {  	v1 =	vadd.f32 v2, v1  }
0x85: {  	v2 =	vadd.f32 v4, v3  }
0x86: {  	v1 =	vadd.f32 v1, v0  }
0x87: {  	v0 =	vadd.f32 v2, v0  }
0x88: {  	[tilespmem:s4+$0xB900] =	vst v1  }
0x89: {  	s7 =	simm.s32 $0xA00;
	[tilespmem:s5+$0xB900] =	vst v0  }
0x8a: {  	[tilespmem:s12], [sflag:$0x1] =	stream.indirect.gather [hbm4b:s3+s8], $0x10, s7, s8, $0xb8;
	[tilespmem:$0xC110] =	vst v63  }
0x8b: {  	s5 =	simm.s32 $0xA80  }
0x8c: {  	[tilespmem:s13], [sflag:$0x1] =	stream.indirect.gather [hbm4b:s3+s8], $0x10, s5, s8, $0xb8;
	[tilespmem:$0xC110] =	vst v63  }
0x8d: {  	s6 =	simm.s32 $0xB00  }
0x8e: {  	[tilespmem:s15], [sflag:$0x1] =	stream.indirect.gather [hbm4b:s3+s8], $0x10, s6, s8, $0xb8;
	[tilespmem:$0xC110] =	vst v63  }
0x8f: {  	s7 =	simm.s32 $0xB80  }
0x90: {  	[tilespmem:s17], [sflag:$0x1] =	stream.indirect.gather [hbm4b:s3+s8], $0x10, s7, s8, $0xb8;
	[tilespmem:$0xC110] =	vst v63  }
0x91: {  	s5 =	simm.s32 $0xC00  }
0x92: {  	[tilespmem:s19], [sflag:$0x1] =	stream.indirect.gather [hbm4b:s3+s8], $0x10, s5, s8, $0xb8;
	[tilespmem:$0xC110] =	vst v63  }
0x93: {  	s6 =	simm.s32 $0xC80  }
0x94: {  	[tilespmem:s21], [sflag:$0x1] =	stream.indirect.gather [hbm4b:s3+s8], $0x10, s6, s8, $0xb8;
	[tilespmem:$0xC110] =	vst v63  }
0x95: {  	s7 =	simm.s32 $0xD00  }
0x96: {  	[tilespmem:s23], [sflag:$0x1] =	stream.indirect.gather [hbm4b:s3+s8], $0x10, s7, s8, $0xb8;
	[tilespmem:$0xC110] =	vst v63  }
0x97: {  	s5 =	simm.s32 $0xD80  }
0x98: {  	[tilespmem:s25], [sflag:$0x1] =	stream.indirect.gather [hbm4b:s3+s8], $0x10, s5, s8, $0xb8;
	[tilespmem:$0xC110] =	vst v63  }
0x99: {  	s6 =	simm.s32 $0xE00  }
0x9a: {  	[tilespmem:s28], [sflag:$0x1] =	stream.indirect.gather [hbm4b:s3+s8], $0x10, s6, s8, $0xb8;
	[tilespmem:$0xC110] =	vst v63  }
0x9b: {  	s7 =	simm.s32 $0xE80  }
0x9c: {  	[tilespmem:s30], [sflag:$0x1] =	stream.indirect.gather [hbm4b:s3+s8], $0x10, s7, s8, $0xb8;
	[tilespmem:$0xC110] =	vst v63  }
0x9d: {  	_ =	swait.ge [sflag:s31], $0x800  }
0x9e: {  	[sflag:s31] =	ssyncset.done $0x0  }
0x9f: {  	[sflag:s31] =	ssyncadd.s32 $0xFFFFF800  }
0xa0: {  	_ =	swait.ge [sflag:s31], $0x800  }
0xa1: {  	[sflag:s31] =	ssyncset.done $0x0  }
0xa2: {  	[sflag:s31] =	ssyncadd.s32 $0xFFFFF800  }
0xa3: {  	_ =	swait.ge [sflag:s31], $0x800  }
0xa4: {  	[sflag:s31] =	ssyncset.done $0x0  }
0xa5: {  	[sflag:s31] =	ssyncadd.s32 $0xFFFFF800  }
0xa6: {  	_ =	swait.ge [sflag:s31], $0x800  }
0xa7: {  	[sflag:s31] =	ssyncset.done $0x0  }
0xa8: {  	[sflag:s31] =	ssyncadd.s32 $0xFFFFF800  }
0xa9: {  	_ =	swait.ge [sflag:s31], $0x800  }
0xaa: {  	[sflag:s31] =	ssyncset.done $0x0  }
0xab: {  	[sflag:s31] =	ssyncadd.s32 $0xFFFFF800  }
0xac: {  	_ =	swait.ge [sflag:s31], $0x800  }
0xad: {  	[sflag:s31] =	ssyncset.done $0x0  }
0xae: {  	[sflag:s31] =	ssyncadd.s32 $0xFFFFF800  }
0xaf: {  	_ =	swait.ge [sflag:s31], $0x800  }
0xb0: {  	[sflag:s31] =	ssyncset.done $0x0  }
0xb1: {  	[sflag:s31] =	ssyncadd.s32 $0xFFFFF800  }
0xb2: {  	_ =	swait.ge [sflag:s31], $0x800  }
0xb3: {  	[sflag:s31] =	ssyncset.done $0x0  }
0xb4: {  	[sflag:s31] =	ssyncadd.s32 $0xFFFFF800  }
0xb5: {  	_ =	swait.ge [sflag:s31], $0x800  }
0xb6: {  	[sflag:s31] =	ssyncset.done $0x0  }
0xb7: {  	[sflag:s31] =	ssyncadd.s32 $0xFFFFF800  }
0xb8: {  	_ =	swait.ge [sflag:s31], $0x800  }
0xb9: {  	[sflag:s31] =	ssyncset.done $0x0  }
0xba: {  	s4 =	simm.s32 $0x0;
	[sflag:s31] =	ssyncadd.s32 $0xFFFFF800  }
0xbb: {  	v0 =	vld [tilespmem:s4+$0x6900]  }
0xbc: {  	v1 =	vld [tilespmem:s4+$0x7100]  }
0xbd: {  	v3 =	vld [tilespmem:s4+$0x7900]  }
0xbe: {  	v4 =	vld [tilespmem:s4+$0x8100]  }
0xbf: {  	v5 =	vld [tilespmem:s4+$0x8900]  }
0xc0: {  	v6 =	vld [tilespmem:s4+$0x9100]  }
0xc1: {  	v7 =	vld [tilespmem:s4+$0x9900]  }
0xc2: {  	v8 =	vld [tilespmem:s4+$0xA100]  }
0xc3: {  	v2 =	vld [tilespmem:s4+$0xA900];
	v3 =	vadd.f32 v3, v0;
	v1 =	vadd.f32 v4, v1  }
0xc4: {  	s5 =	simm.s32 $0x10;
	v4 =	vld [tilespmem:s4+$0xB100]  }
0xc5: {  	v0 =	vld [tilespmem:s5+$0x6900];
	v5 =	vadd.f32 v5, v3;
	v63 =	vadd.f32 v6, v1  }
0xc6: {  	v1 =	vld [tilespmem:s5+$0x7100]  }
0xc7: {  	v3 =	vld [tilespmem:s5+$0x7900];
	v6 =	vadd.f32 v7, v5;
	v7 =	vadd.f32 v8, v63  }
0xc8: {  	s6 =	simm.s32 $0x80;
	v5 =	vld [tilespmem:s4+$0xB900]  }
.LBB2_4:
0xc9: {  	p0 =	sne.s32 s6, $0x1FC0;
	v8 =	vld [tilespmem:s5+$0x8100];
	v2 =	vadd.f32 v2, v6;
	v4 =	vadd.f32 v4, v7  }
0xca: {  	v6 =	vld [tilespmem:s5+$0x8900]  }
0xcb: {  	v7 =	vld [tilespmem:s5+$0x9100];
	v2 =	vadd.f32 v4, v2  }
0xcc: {  	v9 =	vld [tilespmem:s5+$0x9900]  }
0xcd: {  	v10 =	vld [tilespmem:s5+$0xA100];
	v5 =	vadd.f32 v2, v5  }
0xce: {  	v3 =	vadd.f32 v3, v0;
	v1 =	vadd.f32 v8, v1;
	v2 =	vld [tilespmem:s5+$0xA900]  }
.Ltmp1:
0xcf: {  	v4 =	vld [tilespmem:s5+$0xB100];
	[tilespmem:s4+$0xB900] =	vst v5;
	s4 =	smov.u32 s5;
	s5 =	sshra.s32 s6, $0x2;
	(pc) =	sbr.rel @p0 .LBB2_4-.Ltmp1, $4  }
0xd0: {  	v5 =	vadd.f32 v6, v3;
	v0 =	vld [tilespmem:s5+$0x6900];
	v7 =	vadd.f32 v7, v1  }
0xd1: {  	v1 =	vld [tilespmem:s5+$0x7100]  }
0xd2: {  	v6 =	vadd.f32 v9, v5;
	v3 =	vld [tilespmem:s5+$0x7900];
	v7 =	vadd.f32 v10, v7  }
0xd3: {  	s6 =	sadd.s32 $0x40, s6;
	v5 =	vld [tilespmem:s4+$0xB900]  }
0xd4: {  	v8 =	vld [tilespmem:s5+$0x8100]  }
0xd5: {  	v9 =	vld [tilespmem:s5+$0x8900]  }
0xd6: {  	v2 =	vadd.f32 v2, v6;
	v4 =	vadd.f32 v4, v7;
	v6 =	vld [tilespmem:s5+$0x9100]  }
0xd7: {  	v7 =	vld [tilespmem:s5+$0x9900]  }
0xd8: {  	v2 =	vadd.f32 v4, v2;
	v4 =	vld [tilespmem:s5+$0xA100]  }
0xd9: {  	v0 =	vadd.f32 v3, v0;
	v3 =	vld [tilespmem:s5+$0xA900];
	v1 =	vadd.f32 v8, v1  }
0xda: {  	v2 =	vadd.f32 v2, v5;
	v5 =	vld [tilespmem:s5+$0xB100]  }
0xdb: {  	v0 =	vadd.f32 v9, v0;
	v1 =	vadd.f32 v6, v1;
	_ =	sdelay $0x1  }
0xdc: {  	[tilespmem:s4+$0xB900] =	vst v2;
	v0 =	vadd.f32 v7, v0;
	v1 =	vadd.f32 v4, v1  }
0xdd: {  	v2 =	vld [tilespmem:s5+$0xB900]  }
0xde: {  	v0 =	vadd.f32 v3, v0;
	v1 =	vadd.f32 v5, v1;
	_ =	sdelay $0x1  }
0xdf: {  	v0 =	vadd.f32 v1, v0;
	_ =	sdelay $0x1  }
0xe0: {  	v0 =	vadd.f32 v0, v2;
	_ =	sdelay $0x1  }
0xe1: {  	s7 =	simm.s32 $0xF00;
	[tilespmem:s5+$0xB900] =	vst v0  }
0xe2: {  	[tilespmem:s0], [sflag:$0x2] =	stream.indirect.gather [hbm4b:s3+s8], $0x10, s7, s8, $0xb8;
	[tilespmem:$0xC110] =	vst v63  }
0xe3: {  	s5 =	simm.s32 $0xF80  }
0xe4: {  	[tilespmem:s11], [sflag:$0x2] =	stream.indirect.gather [hbm4b:s3+s8], $0x10, s5, s8, $0xb8;
	[tilespmem:$0xC110] =	vst v63  }
0xe5: {  	s7 =	simm.s32 $0x1000  }
0xe6: {  	[tilespmem:s16], [sflag:$0x2] =	stream.indirect.gather [hbm4b:s3+s8], $0x10, s7, s8, $0xb8;
	[tilespmem:$0xC110] =	vst v63  }
0xe7: {  	s6 =	simm.s32 $0x1080  }
0xe8: {  	[tilespmem:s20], [sflag:$0x2] =	stream.indirect.gather [hbm4b:s3+s8], $0x10, s6, s8, $0xb8;
	[tilespmem:$0xC110] =	vst v63  }
0xe9: {  	s5 =	simm.s32 $0x1100  }
0xea: {  	[tilespmem:s24], [sflag:$0x2] =	stream.indirect.gather [hbm4b:s3+s8], $0x10, s5, s8, $0xb8;
	[tilespmem:$0xC110] =	vst v63  }
0xeb: {  	s6 =	simm.s32 $0x1180  }
0xec: {  	[tilespmem:s29], [sflag:$0x2] =	stream.indirect.gather [hbm4b:s3+s8], $0x10, s6, s8, $0xb8;
	[tilespmem:$0xC110] =	vst v63  }
0xed: {  	s5 =	simm.s32 $0x1200  }
0xee: {  	[tilespmem:s1], [sflag:$0x2] =	stream.indirect.gather [hbm4b:s3+s8], $0x10, s5, s8, $0xb8;
	[tilespmem:$0xC110] =	vst v63  }
0xef: {  	s6 =	simm.s32 $0x1280  }
0xf0: {  	[tilespmem:s18], [sflag:$0x2] =	stream.indirect.gather [hbm4b:s3+s8], $0x10, s6, s8, $0xb8;
	[tilespmem:$0xC110] =	vst v63  }
0xf1: {  	s5 =	simm.s32 $0x1300  }
0xf2: {  	[tilespmem:s26], [sflag:$0x2] =	stream.indirect.gather [hbm4b:s3+s8], $0x10, s5, s8, $0xb8;
	[tilespmem:$0xC110] =	vst v63  }
0xf3: {  	s6 =	simm.s32 $0x1380  }
0xf4: {  	[tilespmem:s14], [sflag:$0x2] =	stream.indirect.gather [hbm4b:s3+s8], $0x10, s6, s8, $0xb8;
	[tilespmem:$0xC110] =	vst v63  }
0xf5: {  	_ =	swait.ge [sflag:s22], $0x800  }
0xf6: {  	[sflag:s22] =	ssyncset.done $0x0  }
0xf7: {  	[sflag:s22] =	ssyncadd.s32 $0xFFFFF800  }
0xf8: {  	_ =	swait.ge [sflag:s22], $0x800  }
0xf9: {  	[sflag:s22] =	ssyncset.done $0x0  }
0xfa: {  	[sflag:s22] =	ssyncadd.s32 $0xFFFFF800  }
0xfb: {  	_ =	swait.ge [sflag:s22], $0x800  }
0xfc: {  	[sflag:s22] =	ssyncset.done $0x0  }
0xfd: {  	[sflag:s22] =	ssyncadd.s32 $0xFFFFF800  }
0xfe: {  	_ =	swait.ge [sflag:s22], $0x800  }
0xff: {  	[sflag:s22] =	ssyncset.done $0x0  }
0x100: {  	[sflag:s22] =	ssyncadd.s32 $0xFFFFF800  }
0x101: {  	_ =	swait.ge [sflag:s22], $0x800  }
0x102: {  	[sflag:s22] =	ssyncset.done $0x0  }
0x103: {  	[sflag:s22] =	ssyncadd.s32 $0xFFFFF800  }
0x104: {  	_ =	swait.ge [sflag:s22], $0x800  }
0x105: {  	[sflag:s22] =	ssyncset.done $0x0  }
0x106: {  	[sflag:s22] =	ssyncadd.s32 $0xFFFFF800  }
0x107: {  	_ =	swait.ge [sflag:s22], $0x800  }
0x108: {  	[sflag:s22] =	ssyncset.done $0x0  }
0x109: {  	[sflag:s22] =	ssyncadd.s32 $0xFFFFF800  }
0x10a: {  	_ =	swait.ge [sflag:s22], $0x800  }
0x10b: {  	[sflag:s22] =	ssyncset.done $0x0  }
0x10c: {  	[sflag:s22] =	ssyncadd.s32 $0xFFFFF800  }
0x10d: {  	_ =	swait.ge [sflag:s22], $0x800  }
0x10e: {  	[sflag:s22] =	ssyncset.done $0x0  }
0x10f: {  	[sflag:s22] =	ssyncadd.s32 $0xFFFFF800  }
0x110: {  	_ =	swait.ge [sflag:s22], $0x800  }
0x111: {  	[sflag:s22] =	ssyncset.done $0x0  }
0x112: {  	s4 =	simm.s32 $0x0;
	[sflag:s22] =	ssyncadd.s32 $0xFFFFF800  }
0x113: {  	v0 =	vld [tilespmem:s4+$0x1900]  }
0x114: {  	v1 =	vld [tilespmem:s4+$0x2100]  }
0x115: {  	v3 =	vld [tilespmem:s4+$0x2900]  }
0x116: {  	v4 =	vld [tilespmem:s4+$0x3100]  }
0x117: {  	v5 =	vld [tilespmem:s4+$0x3900]  }
0x118: {  	v6 =	vld [tilespmem:s4+$0x4100]  }
0x119: {  	v7 =	vld [tilespmem:s4+$0x4900]  }
0x11a: {  	v8 =	vld [tilespmem:s4+$0x5100]  }
0x11b: {  	v2 =	vld [tilespmem:s4+$0x5900];
	v3 =	vadd.f32 v3, v0;
	v1 =	vadd.f32 v4, v1  }
0x11c: {  	s5 =	simm.s32 $0x10;
	v4 =	vld [tilespmem:s4+$0x6100]  }
0x11d: {  	v0 =	vld [tilespmem:s5+$0x1900];
	v5 =	vadd.f32 v5, v3;
	v63 =	vadd.f32 v6, v1  }
0x11e: {  	v1 =	vld [tilespmem:s5+$0x2100]  }
0x11f: {  	v3 =	vld [tilespmem:s5+$0x2900];
	v6 =	vadd.f32 v7, v5;
	v7 =	vadd.f32 v8, v63  }
0x120: {  	s6 =	simm.s32 $0x80;
	v5 =	vld [tilespmem:s4+$0xB900]  }
.LBB2_6:
0x121: {  	p0 =	sne.s32 s6, $0x1FC0;
	v8 =	vld [tilespmem:s5+$0x3100];
	v2 =	vadd.f32 v2, v6;
	v4 =	vadd.f32 v4, v7  }
0x122: {  	v6 =	vld [tilespmem:s5+$0x3900]  }
0x123: {  	v7 =	vld [tilespmem:s5+$0x4100];
	v2 =	vadd.f32 v4, v2  }
0x124: {  	v9 =	vld [tilespmem:s5+$0x4900]  }
0x125: {  	v10 =	vld [tilespmem:s5+$0x5100];
	v5 =	vadd.f32 v2, v5  }
0x126: {  	v3 =	vadd.f32 v3, v0;
	v1 =	vadd.f32 v8, v1;
	v2 =	vld [tilespmem:s5+$0x5900]  }
.Ltmp2:
0x127: {  	v4 =	vld [tilespmem:s5+$0x6100];
	[tilespmem:s4+$0xB900] =	vst v5;
	s4 =	smov.u32 s5;
	s5 =	sshra.s32 s6, $0x2;
	(pc) =	sbr.rel @p0 .LBB2_6-.Ltmp2, $4  }
0x128: {  	v5 =	vadd.f32 v6, v3;
	v0 =	vld [tilespmem:s5+$0x1900];
	v7 =	vadd.f32 v7, v1  }
0x129: {  	v1 =	vld [tilespmem:s5+$0x2100]  }
0x12a: {  	v6 =	vadd.f32 v9, v5;
	v3 =	vld [tilespmem:s5+$0x2900];
	v7 =	vadd.f32 v10, v7  }
0x12b: {  	s6 =	sadd.s32 $0x40, s6;
	v5 =	vld [tilespmem:s4+$0xB900]  }
0x12c: {  	v8 =	vld [tilespmem:s5+$0x3100]  }
0x12d: {  	v9 =	vld [tilespmem:s5+$0x3900]  }
0x12e: {  	v2 =	vadd.f32 v2, v6;
	v4 =	vadd.f32 v4, v7;
	v6 =	vld [tilespmem:s5+$0x4100]  }
0x12f: {  	v7 =	vld [tilespmem:s5+$0x4900]  }
0x130: {  	v2 =	vadd.f32 v4, v2;
	v4 =	vld [tilespmem:s5+$0x5100]  }
0x131: {  	v0 =	vadd.f32 v3, v0;
	v3 =	vld [tilespmem:s5+$0x5900];
	v1 =	vadd.f32 v8, v1  }
0x132: {  	v2 =	vadd.f32 v2, v5;
	v5 =	vld [tilespmem:s5+$0x6100]  }
0x133: {  	v0 =	vadd.f32 v9, v0;
	v1 =	vadd.f32 v6, v1;
	_ =	sdelay $0x1  }
0x134: {  	[tilespmem:s4+$0xB900] =	vst v2;
	v0 =	vadd.f32 v7, v0;
	v1 =	vadd.f32 v4, v1  }
0x135: {  	v2 =	vld [tilespmem:s5+$0xB900]  }
0x136: {  	v0 =	vadd.f32 v3, v0;
	v1 =	vadd.f32 v5, v1;
	_ =	sdelay $0x1  }
0x137: {  	v0 =	vadd.f32 v1, v0;
	_ =	sdelay $0x1  }
0x138: {  	v0 =	vadd.f32 v0, v2;
	_ =	sdelay $0x1  }
0x139: {  	[tilespmem:s5+$0xB900] =	vst v0;
	s5 =	simm.s32 $0x1400  }
0x13a: {  	[tilespmem:s12], [sflag:$0x1] =	stream.indirect.gather [hbm4b:s3+s8], $0x10, s5, s8, $0xb8;
	[tilespmem:$0xC110] =	vst v63  }
0x13b: {  	s6 =	simm.s32 $0x1480  }
0x13c: {  	[tilespmem:s13], [sflag:$0x1] =	stream.indirect.gather [hbm4b:s3+s8], $0x10, s6, s8, $0xb8;
	[tilespmem:$0xC110] =	vst v63  }
0x13d: {  	s5 =	simm.s32 $0x1500  }
0x13e: {  	[tilespmem:s15], [sflag:$0x1] =	stream.indirect.gather [hbm4b:s3+s8], $0x10, s5, s8, $0xb8;
	[tilespmem:$0xC110] =	vst v63  }
0x13f: {  	s6 =	simm.s32 $0x1580  }
0x140: {  	[tilespmem:s17], [sflag:$0x1] =	stream.indirect.gather [hbm4b:s3+s8], $0x10, s6, s8, $0xb8;
	[tilespmem:$0xC110] =	vst v63  }
0x141: {  	s5 =	simm.s32 $0x1600  }
0x142: {  	[tilespmem:s19], [sflag:$0x1] =	stream.indirect.gather [hbm4b:s3+s8], $0x10, s5, s8, $0xb8;
	[tilespmem:$0xC110] =	vst v63  }
0x143: {  	s6 =	simm.s32 $0x1680  }
0x144: {  	[tilespmem:s21], [sflag:$0x1] =	stream.indirect.gather [hbm4b:s3+s8], $0x10, s6, s8, $0xb8;
	[tilespmem:$0xC110] =	vst v63  }
0x145: {  	s5 =	simm.s32 $0x1700  }
0x146: {  	[tilespmem:s23], [sflag:$0x1] =	stream.indirect.gather [hbm4b:s3+s8], $0x10, s5, s8, $0xb8;
	[tilespmem:$0xC110] =	vst v63  }
0x147: {  	s6 =	simm.s32 $0x1780  }
0x148: {  	[tilespmem:s25], [sflag:$0x1] =	stream.indirect.gather [hbm4b:s3+s8], $0x10, s6, s8, $0xb8;
	[tilespmem:$0xC110] =	vst v63  }
0x149: {  	s5 =	simm.s32 $0x1800  }
0x14a: {  	[tilespmem:s28], [sflag:$0x1] =	stream.indirect.gather [hbm4b:s3+s8], $0x10, s5, s8, $0xb8;
	[tilespmem:$0xC110] =	vst v63  }
0x14b: {  	s6 =	simm.s32 $0x1880  }
0x14c: {  	[tilespmem:s30], [sflag:$0x1] =	stream.indirect.gather [hbm4b:s3+s8], $0x10, s6, s8, $0xb8;
	[tilespmem:$0xC110] =	vst v63  }
0x14d: {  	_ =	swait.ge [sflag:s31], $0x800  }
0x14e: {  	[sflag:s31] =	ssyncset.done $0x0  }
0x14f: {  	[sflag:s31] =	ssyncadd.s32 $0xFFFFF800  }
0x150: {  	_ =	swait.ge [sflag:s31], $0x800  }
0x151: {  	[sflag:s31] =	ssyncset.done $0x0  }
0x152: {  	[sflag:s31] =	ssyncadd.s32 $0xFFFFF800  }
0x153: {  	_ =	swait.ge [sflag:s31], $0x800  }
0x154: {  	[sflag:s31] =	ssyncset.done $0x0  }
0x155: {  	[sflag:s31] =	ssyncadd.s32 $0xFFFFF800  }
0x156: {  	_ =	swait.ge [sflag:s31], $0x800  }
0x157: {  	[sflag:s31] =	ssyncset.done $0x0  }
0x158: {  	[sflag:s31] =	ssyncadd.s32 $0xFFFFF800  }
0x159: {  	_ =	swait.ge [sflag:s31], $0x800  }
0x15a: {  	[sflag:s31] =	ssyncset.done $0x0  }
0x15b: {  	[sflag:s31] =	ssyncadd.s32 $0xFFFFF800  }
0x15c: {  	_ =	swait.ge [sflag:s31], $0x800  }
0x15d: {  	[sflag:s31] =	ssyncset.done $0x0  }
0x15e: {  	[sflag:s31] =	ssyncadd.s32 $0xFFFFF800  }
0x15f: {  	_ =	swait.ge [sflag:s31], $0x800  }
0x160: {  	[sflag:s31] =	ssyncset.done $0x0  }
0x161: {  	[sflag:s31] =	ssyncadd.s32 $0xFFFFF800  }
0x162: {  	_ =	swait.ge [sflag:s31], $0x800  }
0x163: {  	[sflag:s31] =	ssyncset.done $0x0  }
0x164: {  	[sflag:s31] =	ssyncadd.s32 $0xFFFFF800  }
0x165: {  	_ =	swait.ge [sflag:s31], $0x800  }
0x166: {  	[sflag:s31] =	ssyncset.done $0x0  }
0x167: {  	[sflag:s31] =	ssyncadd.s32 $0xFFFFF800  }
0x168: {  	_ =	swait.ge [sflag:s31], $0x800  }
0x169: {  	[sflag:s31] =	ssyncset.done $0x0  }
0x16a: {  	s4 =	simm.s32 $0x0;
	[sflag:s31] =	ssyncadd.s32 $0xFFFFF800  }
0x16b: {  	v0 =	vld [tilespmem:s4+$0x6900]  }
0x16c: {  	v1 =	vld [tilespmem:s4+$0x7100]  }
0x16d: {  	v3 =	vld [tilespmem:s4+$0x7900]  }
0x16e: {  	v4 =	vld [tilespmem:s4+$0x8100]  }
0x16f: {  	v5 =	vld [tilespmem:s4+$0x8900]  }
0x170: {  	v6 =	vld [tilespmem:s4+$0x9100]  }
0x171: {  	v7 =	vld [tilespmem:s4+$0x9900]  }
0x172: {  	v8 =	vld [tilespmem:s4+$0xA100]  }
0x173: {  	v2 =	vld [tilespmem:s4+$0xA900];
	v3 =	vadd.f32 v3, v0;
	v1 =	vadd.f32 v4, v1  }
0x174: {  	s5 =	simm.s32 $0x10;
	v4 =	vld [tilespmem:s4+$0xB100]  }
0x175: {  	v0 =	vld [tilespmem:s5+$0x6900];
	v5 =	vadd.f32 v5, v3;
	v63 =	vadd.f32 v6, v1  }
0x176: {  	v1 =	vld [tilespmem:s5+$0x7100]  }
0x177: {  	v3 =	vld [tilespmem:s5+$0x7900];
	v6 =	vadd.f32 v7, v5;
	v7 =	vadd.f32 v8, v63  }
0x178: {  	s6 =	simm.s32 $0x80;
	v5 =	vld [tilespmem:s4+$0xB900]  }
.LBB2_8:
0x179: {  	p0 =	sne.s32 s6, $0x1FC0;
	v8 =	vld [tilespmem:s5+$0x8100];
	v2 =	vadd.f32 v2, v6;
	v4 =	vadd.f32 v4, v7  }
0x17a: {  	v6 =	vld [tilespmem:s5+$0x8900]  }
0x17b: {  	v7 =	vld [tilespmem:s5+$0x9100];
	v2 =	vadd.f32 v4, v2  }
0x17c: {  	v9 =	vld [tilespmem:s5+$0x9900]  }
0x17d: {  	v10 =	vld [tilespmem:s5+$0xA100];
	v5 =	vadd.f32 v2, v5  }
0x17e: {  	v3 =	vadd.f32 v3, v0;
	v1 =	vadd.f32 v8, v1;
	v2 =	vld [tilespmem:s5+$0xA900]  }
.Ltmp3:
0x17f: {  	v4 =	vld [tilespmem:s5+$0xB100];
	[tilespmem:s4+$0xB900] =	vst v5;
	s4 =	smov.u32 s5;
	s5 =	sshra.s32 s6, $0x2;
	(pc) =	sbr.rel @p0 .LBB2_8-.Ltmp3, $4  }
0x180: {  	v5 =	vadd.f32 v6, v3;
	v0 =	vld [tilespmem:s5+$0x6900];
	v7 =	vadd.f32 v7, v1  }
0x181: {  	v1 =	vld [tilespmem:s5+$0x7100]  }
0x182: {  	v6 =	vadd.f32 v9, v5;
	v3 =	vld [tilespmem:s5+$0x7900];
	v7 =	vadd.f32 v10, v7  }
0x183: {  	s6 =	sadd.s32 $0x40, s6;
	v5 =	vld [tilespmem:s4+$0xB900]  }
0x184: {  	v8 =	vld [tilespmem:s5+$0x8100]  }
0x185: {  	v9 =	vld [tilespmem:s5+$0x8900]  }
0x186: {  	v2 =	vadd.f32 v2, v6;
	v4 =	vadd.f32 v4, v7;
	v6 =	vld [tilespmem:s5+$0x9100]  }
0x187: {  	v7 =	vld [tilespmem:s5+$0x9900]  }
0x188: {  	v2 =	vadd.f32 v4, v2;
	v4 =	vld [tilespmem:s5+$0xA100]  }
0x189: {  	v0 =	vadd.f32 v3, v0;
	v3 =	vld [tilespmem:s5+$0xA900];
	v1 =	vadd.f32 v8, v1  }
0x18a: {  	v2 =	vadd.f32 v2, v5;
	v5 =	vld [tilespmem:s5+$0xB100]  }
0x18b: {  	v0 =	vadd.f32 v9, v0;
	v1 =	vadd.f32 v6, v1;
	_ =	sdelay $0x1  }
0x18c: {  	[tilespmem:s4+$0xB900] =	vst v2;
	v0 =	vadd.f32 v7, v0;
	v1 =	vadd.f32 v4, v1  }
0x18d: {  	v2 =	vld [tilespmem:s5+$0xB900]  }
0x18e: {  	v0 =	vadd.f32 v3, v0;
	v1 =	vadd.f32 v5, v1;
	_ =	sdelay $0x1  }
0x18f: {  	v0 =	vadd.f32 v1, v0;
	_ =	sdelay $0x1  }
0x190: {  	v0 =	vadd.f32 v0, v2;
	_ =	sdelay $0x1  }
0x191: {  	[tilespmem:s5+$0xB900] =	vst v0  }
0x192: {  	_ =	swait.ge [sflag:s22], $0x800  }
0x193: {  	[sflag:s22] =	ssyncset.done $0x0  }
0x194: {  	[sflag:s22] =	ssyncadd.s32 $0xFFFFF800  }
0x195: {  	_ =	swait.ge [sflag:s22], $0x800  }
0x196: {  	[sflag:s22] =	ssyncset.done $0x0  }
0x197: {  	[sflag:s22] =	ssyncadd.s32 $0xFFFFF800  }
0x198: {  	_ =	swait.ge [sflag:s22], $0x800  }
0x199: {  	[sflag:s22] =	ssyncset.done $0x0  }
0x19a: {  	[sflag:s22] =	ssyncadd.s32 $0xFFFFF800  }
0x19b: {  	_ =	swait.ge [sflag:s22], $0x800  }
0x19c: {  	[sflag:s22] =	ssyncset.done $0x0  }
0x19d: {  	[sflag:s22] =	ssyncadd.s32 $0xFFFFF800  }
0x19e: {  	_ =	swait.ge [sflag:s22], $0x800  }
0x19f: {  	[sflag:s22] =	ssyncset.done $0x0  }
0x1a0: {  	[sflag:s22] =	ssyncadd.s32 $0xFFFFF800  }
0x1a1: {  	_ =	swait.ge [sflag:s22], $0x800  }
0x1a2: {  	[sflag:s22] =	ssyncset.done $0x0  }
0x1a3: {  	[sflag:s22] =	ssyncadd.s32 $0xFFFFF800  }
0x1a4: {  	_ =	swait.ge [sflag:s22], $0x800  }
0x1a5: {  	[sflag:s22] =	ssyncset.done $0x0  }
0x1a6: {  	[sflag:s22] =	ssyncadd.s32 $0xFFFFF800  }
0x1a7: {  	_ =	swait.ge [sflag:s22], $0x800  }
0x1a8: {  	[sflag:s22] =	ssyncset.done $0x0  }
0x1a9: {  	[sflag:s22] =	ssyncadd.s32 $0xFFFFF800  }
0x1aa: {  	_ =	swait.ge [sflag:s22], $0x800  }
0x1ab: {  	[sflag:s22] =	ssyncset.done $0x0  }
0x1ac: {  	[sflag:s22] =	ssyncadd.s32 $0xFFFFF800  }
0x1ad: {  	_ =	swait.ge [sflag:s22], $0x800  }
0x1ae: {  	[sflag:s22] =	ssyncset.done $0x0  }
0x1af: {  	s4 =	simm.s32 $0x0;
	[sflag:s22] =	ssyncadd.s32 $0xFFFFF800  }
0x1b0: {  	v0 =	vld [tilespmem:s4+$0x1900]  }
0x1b1: {  	v1 =	vld [tilespmem:s4+$0x2100]  }
0x1b2: {  	v3 =	vld [tilespmem:s4+$0x2900]  }
0x1b3: {  	v4 =	vld [tilespmem:s4+$0x3100]  }
0x1b4: {  	v5 =	vld [tilespmem:s4+$0x3900]  }
0x1b5: {  	v6 =	vld [tilespmem:s4+$0x4100]  }
0x1b6: {  	v7 =	vld [tilespmem:s4+$0x4900]  }
0x1b7: {  	v8 =	vld [tilespmem:s4+$0x5100]  }
0x1b8: {  	v2 =	vld [tilespmem:s4+$0x5900];
	v3 =	vadd.f32 v3, v0;
	v1 =	vadd.f32 v4, v1  }
0x1b9: {  	s5 =	simm.s32 $0x10;
	v4 =	vld [tilespmem:s4+$0x6100]  }
0x1ba: {  	v0 =	vld [tilespmem:s5+$0x1900];
	v5 =	vadd.f32 v5, v3;
	v63 =	vadd.f32 v6, v1  }
0x1bb: {  	v1 =	vld [tilespmem:s5+$0x2100]  }
0x1bc: {  	v3 =	vld [tilespmem:s5+$0x2900];
	v6 =	vadd.f32 v7, v5;
	v7 =	vadd.f32 v8, v63  }
0x1bd: {  	s6 =	simm.s32 $0x80;
	v5 =	vld [tilespmem:s4+$0xB900]  }
.LBB2_10:
0x1be: {  	p0 =	sne.s32 s6, $0x1FC0;
	v8 =	vld [tilespmem:s5+$0x3100];
	v2 =	vadd.f32 v2, v6;
	v4 =	vadd.f32 v4, v7  }
0x1bf: {  	v6 =	vld [tilespmem:s5+$0x3900]  }
0x1c0: {  	v7 =	vld [tilespmem:s5+$0x4100];
	v2 =	vadd.f32 v4, v2  }
0x1c1: {  	v9 =	vld [tilespmem:s5+$0x4900]  }
0x1c2: {  	v10 =	vld [tilespmem:s5+$0x5100];
	v5 =	vadd.f32 v2, v5  }
0x1c3: {  	v3 =	vadd.f32 v3, v0;
	v1 =	vadd.f32 v8, v1;
	v2 =	vld [tilespmem:s5+$0x5900]  }
.Ltmp4:
0x1c4: {  	v4 =	vld [tilespmem:s5+$0x6100];
	[tilespmem:s4+$0xB900] =	vst v5;
	s4 =	smov.u32 s5;
	s5 =	sshra.s32 s6, $0x2;
	(pc) =	sbr.rel @p0 .LBB2_10-.Ltmp4, $4  }
0x1c5: {  	v5 =	vadd.f32 v6, v3;
	v0 =	vld [tilespmem:s5+$0x1900];
	v7 =	vadd.f32 v7, v1  }
0x1c6: {  	v1 =	vld [tilespmem:s5+$0x2100]  }
0x1c7: {  	v6 =	vadd.f32 v9, v5;
	v3 =	vld [tilespmem:s5+$0x2900];
	v7 =	vadd.f32 v10, v7  }
0x1c8: {  	s6 =	sadd.s32 $0x40, s6;
	v5 =	vld [tilespmem:s4+$0xB900]  }
0x1c9: {  	v8 =	vld [tilespmem:s5+$0x3100]  }
0x1ca: {  	v9 =	vld [tilespmem:s5+$0x3900]  }
0x1cb: {  	v2 =	vadd.f32 v2, v6;
	v4 =	vadd.f32 v4, v7;
	v59 =	vld [tilespmem:s5+$0x4100]  }
0x1cc: {  	v60 =	vld [tilespmem:s5+$0x4900]  }
0x1cd: {  	v61 =	vld [tilespmem:s5+$0x5100];
	v2 =	vadd.f32 v4, v2  }
0x1ce: {  	v62 =	vld [tilespmem:s5+$0x5900];
	v0 =	vadd.f32 v3, v0;
	v1 =	vadd.f32 v8, v1  }
0x1cf: {  	v63 =	vld [tilespmem:s5+$0x6100];
	v2 =	vadd.f32 v2, v5  }
0x1d0: {  	v0 =	vadd.f32 v9, v0;
	v1 =	vadd.f32 v59, v1;
	_ =	sdelay $0x1  }
0x1d1: {  	[tilespmem:s4+$0xB900] =	vst v2;
	v0 =	vadd.f32 v60, v0;
	v1 =	vadd.f32 v61, v1  }
0x1d2: {  	v2 =	vld [tilespmem:s5+$0xB900]  }
0x1d3: {  	v0 =	vadd.f32 v62, v0;
	v1 =	vadd.f32 v63, v1;
	_ =	sdelay $0x1  }
0x1d4: {  	v0 =	vadd.f32 v1, v0;
	_ =	sdelay $0x1  }
0x1d5: {  	v0 =	vadd.f32 v0, v2;
	_ =	sdelay $0x1  }
0x1d6: {  	s6 =	simm.s32 $0xB900;
	[tilespmem:s5+$0xB900] =	vst v0;
	s5 =	rddreg [dreg:$0x5]  }
0x1d7: {  	[hbm4b:s5+s2] =	stream.linear.scatter [tilespmem:s6], [sflag:$0x3], $0x800, $0x38;
	[tilespmem:$0xC110] =	vst v63  }
0x1d8: {  	_ =	swait.ge [sflag:s10], $0x800  }
0x1d9: {  	s9 =	sadd.s32 $0x1, s9;
	s6 =	rddreg [dreg:$0x6]  }
0x1da: {  	p0 =	sne.s32 s9, s6  }
.Ltmp5:
0x1db: {  	_ = 	snop;
	(pc) =	sbr.rel @p0 .LBB2_1-.Ltmp5, $3  }
0x1dc: {  	_ =	sdelay $0x1  }
0x1dd: {  	[sflag:s10] =	ssyncset.done $0x0  }
0x1de: {  	[sflag:s10] =	ssyncadd.s32 $0xFFFFF800  }
0x1df: {  	_ =	sfence.sel $0x180000  }
0x1e0: {  	[bflag:$0x0] =	sbarrier.arrive $0xFFFF  }
0x1e1: {  	_ =	strace $0x90000047  }
0x1e2: {  	s0 =	stileid.u32;
	[bflag:$0x2] =	sbarrier.arrive $0xFFFF  }
0x1e3: {  	p0 =	sne.s32 s0, $0x0;
	s0 =	rddreg [dreg:$0x2]  }
0x1e4: {  	s0 =	sadd.s32 @!p0 $0x100000, s0  }
0x1e5: {  	[sflag:s0] =	ssyncadd.tile.s32 @!p0 $0x1;
	_ =	shalt  }
.Lfunc_end2:
_tile_overlayer_lowered:
.L_overlay_start_2:
0x1e6: {  	(tag) =	ssettag $0x2  }
0x1e7: {  	s0 =	rddreg [dreg:$0x0];
	s2 =	stileid.u32  }
0x1e8: {  	s1 =	rddreg [dreg:$0x1];
	p0 =	sne.s32 s2, $0x0  }
0x1e9: {  	s3 =	rddreg [dreg:$0x2];
	[bflag:$0x3] =	sbarrier.arrive $0xFFFF;
	s2 =	simm.s32 @!p0 $0x1C03  }
0x1ea: {  	[timem:s3], [sflag:s2] =	dma.local @!p0 [hbm:s0], s1  }
0x1eb: {  	s0 =	simm.s32 @!p0 $0x3  }
0x1ec: {  	_ =	swait.ge @!p0 [sflag:s0], s1  }
0x1ed: {  	s1 =	ssub.s32 @!p0 $0x0, s1;
	[sflag:s0] =	ssyncset.done @!p0 $0x0  }
0x1ee: {  	[sflag:s0] =	ssyncadd.s32 @!p0 s1  }
0x1ef: {  	[bflag:$0x3] =	sbarrier.arrive $0xFFFF  }
0x1f0: {  	_ =	shalt  }

</sc_bundles>
